<compile_context>
chip_gen: v7x
topology: tpu7x:2x2x1
jax: 0.10.2.dev20260603
libtpu: 0.0.44.dev20260713+nightly
codegen_flags: <defaults>
</compile_context>

<pallas_src>
import jax
import jax.numpy as jnp
from jax import lax
from jax.experimental import pallas as pl
from jax.experimental.pallas import tpu as pltpu
from jax.experimental.pallas import tpu_sc as plsc

N_DRUG = 100000
N_SIDE = 100000
D = 128
TH = 24
B = 10000

NW = 32
BP = 10240
NPW = BP // NW
MISS = B + 16

_f32 = jnp.float32
_i32 = jnp.int32

def _sc_mesh():
    return plsc.VectorSubcoreMesh(core_axis_name="c", subcore_axis_name="s",
                                  num_cores=2, num_subcores=16)


def _wid():
    return lax.axis_index("s") * 2 + lax.axis_index("c")


def _gather_nodes_body(nodes_hbm, adj_hbm, drug_hbm, neigh_out, drug_out,
                       idx_v, adj_v, row_v, sem_a, sem_d):
    base = _wid() * NPW
    pltpu.sync_copy(nodes_hbm.at[pl.ds(base, NPW)], idx_v)
    cp_a = pltpu.async_copy(adj_hbm.at[idx_v], adj_v, sem_a)
    cp_d = pltpu.async_copy(drug_hbm.at[idx_v], row_v, sem_d)
    cp_a.wait()
    pltpu.sync_copy(adj_v, neigh_out.at[pl.ds(base, NPW), :])
    cp_d.wait()
    pltpu.sync_copy(row_v, drug_out.at[pl.ds(base, NPW), :])


def _gather_nodes(nodes_pad, adj, drug_w):
    return pl.kernel(
        _gather_nodes_body,
        out_type=(
            jax.ShapeDtypeStruct((BP, TH), _i32),
            jax.ShapeDtypeStruct((BP, D), _f32),
        ),
        mesh=_sc_mesh(),
        scratch_types=(
            pltpu.VMEM((NPW,), _i32),
            pltpu.VMEM((NPW, TH), _i32),
            pltpu.VMEM((NPW, D), _f32),
            pltpu.SemaphoreType.DMA,
            pltpu.SemaphoreType.DMA,
        ),
        compiler_params=pltpu.CompilerParams(use_tc_tiling_on_sc=False),
    )(nodes_pad, adj, drug_w)


IPW = BP * TH // NW
CH = 384
NCH = IPW // CH


def _gather_side_body(nidx_hbm, side_hbm, out_hbm,
                      idx0, idx1, buf0, buf1, sem0, sem1):
    base = _wid() * IPW
    idx = (idx0, idx1)
    buf = (buf0, buf1)
    sem = (sem0, sem1)

    def start(ci):
        k = ci % 2
        off = base + ci * CH
        pltpu.sync_copy(nidx_hbm.at[pl.ds(off, CH)], idx[k])
        return pltpu.async_copy(side_hbm.at[idx[k]], buf[k], sem[k])

    cp = start(0)
    for ci in range(NCH):
        nxt = start(ci + 1) if ci + 1 < NCH else None
        cp.wait()
        pltpu.sync_copy(buf[ci % 2], out_hbm.at[pl.ds(base + ci * CH, CH), :])
        cp = nxt


def _gather_side(neigh_flat, side_w):
    return pl.kernel(
        _gather_side_body,
        out_type=jax.ShapeDtypeStruct((BP * TH, D), _f32),
        mesh=_sc_mesh(),
        scratch_types=(
            pltpu.VMEM((CH,), _i32),
            pltpu.VMEM((CH,), _i32),
            pltpu.VMEM((CH, D), _f32),
            pltpu.VMEM((CH, D), _f32),
            pltpu.SemaphoreType.DMA,
            pltpu.SemaphoreType.DMA,
        ),
        compiler_params=pltpu.CompilerParams(use_tc_tiling_on_sc=False),
    )(neigh_flat, side_w)


NB = 128
GRID = BP // NB


def _dense_body(drug, side, Wu, bu, Wi, bi, Wa1, ba1, wa2,
                nf_out, agg_out, wia_s, cb_s, w2m_s):
    i = pl.program_id(0)

    @pl.when(i == 0)
    def _():
        wia_s[...] = jnp.dot(Wi[...], Wa1[0:D, :], preferred_element_type=_f32)
        cb_s[...] = ba1[...] + jnp.dot(bi[...], Wa1[0:D, :],
                                       preferred_element_type=_f32)
        w2m_s[...] = jnp.broadcast_to(wa2[...], (D, D))

    nf = jnp.dot(drug[...], Wu[...], preferred_element_type=_f32) + bu[...]
    nf_out[...] = nf
    cvec = jnp.dot(nf, Wa1[D:2 * D, :], preferred_element_type=_f32) + cb_s[...]
    G = jnp.dot(side[...], wia_s[...], preferred_element_type=_f32)
    h3 = jnp.maximum(G.reshape(NB, TH, D) + cvec[:, None, :], 0.0)
    sb3 = jnp.dot(h3.reshape(NB * TH, D), w2m_s[...],
                  preferred_element_type=_f32).reshape(NB, TH, D)
    m = jnp.max(sb3, axis=1, keepdims=True)
    e3 = jnp.exp(sb3 - m)
    den = jnp.sum(e3, axis=1)
    raw3 = side[...].reshape(NB, TH, D)
    ws = jnp.sum(e3 * raw3, axis=1) / den
    agg = jnp.dot(ws, Wi[...], preferred_element_type=_f32) + bi[...]
    rows = i * NB + lax.broadcasted_iota(_i32, (NB, 1), 0)
    agg_out[...] = jnp.where(rows < B, agg, 0.0)


def _dense(drug_rows, side_rows, Wu, bu, Wi, bi, Wa1, ba1, wa2):
    full = lambda i: (0, 0)
    blk = lambda i: (i, 0)
    return pl.pallas_call(
        _dense_body,
        grid=(GRID,),
        in_specs=[
            pl.BlockSpec((NB, D), blk),
            pl.BlockSpec((NB * TH, D), blk),
            pl.BlockSpec((D, D), full),
            pl.BlockSpec((1, D), full),
            pl.BlockSpec((D, D), full),
            pl.BlockSpec((1, D), full),
            pl.BlockSpec((2 * D, D), full),
            pl.BlockSpec((1, D), full),
            pl.BlockSpec((D, 1), full),
        ],
        out_specs=[
            pl.BlockSpec((NB, D), blk),
            pl.BlockSpec((NB, D), blk),
        ],
        out_shape=[
            jax.ShapeDtypeStruct((BP, D), _f32),
            jax.ShapeDtypeStruct((BP, D), _f32),
        ],
        scratch_shapes=[
            pltpu.VMEM((D, D), _f32),
            pltpu.VMEM((1, D), _f32),
            pltpu.VMEM((D, D), _f32),
        ],
    )(drug_rows, side_rows, Wu, bu, Wi, bi, Wa1, ba1, wa2)


SW = 25
STR = N_DRUG // SW
CH3 = 800
NCH3 = STR // CH3


def _scatter_body(nodes_hbm, agg_hbm, out_hbm, nodes_v, pos_v, buf_v, sem):
    w = _wid()

    @pl.when(w < SW)
    def _():
        lo = w * STR
        pltpu.sync_copy(nodes_hbm, nodes_v)

        def init_body(k, carry):
            pos_v[pl.ds(k * 16, 16)] = jnp.full((16,), MISS, _i32)
            return carry

        lax.fori_loop(0, STR // 16, init_body, 0)

        def scan_body(j, carry):
            v = nodes_v[pl.ds(j * 16, 16)]
            local = v - lo
            msk = (local >= 0) & (local < STR)
            local = jnp.clip(local, 0, STR - 1)
            jid = j * 16 + lax.iota(_i32, 16)
            plsc.store_scatter(pos_v, [local], jid, mask=msk)
            return carry

        lax.fori_loop(0, B // 16, scan_body, 0)

        for ci in range(NCH3):
            cp = pltpu.async_copy(
                agg_hbm.at[pos_v.at[pl.ds(ci * CH3, CH3)]], buf_v, sem)
            cp.wait()
            pltpu.sync_copy(buf_v, out_hbm.at[pl.ds(lo + ci * CH3, CH3), :])


def _scatter(nodes, agg):
    return pl.kernel(
        _scatter_body,
        out_type=jax.ShapeDtypeStruct((N_DRUG, D), _f32),
        mesh=_sc_mesh(),
        scratch_types=(
            pltpu.VMEM((B,), _i32),
            pltpu.VMEM((STR,), _i32),
            pltpu.VMEM((CH3, D), _f32),
            pltpu.SemaphoreType.DMA,
        ),
        compiler_params=pltpu.CompilerParams(needs_layout_passes=False,
                                             use_tc_tiling_on_sc=False),
    )(nodes, agg)


def kernel(nodes, adj_neighbors, drug_weight, side_weight,
           Wu, bu, Wi, bi, Wa1, ba1, Wa2, ba2):
    nodes = nodes.astype(_i32)
    nodes_pad = jnp.concatenate([nodes, jnp.zeros((BP - B,), _i32)])
    neigh2d, drug_rows = _gather_nodes(nodes_pad, adj_neighbors.astype(_i32),
                                       drug_weight)
    side_rows = _gather_side(neigh2d.reshape(-1), side_weight)
    nf_pad, agg = _dense(drug_rows, side_rows, Wu,
                         bu.reshape(1, D), Wi, bi.reshape(1, D),
                         Wa1, ba1.reshape(1, D), Wa2)
    embed = _scatter(nodes, agg)
    return nf_pad[:B], embed

# --- scband reference (transcript-rebuilt; emitter-appended) ---
"""Pipeline reference for scband-aggregator-16922171146281 (READ-ONLY COPY).

The authoritative reference and input builder live on the scoring server;
editing this copy changes nothing except your own understanding.
"""

import jax, jax.numpy as jnp
import numpy as np

N_DRUG = 100000
N_SIDE = 100000
D_IN = 128
EMBED = 128
THRESH = 24
B = 10000

def setup_inputs(seed: int = 0) -> dict:
    key = jax.random.key(seed)
    ks = jax.random.split(key, 12)
    return {
        "nodes": jax.random.randint(ks[0], (B,), 0, N_DRUG),
        "adj_neighbors": jax.random.randint(ks[1], (N_DRUG, THRESH), 0, N_SIDE),
        "drug_weight": jax.random.normal(ks[2], (N_DRUG, D_IN), jnp.float32) * 0.05,
        "side_weight": jax.random.normal(ks[3], (N_SIDE, D_IN), jnp.float32) * 0.05,
        "Wu": jax.random.normal(ks[4], (D_IN, EMBED), jnp.float32) * 0.05,
        "bu": jnp.zeros((EMBED,), jnp.float32),
        "Wi": jax.random.normal(ks[5], (D_IN, EMBED), jnp.float32) * 0.05,
        "bi": jnp.zeros((EMBED,), jnp.float32),
        "Wa1": jax.random.normal(ks[6], (2 * EMBED, EMBED), jnp.float32) * 0.05,
        "ba1": jnp.zeros((EMBED,), jnp.float32),
        "Wa2": jax.random.normal(ks[7], (EMBED, 1), jnp.float32) * 0.05,
        "ba2": jnp.zeros((1,), jnp.float32),
    }

def reference(nodes, adj_neighbors, drug_weight, side_weight, Wu, bu, Wi, bi, Wa1, ba1, Wa2, ba2):
    # nodes_fea = u_layer(drug_feature.weight[nodes])  (L0Dense in eval mode == linear)
    nodes_fea = jnp.take(drug_weight, nodes, axis=0) @ Wu + bu  # [B, EMBED]
    # per-node neighbor set (fixed threshold=24, matching module's sampling cap)
    neigh_idx = jnp.take(adj_neighbors, nodes, axis=0)          # [B, 24]
    # neighs_feature = i_layer(side_feature.weight[interactions])
    neighs_fea = jnp.take(side_weight, neigh_idx, axis=0) @ Wi + bi  # [B, 24, EMBED]
    # attention(neighs_feature, node_feature, times): MLP over [neigh; node] then softmax
    node_rep = jnp.broadcast_to(nodes_fea[:, None, :], neighs_fea.shape)
    x = jnp.concatenate([neighs_fea, node_rep], axis=-1)        # [B, 24, 2*EMBED]
    h = jax.nn.relu(x @ Wa1 + ba1)
    scores = x @ jnp.zeros((2 * EMBED, 1), jnp.float32) if False else (h @ Wa2 + ba2)  # [B, 24, 1]
    att_w = jax.nn.softmax(scores, axis=1)
    # embedding = neighs_feature.T @ att_w ; embed_matrix[index] = embedding.T
    agg = jnp.sum(att_w * neighs_fea, axis=1)                   # [B, EMBED]
    embed_matrix = jnp.zeros((N_DRUG, EMBED), jnp.float32).at[nodes].set(agg)
    return (nodes_fea, embed_matrix)

if __name__ == "__main__":
    import jax
    _d = setup_inputs()
    print(jax.jit(kernel)(*tuple(_d.values())))

</pallas_src>

<mosaic_0001>
#map = affine_map<(d0, d1) -> (0)>
#map1 = affine_map<(d0, d1) -> (0, 0)>
module attributes {stable_mosaic.version = 14 : i64} {
  func.func @_gather_side_body(%arg0: i32, %arg1: i32, %arg2: memref<245760xi32, #tpu.memory_space<hbm>>, %arg3: memref<100000x128xf32, #tpu.memory_space<hbm>>, %arg4: memref<245760x128xf32, #tpu.memory_space<hbm>>, %arg5: memref<384xi32, #tpu.memory_space<vmem>>, %arg6: memref<384xi32, #tpu.memory_space<vmem>>, %arg7: memref<384x128xf32, #tpu.memory_space<vmem>>, %arg8: memref<384x128xf32, #tpu.memory_space<vmem>>, %arg9: memref<!tpu.dma_semaphore, #tpu.memory_space<semaphore_mem>>, %arg10: memref<!tpu.dma_semaphore, #tpu.memory_space<semaphore_mem>>) attributes {dimension_semantics = [#tpu.dimension_semantics<core_parallel>, #tpu.dimension_semantics<subcore_parallel>], iteration_bounds = array<i64: 2, 16>, scalar_prefetch = 0 : i64, scratch_operands = 6 : i64, tpu.core_type = #tpu.core_type<sc_vector_subcore>, window_params = [{transform_indices = #map}, {transform_indices = #map1}, {transform_indices = #map1}]} {
    %mul3A = arith.constant 2 : i32
    %mul3A_0 = arith.muli %arg1, %mul3A : i32
    %add3A = arith.addi %mul3A_0, %arg0 : i32
    %mul3A_1 = arith.constant 7680 : i32
    %mul3A_2 = arith.muli %add3A, %mul3A_1 : i32
    %add3A_3 = arith.constant 0 : i32
    %add3A_4 = arith.addi %mul3A_2, %add3A_3 : i32
    "tpu.region"() ({
      %run_scoped3A = tpu.sem_alloc : memref<!tpu.dma_semaphore, #tpu.memory_space<semaphore_mem>>
      %dma_start3A_201 = tpu.memref_slice %arg2[%add3A_4] : memref<245760xi32, #tpu.memory_space<hbm>> -> memref<384xi32, #tpu.memory_space<hbm>>
      %dma_start3A_202 = tpu.memref_slice %arg2[%add3A_4] : memref<245760xi32, #tpu.memory_space<hbm>> -> memref<384xi32, #tpu.memory_space<hbm>>
      tpu.enqueue_dma source(%dma_start3A_202 : memref<384xi32, #tpu.memory_space<hbm>>) target(%arg5 : memref<384xi32, #tpu.memory_space<vmem>>) target_semaphore(%run_scoped3A : memref<!tpu.dma_semaphore, #tpu.memory_space<semaphore_mem>>)
      %dma_wait3A_203 = tpu.memref_slice %arg2[%add3A_4] : memref<245760xi32, #tpu.memory_space<hbm>> -> memref<384xi32, #tpu.memory_space<hbm>>
      %dma_wait3A_204 = tpu.memref_slice %arg2[%add3A_4] : memref<245760xi32, #tpu.memory_space<hbm>> -> memref<384xi32, #tpu.memory_space<hbm>>
      tpu.wait_dma2 semaphore(%run_scoped3A : memref<!tpu.dma_semaphore, #tpu.memory_space<semaphore_mem>>) src(%dma_wait3A_204 : memref<384xi32, #tpu.memory_space<hbm>>) dst(%arg5 : memref<384xi32, #tpu.memory_space<vmem>>)
      tpu.yield
    }) : () -> ()
    %dma_start3A = arith.constant 0 : i32
    %dma_start3A_5 = arith.constant 0 : i32
    %dma_start3A_6 = tpu.memref_slice %arg3[%dma_start3A, %dma_start3A_5] : memref<100000x128xf32, #tpu.memory_space<hbm>> -> memref<100000x128xf32, #tpu.memory_space<hbm>>
    tpu.enqueue_indirect_dma source(%dma_start3A_6 : memref<100000x128xf32, #tpu.memory_space<hbm>>) target(%arg7 : memref<384x128xf32, #tpu.memory_space<vmem>>) offsets(%arg5 : memref<384xi32, #tpu.memory_space<vmem>>) semaphore(%arg9 : memref<!tpu.dma_semaphore, #tpu.memory_space<semaphore_mem>>)
    %add3A_7 = arith.constant 384 : i32
    %add3A_8 = arith.addi %mul3A_2, %add3A_7 : i32
    "tpu.region"() ({
      %run_scoped3A = tpu.sem_alloc : memref<!tpu.dma_semaphore, #tpu.memory_space<semaphore_mem>>
      %dma_start3A_201 = tpu.memref_slice %arg2[%add3A_8] : memref<245760xi32, #tpu.memory_space<hbm>> -> memref<384xi32, #tpu.memory_space<hbm>>
      %dma_start3A_202 = tpu.memref_slice %arg2[%add3A_8] : memref<245760xi32, #tpu.memory_space<hbm>> -> memref<384xi32, #tpu.memory_space<hbm>>
      tpu.enqueue_dma source(%dma_start3A_202 : memref<384xi32, #tpu.memory_space<hbm>>) target(%arg6 : memref<384xi32, #tpu.memory_space<vmem>>) target_semaphore(%run_scoped3A : memref<!tpu.dma_semaphore, #tpu.memory_space<semaphore_mem>>)
      %dma_wait3A_203 = tpu.memref_slice %arg2[%add3A_8] : memref<245760xi32, #tpu.memory_space<hbm>> -> memref<384xi32, #tpu.memory_space<hbm>>
      %dma_wait3A_204 = tpu.memref_slice %arg2[%add3A_8] : memref<245760xi32, #tpu.memory_space<hbm>> -> memref<384xi32, #tpu.memory_space<hbm>>
      tpu.wait_dma2 semaphore(%run_scoped3A : memref<!tpu.dma_semaphore, #tpu.memory_space<semaphore_mem>>) src(%dma_wait3A_204 : memref<384xi32, #tpu.memory_space<hbm>>) dst(%arg6 : memref<384xi32, #tpu.memory_space<vmem>>)
      tpu.yield
    }) : () -> ()
    %dma_start3A_9 = arith.constant 0 : i32
    %dma_start3A_10 = arith.constant 0 : i32
    %dma_start3A_11 = tpu.memref_slice %arg3[%dma_start3A_9, %dma_start3A_10] : memref<100000x128xf32, #tpu.memory_space<hbm>> -> memref<100000x128xf32, #tpu.memory_space<hbm>>
    tpu.enqueue_indirect_dma source(%dma_start3A_11 : memref<100000x128xf32, #tpu.memory_space<hbm>>) target(%arg8 : memref<384x128xf32, #tpu.memory_space<vmem>>) offsets(%arg6 : memref<384xi32, #tpu.memory_space<vmem>>) semaphore(%arg10 : memref<!tpu.dma_semaphore, #tpu.memory_space<semaphore_mem>>)
    %dma_wait3A = arith.constant 0 : i32
    %dma_wait3A_12 = arith.constant 0 : i32
    %dma_wait3A_13 = tpu.memref_slice %arg3[%dma_wait3A, %dma_wait3A_12] : memref<100000x128xf32, #tpu.memory_space<hbm>> -> memref<100000x128xf32, #tpu.memory_space<hbm>>
    tpu.wait_indirect_dma semaphore(%arg9 : memref<!tpu.dma_semaphore, #tpu.memory_space<semaphore_mem>>) src(%dma_wait3A_13 : memref<100000x128xf32, #tpu.memory_space<hbm>>) dst(%arg7 : memref<384x128xf32, #tpu.memory_space<vmem>>)
    %add3A_14 = arith.constant 0 : i32
    %add3A_15 = arith.addi %mul3A_2, %add3A_14 : i32
    "tpu.region"() ({
      %run_scoped3A = tpu.sem_alloc : memref<!tpu.dma_semaphore, #tpu.memory_space<semaphore_mem>>
      %dma_start3A_201 = arith.constant 0 : i32
      %dma_start3A_202 = tpu.memref_slice %arg4[%add3A_15, %dma_start3A_201] : memref<245760x128xf32, #tpu.memory_space<hbm>> -> memref<384x128xf32, #tpu.memory_space<hbm>>
      %dma_start3A_203 = arith.constant 0 : i32
      %dma_start3A_204 = tpu.memref_slice %arg4[%add3A_15, %dma_start3A_203] : memref<245760x128xf32, #tpu.memory_space<hbm>> -> memref<384x128xf32, #tpu.memory_space<hbm>>
      tpu.enqueue_dma source(%arg7 : memref<384x128xf32, #tpu.memory_space<vmem>>) target(%dma_start3A_204 : memref<384x128xf32, #tpu.memory_space<hbm>>) target_semaphore(%run_scoped3A : memref<!tpu.dma_semaphore, #tpu.memory_space<semaphore_mem>>)
      %dma_wait3A_205 = arith.constant 0 : i32
      %dma_wait3A_206 = tpu.memref_slice %arg4[%add3A_15, %dma_wait3A_205] : memref<245760x128xf32, #tpu.memory_space<hbm>> -> memref<384x128xf32, #tpu.memory_space<hbm>>
      %dma_wait3A_207 = arith.constant 0 : i32
      %dma_wait3A_208 = tpu.memref_slice %arg4[%add3A_15, %dma_wait3A_207] : memref<245760x128xf32, #tpu.memory_space<hbm>> -> memref<384x128xf32, #tpu.memory_space<hbm>>
      tpu.wait_dma2 semaphore(%run_scoped3A : memref<!tpu.dma_semaphore, #tpu.memory_space<semaphore_mem>>) src(%arg7 : memref<384x128xf32, #tpu.memory_space<vmem>>) dst(%dma_wait3A_208 : memref<384x128xf32, #tpu.memory_space<hbm>>)
      tpu.yield
    }) : () -> ()
    %add3A_16 = arith.constant 768 : i32
    %add3A_17 = arith.addi %mul3A_2, %add3A_16 : i32
    "tpu.region"() ({
      %run_scoped3A = tpu.sem_alloc : memref<!tpu.dma_semaphore, #tpu.memory_space<semaphore_mem>>
      %dma_start3A_201 = tpu.memref_slice %arg2[%add3A_17] : memref<245760xi32, #tpu.memory_space<hbm>> -> memref<384xi32, #tpu.memory_space<hbm>>
      %dma_start3A_202 = tpu.memref_slice %arg2[%add3A_17] : memref<245760xi32, #tpu.memory_space<hbm>> -> memref<384xi32, #tpu.memory_space<hbm>>
      tpu.enqueue_dma source(%dma_start3A_202 : memref<384xi32, #tpu.memory_space<hbm>>) target(%arg5 : memref<384xi32, #tpu.memory_space<vmem>>) target_semaphore(%run_scoped3A : memref<!tpu.dma_semaphore, #tpu.memory_space<semaphore_mem>>)
      %dma_wait3A_203 = tpu.memref_slice %arg2[%add3A_17] : memref<245760xi32, #tpu.memory_space<hbm>> -> memref<384xi32, #tpu.memory_space<hbm>>
      %dma_wait3A_204 = tpu.memref_slice %arg2[%add3A_17] : memref<245760xi32, #tpu.memory_space<hbm>> -> memref<384xi32, #tpu.memory_space<hbm>>
      tpu.wait_dma2 semaphore(%run_scoped3A : memref<!tpu.dma_semaphore, #tpu.memory_space<semaphore_mem>>) src(%dma_wait3A_204 : memref<384xi32, #tpu.memory_space<hbm>>) dst(%arg5 : memref<384xi32, #tpu.memory_space<vmem>>)
      tpu.yield
    }) : () -> ()
    %dma_start3A_18 = arith.constant 0 : i32
    %dma_start3A_19 = arith.constant 0 : i32
    %dma_start3A_20 = tpu.memref_slice %arg3[%dma_start3A_18, %dma_start3A_19] : memref<100000x128xf32, #tpu.memory_space<hbm>> -> memref<100000x128xf32, #tpu.memory_space<hbm>>
    tpu.enqueue_indirect_dma source(%dma_start3A_20 : memref<100000x128xf32, #tpu.memory_space<hbm>>) target(%arg7 : memref<384x128xf32, #tpu.memory_space<vmem>>) offsets(%arg5 : memref<384xi32, #tpu.memory_space<vmem>>) semaphore(%arg9 : memref<!tpu.dma_semaphore, #tpu.memory_space<semaphore_mem>>)
    %dma_wait3A_21 = arith.constant 0 : i32
    %dma_wait3A_22 = arith.constant 0 : i32
    %dma_wait3A_23 = tpu.memref_slice %arg3[%dma_wait3A_21, %dma_wait3A_22] : memref<100000x128xf32, #tpu.memory_space<hbm>> -> memref<100000x128xf32, #tpu.memory_space<hbm>>
    tpu.wait_indirect_dma semaphore(%arg10 : memref<!tpu.dma_semaphore, #tpu.memory_space<semaphore_mem>>) src(%dma_wait3A_23 : memref<100000x128xf32, #tpu.memory_space<hbm>>) dst(%arg8 : memref<384x128xf32, #tpu.memory_space<vmem>>)
    %add3A_24 = arith.constant 384 : i32
    %add3A_25 = arith.addi %mul3A_2, %add3A_24 : i32
    "tpu.region"() ({
      %run_scoped3A = tpu.sem_alloc : memref<!tpu.dma_semaphore, #tpu.memory_space<semaphore_mem>>
      %dma_start3A_201 = arith.constant 0 : i32
      %dma_start3A_202 = tpu.memref_slice %arg4[%add3A_25, %dma_start3A_201] : memref<245760x128xf32, #tpu.memory_space<hbm>> -> memref<384x128xf32, #tpu.memory_space<hbm>>
      %dma_start3A_203 = arith.constant 0 : i32
      %dma_start3A_204 = tpu.memref_slice %arg4[%add3A_25, %dma_start3A_203] : memref<245760x128xf32, #tpu.memory_space<hbm>> -> memref<384x128xf32, #tpu.memory_space<hbm>>
      tpu.enqueue_dma source(%arg8 : memref<384x128xf32, #tpu.memory_space<vmem>>) target(%dma_start3A_204 : memref<384x128xf32, #tpu.memory_space<hbm>>) target_semaphore(%run_scoped3A : memref<!tpu.dma_semaphore, #tpu.memory_space<semaphore_mem>>)
      %dma_wait3A_205 = arith.constant 0 : i32
      %dma_wait3A_206 = tpu.memref_slice %arg4[%add3A_25, %dma_wait3A_205] : memref<245760x128xf32, #tpu.memory_space<hbm>> -> memref<384x128xf32, #tpu.memory_space<hbm>>
      %dma_wait3A_207 = arith.constant 0 : i32
      %dma_wait3A_208 = tpu.memref_slice %arg4[%add3A_25, %dma_wait3A_207] : memref<245760x128xf32, #tpu.memory_space<hbm>> -> memref<384x128xf32, #tpu.memory_space<hbm>>
      tpu.wait_dma2 semaphore(%run_scoped3A : memref<!tpu.dma_semaphore, #tpu.memory_space<semaphore_mem>>) src(%arg8 : memref<384x128xf32, #tpu.memory_space<vmem>>) dst(%dma_wait3A_208 : memref<384x128xf32, #tpu.memory_space<hbm>>)
      tpu.yield
    }) : () -> ()
    %add3A_26 = arith.constant 1152 : i32
    %add3A_27 = arith.addi %mul3A_2, %add3A_26 : i32
    "tpu.region"() ({
      %run_scoped3A = tpu.sem_alloc : memref<!tpu.dma_semaphore, #tpu.memory_space<semaphore_mem>>
      %dma_start3A_201 = tpu.memref_slice %arg2[%add3A_27] : memref<245760xi32, #tpu.memory_space<hbm>> -> memref<384xi32, #tpu.memory_space<hbm>>
      %dma_start3A_202 = tpu.memref_slice %arg2[%add3A_27] : memref<245760xi32, #tpu.memory_space<hbm>> -> memref<384xi32, #tpu.memory_space<hbm>>
      tpu.enqueue_dma source(%dma_start3A_202 : memref<384xi32, #tpu.memory_space<hbm>>) target(%arg6 : memref<384xi32, #tpu.memory_space<vmem>>) target_semaphore(%run_scoped3A : memref<!tpu.dma_semaphore, #tpu.memory_space<semaphore_mem>>)
      %dma_wait3A_203 = tpu.memref_slice %arg2[%add3A_27] : memref<245760xi32, #tpu.memory_space<hbm>> -> memref<384xi32, #tpu.memory_space<hbm>>
      %dma_wait3A_204 = tpu.memref_slice %arg2[%add3A_27] : memref<245760xi32, #tpu.memory_space<hbm>> -> memref<384xi32, #tpu.memory_space<hbm>>
      tpu.wait_dma2 semaphore(%run_scoped3A : memref<!tpu.dma_semaphore, #tpu.memory_space<semaphore_mem>>) src(%dma_wait3A_204 : memref<384xi32, #tpu.memory_space<hbm>>) dst(%arg6 : memref<384xi32, #tpu.memory_space<vmem>>)
      tpu.yield
    }) : () -> ()
    %dma_start3A_28 = arith.constant 0 : i32
    %dma_start3A_29 = arith.constant 0 : i32
    %dma_start3A_30 = tpu.memref_slice %arg3[%dma_start3A_28, %dma_start3A_29] : memref<100000x128xf32, #tpu.memory_space<hbm>> -> memref<100000x128xf32, #tpu.memory_space<hbm>>
    tpu.enqueue_indirect_dma source(%dma_start3A_30 : memref<100000x128xf32, #tpu.memory_space<hbm>>) target(%arg8 : memref<384x128xf32, #tpu.memory_space<vmem>>) offsets(%arg6 : memref<384xi32, #tpu.memory_space<vmem>>) semaphore(%arg10 : memref<!tpu.dma_semaphore, #tpu.memory_space<semaphore_mem>>)
    %dma_wait3A_31 = arith.constant 0 : i32
    %dma_wait3A_32 = arith.constant 0 : i32
    %dma_wait3A_33 = tpu.memref_slice %arg3[%dma_wait3A_31, %dma_wait3A_32] : memref<100000x128xf32, #tpu.memory_space<hbm>> -> memref<100000x128xf32, #tpu.memory_space<hbm>>
    tpu.wait_indirect_dma semaphore(%arg9 : memref<!tpu.dma_semaphore, #tpu.memory_space<semaphore_mem>>) src(%dma_wait3A_33 : memref<100000x128xf32, #tpu.memory_space<hbm>>) dst(%arg7 : memref<384x128xf32, #tpu.memory_space<vmem>>)
    %add3A_34 = arith.constant 768 : i32
    %add3A_35 = arith.addi %mul3A_2, %add3A_34 : i32
    "tpu.region"() ({
      %run_scoped3A = tpu.sem_alloc : memref<!tpu.dma_semaphore, #tpu.memory_space<semaphore_mem>>
      %dma_start3A_201 = arith.constant 0 : i32
      %dma_start3A_202 = tpu.memref_slice %arg4[%add3A_35, %dma_start3A_201] : memref<245760x128xf32, #tpu.memory_space<hbm>> -> memref<384x128xf32, #tpu.memory_space<hbm>>
      %dma_start3A_203 = arith.constant 0 : i32
      %dma_start3A_204 = tpu.memref_slice %arg4[%add3A_35, %dma_start3A_203] : memref<245760x128xf32, #tpu.memory_space<hbm>> -> memref<384x128xf32, #tpu.memory_space<hbm>>
      tpu.enqueue_dma source(%arg7 : memref<384x128xf32, #tpu.memory_space<vmem>>) target(%dma_start3A_204 : memref<384x128xf32, #tpu.memory_space<hbm>>) target_semaphore(%run_scoped3A : memref<!tpu.dma_semaphore, #tpu.memory_space<semaphore_mem>>)
      %dma_wait3A_205 = arith.constant 0 : i32
      %dma_wait3A_206 = tpu.memref_slice %arg4[%add3A_35, %dma_wait3A_205] : memref<245760x128xf32, #tpu.memory_space<hbm>> -> memref<384x128xf32, #tpu.memory_space<hbm>>
      %dma_wait3A_207 = arith.constant 0 : i32
      %dma_wait3A_208 = tpu.memref_slice %arg4[%add3A_35, %dma_wait3A_207] : memref<245760x128xf32, #tpu.memory_space<hbm>> -> memref<384x128xf32, #tpu.memory_space<hbm>>
      tpu.wait_dma2 semaphore(%run_scoped3A : memref<!tpu.dma_semaphore, #tpu.memory_space<semaphore_mem>>) src(%arg7 : memref<384x128xf32, #tpu.memory_space<vmem>>) dst(%dma_wait3A_208 : memref<384x128xf32, #tpu.memory_space<hbm>>)
      tpu.yield
    }) : () -> ()
    %add3A_36 = arith.constant 1536 : i32
    %add3A_37 = arith.addi %mul3A_2, %add3A_36 : i32
    "tpu.region"() ({
      %run_scoped3A = tpu.sem_alloc : memref<!tpu.dma_semaphore, #tpu.memory_space<semaphore_mem>>
      %dma_start3A_201 = tpu.memref_slice %arg2[%add3A_37] : memref<245760xi32, #tpu.memory_space<hbm>> -> memref<384xi32, #tpu.memory_space<hbm>>
      %dma_start3A_202 = tpu.memref_slice %arg2[%add3A_37] : memref<245760xi32, #tpu.memory_space<hbm>> -> memref<384xi32, #tpu.memory_space<hbm>>
      tpu.enqueue_dma source(%dma_start3A_202 : memref<384xi32, #tpu.memory_space<hbm>>) target(%arg5 : memref<384xi32, #tpu.memory_space<vmem>>) target_semaphore(%run_scoped3A : memref<!tpu.dma_semaphore, #tpu.memory_space<semaphore_mem>>)
      %dma_wait3A_203 = tpu.memref_slice %arg2[%add3A_37] : memref<245760xi32, #tpu.memory_space<hbm>> -> memref<384xi32, #tpu.memory_space<hbm>>
      %dma_wait3A_204 = tpu.memref_slice %arg2[%add3A_37] : memref<245760xi32, #tpu.memory_space<hbm>> -> memref<384xi32, #tpu.memory_space<hbm>>
      tpu.wait_dma2 semaphore(%run_scoped3A : memref<!tpu.dma_semaphore, #tpu.memory_space<semaphore_mem>>) src(%dma_wait3A_204 : memref<384xi32, #tpu.memory_space<hbm>>) dst(%arg5 : memref<384xi32, #tpu.memory_space<vmem>>)
      tpu.yield
    }) : () -> ()
    %dma_start3A_38 = arith.constant 0 : i32
    %dma_start3A_39 = arith.constant 0 : i32
    %dma_start3A_40 = tpu.memref_slice %arg3[%dma_start3A_38, %dma_start3A_39] : memref<100000x128xf32, #tpu.memory_space<hbm>> -> memref<100000x128xf32, #tpu.memory_space<hbm>>
    tpu.enqueue_indirect_dma source(%dma_start3A_40 : memref<100000x128xf32, #tpu.memory_space<hbm>>) target(%arg7 : memref<384x128xf32, #tpu.memory_space<vmem>>) offsets(%arg5 : memref<384xi32, #tpu.memory_space<vmem>>) semaphore(%arg9 : memref<!tpu.dma_semaphore, #tpu.memory_space<semaphore_mem>>)
    %dma_wait3A_41 = arith.constant 0 : i32
    %dma_wait3A_42 = arith.constant 0 : i32
    %dma_wait3A_43 = tpu.memref_slice %arg3[%dma_wait3A_41, %dma_wait3A_42] : memref<100000x128xf32, #tpu.memory_space<hbm>> -> memref<100000x128xf32, #tpu.memory_space<hbm>>
    tpu.wait_indirect_dma semaphore(%arg10 : memref<!tpu.dma_semaphore, #tpu.memory_space<semaphore_mem>>) src(%dma_wait3A_43 : memref<100000x128xf32, #tpu.memory_space<hbm>>) dst(%arg8 : memref<384x128xf32, #tpu.memory_space<vmem>>)
    %add3A_44 = arith.constant 1152 : i32
    %add3A_45 = arith.addi %mul3A_2, %add3A_44 : i32
    "tpu.region"() ({
      %run_scoped3A = tpu.sem_alloc : memref<!tpu.dma_semaphore, #tpu.memory_space<semaphore_mem>>
      %dma_start3A_201 = arith.constant 0 : i32
      %dma_start3A_202 = tpu.memref_slice %arg4[%add3A_45, %dma_start3A_201] : memref<245760x128xf32, #tpu.memory_space<hbm>> -> memref<384x128xf32, #tpu.memory_space<hbm>>
      %dma_start3A_203 = arith.constant 0 : i32
      %dma_start3A_204 = tpu.memref_slice %arg4[%add3A_45, %dma_start3A_203] : memref<245760x128xf32, #tpu.memory_space<hbm>> -> memref<384x128xf32, #tpu.memory_space<hbm>>
      tpu.enqueue_dma source(%arg8 : memref<384x128xf32, #tpu.memory_space<vmem>>) target(%dma_start3A_204 : memref<384x128xf32, #tpu.memory_space<hbm>>) target_semaphore(%run_scoped3A : memref<!tpu.dma_semaphore, #tpu.memory_space<semaphore_mem>>)
      %dma_wait3A_205 = arith.constant 0 : i32
      %dma_wait3A_206 = tpu.memref_slice %arg4[%add3A_45, %dma_wait3A_205] : memref<245760x128xf32, #tpu.memory_space<hbm>> -> memref<384x128xf32, #tpu.memory_space<hbm>>
      %dma_wait3A_207 = arith.constant 0 : i32
      %dma_wait3A_208 = tpu.memref_slice %arg4[%add3A_45, %dma_wait3A_207] : memref<245760x128xf32, #tpu.memory_space<hbm>> -> memref<384x128xf32, #tpu.memory_space<hbm>>
      tpu.wait_dma2 semaphore(%run_scoped3A : memref<!tpu.dma_semaphore, #tpu.memory_space<semaphore_mem>>) src(%arg8 : memref<384x128xf32, #tpu.memory_space<vmem>>) dst(%dma_wait3A_208 : memref<384x128xf32, #tpu.memory_space<hbm>>)
      tpu.yield
    }) : () -> ()
    %add3A_46 = arith.constant 1920 : i32
    %add3A_47 = arith.addi %mul3A_2, %add3A_46 : i32
    "tpu.region"() ({
      %run_scoped3A = tpu.sem_alloc : memref<!tpu.dma_semaphore, #tpu.memory_space<semaphore_mem>>
      %dma_start3A_201 = tpu.memref_slice %arg2[%add3A_47] : memref<245760xi32, #tpu.memory_space<hbm>> -> memref<384xi32, #tpu.memory_space<hbm>>
      %dma_start3A_202 = tpu.memref_slice %arg2[%add3A_47] : memref<245760xi32, #tpu.memory_space<hbm>> -> memref<384xi32, #tpu.memory_space<hbm>>
      tpu.enqueue_dma source(%dma_start3A_202 : memref<384xi32, #tpu.memory_space<hbm>>) target(%arg6 : memref<384xi32, #tpu.memory_space<vmem>>) target_semaphore(%run_scoped3A : memref<!tpu.dma_semaphore, #tpu.memory_space<semaphore_mem>>)
      %dma_wait3A_203 = tpu.memref_slice %arg2[%add3A_47] : memref<245760xi32, #tpu.memory_space<hbm>> -> memref<384xi32, #tpu.memory_space<hbm>>
      %dma_wait3A_204 = tpu.memref_slice %arg2[%add3A_47] : memref<245760xi32, #tpu.memory_space<hbm>> -> memref<384xi32, #tpu.memory_space<hbm>>
      tpu.wait_dma2 semaphore(%run_scoped3A : memref<!tpu.dma_semaphore, #tpu.memory_space<semaphore_mem>>) src(%dma_wait3A_204 : memref<384xi32, #tpu.memory_space<hbm>>) dst(%arg6 : memref<384xi32, #tpu.memory_space<vmem>>)
      tpu.yield
    }) : () -> ()
    %dma_start3A_48 = arith.constant 0 : i32
    %dma_start3A_49 = arith.constant 0 : i32
    %dma_start3A_50 = tpu.memref_slice %arg3[%dma_start3A_48, %dma_start3A_49] : memref<100000x128xf32, #tpu.memory_space<hbm>> -> memref<100000x128xf32, #tpu.memory_space<hbm>>
    tpu.enqueue_indirect_dma source(%dma_start3A_50 : memref<100000x128xf32, #tpu.memory_space<hbm>>) target(%arg8 : memref<384x128xf32, #tpu.memory_space<vmem>>) offsets(%arg6 : memref<384xi32, #tpu.memory_space<vmem>>) semaphore(%arg10 : memref<!tpu.dma_semaphore, #tpu.memory_space<semaphore_mem>>)
    %dma_wait3A_51 = arith.constant 0 : i32
    %dma_wait3A_52 = arith.constant 0 : i32
    %dma_wait3A_53 = tpu.memref_slice %arg3[%dma_wait3A_51, %dma_wait3A_52] : memref<100000x128xf32, #tpu.memory_space<hbm>> -> memref<100000x128xf32, #tpu.memory_space<hbm>>
    tpu.wait_indirect_dma semaphore(%arg9 : memref<!tpu.dma_semaphore, #tpu.memory_space<semaphore_mem>>) src(%dma_wait3A_53 : memref<100000x128xf32, #tpu.memory_space<hbm>>) dst(%arg7 : memref<384x128xf32, #tpu.memory_space<vmem>>)
    %add3A_54 = arith.constant 1536 : i32
    %add3A_55 = arith.addi %mul3A_2, %add3A_54 : i32
    "tpu.region"() ({
      %run_scoped3A = tpu.sem_alloc : memref<!tpu.dma_semaphore, #tpu.memory_space<semaphore_mem>>
      %dma_start3A_201 = arith.constant 0 : i32
      %dma_start3A_202 = tpu.memref_slice %arg4[%add3A_55, %dma_start3A_201] : memref<245760x128xf32, #tpu.memory_space<hbm>> -> memref<384x128xf32, #tpu.memory_space<hbm>>
      %dma_start3A_203 = arith.constant 0 : i32
      %dma_start3A_204 = tpu.memref_slice %arg4[%add3A_55, %dma_start3A_203] : memref<245760x128xf32, #tpu.memory_space<hbm>> -> memref<384x128xf32, #tpu.memory_space<hbm>>
      tpu.enqueue_dma source(%arg7 : memref<384x128xf32, #tpu.memory_space<vmem>>) target(%dma_start3A_204 : memref<384x128xf32, #tpu.memory_space<hbm>>) target_semaphore(%run_scoped3A : memref<!tpu.dma_semaphore, #tpu.memory_space<semaphore_mem>>)
      %dma_wait3A_205 = arith.constant 0 : i32
      %dma_wait3A_206 = tpu.memref_slice %arg4[%add3A_55, %dma_wait3A_205] : memref<245760x128xf32, #tpu.memory_space<hbm>> -> memref<384x128xf32, #tpu.memory_space<hbm>>
      %dma_wait3A_207 = arith.constant 0 : i32
      %dma_wait3A_208 = tpu.memref_slice %arg4[%add3A_55, %dma_wait3A_207] : memref<245760x128xf32, #tpu.memory_space<hbm>> -> memref<384x128xf32, #tpu.memory_space<hbm>>
      tpu.wait_dma2 semaphore(%run_scoped3A : memref<!tpu.dma_semaphore, #tpu.memory_space<semaphore_mem>>) src(%arg7 : memref<384x128xf32, #tpu.memory_space<vmem>>) dst(%dma_wait3A_208 : memref<384x128xf32, #tpu.memory_space<hbm>>)
      tpu.yield
    }) : () -> ()
    %add3A_56 = arith.constant 2304 : i32
    %add3A_57 = arith.addi %mul3A_2, %add3A_56 : i32
    "tpu.region"() ({
      %run_scoped3A = tpu.sem_alloc : memref<!tpu.dma_semaphore, #tpu.memory_space<semaphore_mem>>
      %dma_start3A_201 = tpu.memref_slice %arg2[%add3A_57] : memref<245760xi32, #tpu.memory_space<hbm>> -> memref<384xi32, #tpu.memory_space<hbm>>
      %dma_start3A_202 = tpu.memref_slice %arg2[%add3A_57] : memref<245760xi32, #tpu.memory_space<hbm>> -> memref<384xi32, #tpu.memory_space<hbm>>
      tpu.enqueue_dma source(%dma_start3A_202 : memref<384xi32, #tpu.memory_space<hbm>>) target(%arg5 : memref<384xi32, #tpu.memory_space<vmem>>) target_semaphore(%run_scoped3A : memref<!tpu.dma_semaphore, #tpu.memory_space<semaphore_mem>>)
      %dma_wait3A_203 = tpu.memref_slice %arg2[%add3A_57] : memref<245760xi32, #tpu.memory_space<hbm>> -> memref<384xi32, #tpu.memory_space<hbm>>
      %dma_wait3A_204 = tpu.memref_slice %arg2[%add3A_57] : memref<245760xi32, #tpu.memory_space<hbm>> -> memref<384xi32, #tpu.memory_space<hbm>>
      tpu.wait_dma2 semaphore(%run_scoped3A : memref<!tpu.dma_semaphore, #tpu.memory_space<semaphore_mem>>) src(%dma_wait3A_204 : memref<384xi32, #tpu.memory_space<hbm>>) dst(%arg5 : memref<384xi32, #tpu.memory_space<vmem>>)
      tpu.yield
    }) : () -> ()
    %dma_start3A_58 = arith.constant 0 : i32
    %dma_start3A_59 = arith.constant 0 : i32
    %dma_start3A_60 = tpu.memref_slice %arg3[%dma_start3A_58, %dma_start3A_59] : memref<100000x128xf32, #tpu.memory_space<hbm>> -> memref<100000x128xf32, #tpu.memory_space<hbm>>
    tpu.enqueue_indirect_dma source(%dma_start3A_60 : memref<100000x128xf32, #tpu.memory_space<hbm>>) target(%arg7 : memref<384x128xf32, #tpu.memory_space<vmem>>) offsets(%arg5 : memref<384xi32, #tpu.memory_space<vmem>>) semaphore(%arg9 : memref<!tpu.dma_semaphore, #tpu.memory_space<semaphore_mem>>)
    %dma_wait3A_61 = arith.constant 0 : i32
    %dma_wait3A_62 = arith.constant 0 : i32
    %dma_wait3A_63 = tpu.memref_slice %arg3[%dma_wait3A_61, %dma_wait3A_62] : memref<100000x128xf32, #tpu.memory_space<hbm>> -> memref<100000x128xf32, #tpu.memory_space<hbm>>
    tpu.wait_indirect_dma semaphore(%arg10 : memref<!tpu.dma_semaphore, #tpu.memory_space<semaphore_mem>>) src(%dma_wait3A_63 : memref<100000x128xf32, #tpu.memory_space<hbm>>) dst(%arg8 : memref<384x128xf32, #tpu.memory_space<vmem>>)
    %add3A_64 = arith.constant 1920 : i32
    %add3A_65 = arith.addi %mul3A_2, %add3A_64 : i32
    "tpu.region"() ({
      %run_scoped3A = tpu.sem_alloc : memref<!tpu.dma_semaphore, #tpu.memory_space<semaphore_mem>>
      %dma_start3A_201 = arith.constant 0 : i32
      %dma_start3A_202 = tpu.memref_slice %arg4[%add3A_65, %dma_start3A_201] : memref<245760x128xf32, #tpu.memory_space<hbm>> -> memref<384x128xf32, #tpu.memory_space<hbm>>
      %dma_start3A_203 = arith.constant 0 : i32
      %dma_start3A_204 = tpu.memref_slice %arg4[%add3A_65, %dma_start3A_203] : memref<245760x128xf32, #tpu.memory_space<hbm>> -> memref<384x128xf32, #tpu.memory_space<hbm>>
      tpu.enqueue_dma source(%arg8 : memref<384x128xf32, #tpu.memory_space<vmem>>) target(%dma_start3A_204 : memref<384x128xf32, #tpu.memory_space<hbm>>) target_semaphore(%run_scoped3A : memref<!tpu.dma_semaphore, #tpu.memory_space<semaphore_mem>>)
      %dma_wait3A_205 = arith.constant 0 : i32
      %dma_wait3A_206 = tpu.memref_slice %arg4[%add3A_65, %dma_wait3A_205] : memref<245760x128xf32, #tpu.memory_space<hbm>> -> memref<384x128xf32, #tpu.memory_space<hbm>>
      %dma_wait3A_207 = arith.constant 0 : i32
      %dma_wait3A_208 = tpu.memref_slice %arg4[%add3A_65, %dma_wait3A_207] : memref<245760x128xf32, #tpu.memory_space<hbm>> -> memref<384x128xf32, #tpu.memory_space<hbm>>
      tpu.wait_dma2 semaphore(%run_scoped3A : memref<!tpu.dma_semaphore, #tpu.memory_space<semaphore_mem>>) src(%arg8 : memref<384x128xf32, #tpu.memory_space<vmem>>) dst(%dma_wait3A_208 : memref<384x128xf32, #tpu.memory_space<hbm>>)
      tpu.yield
    }) : () -> ()
    %add3A_66 = arith.constant 2688 : i32
    %add3A_67 = arith.addi %mul3A_2, %add3A_66 : i32
    "tpu.region"() ({
      %run_scoped3A = tpu.sem_alloc : memref<!tpu.dma_semaphore, #tpu.memory_space<semaphore_mem>>
      %dma_start3A_201 = tpu.memref_slice %arg2[%add3A_67] : memref<245760xi32, #tpu.memory_space<hbm>> -> memref<384xi32, #tpu.memory_space<hbm>>
      %dma_start3A_202 = tpu.memref_slice %arg2[%add3A_67] : memref<245760xi32, #tpu.memory_space<hbm>> -> memref<384xi32, #tpu.memory_space<hbm>>
      tpu.enqueue_dma source(%dma_start3A_202 : memref<384xi32, #tpu.memory_space<hbm>>) target(%arg6 : memref<384xi32, #tpu.memory_space<vmem>>) target_semaphore(%run_scoped3A : memref<!tpu.dma_semaphore, #tpu.memory_space<semaphore_mem>>)
      %dma_wait3A_203 = tpu.memref_slice %arg2[%add3A_67] : memref<245760xi32, #tpu.memory_space<hbm>> -> memref<384xi32, #tpu.memory_space<hbm>>
      %dma_wait3A_204 = tpu.memref_slice %arg2[%add3A_67] : memref<245760xi32, #tpu.memory_space<hbm>> -> memref<384xi32, #tpu.memory_space<hbm>>
      tpu.wait_dma2 semaphore(%run_scoped3A : memref<!tpu.dma_semaphore, #tpu.memory_space<semaphore_mem>>) src(%dma_wait3A_204 : memref<384xi32, #tpu.memory_space<hbm>>) dst(%arg6 : memref<384xi32, #tpu.memory_space<vmem>>)
      tpu.yield
    }) : () -> ()
    %dma_start3A_68 = arith.constant 0 : i32
    %dma_start3A_69 = arith.constant 0 : i32
    %dma_start3A_70 = tpu.memref_slice %arg3[%dma_start3A_68, %dma_start3A_69] : memref<100000x128xf32, #tpu.memory_space<hbm>> -> memref<100000x128xf32, #tpu.memory_space<hbm>>
    tpu.enqueue_indirect_dma source(%dma_start3A_70 : memref<100000x128xf32, #tpu.memory_space<hbm>>) target(%arg8 : memref<384x128xf32, #tpu.memory_space<vmem>>) offsets(%arg6 : memref<384xi32, #tpu.memory_space<vmem>>) semaphore(%arg10 : memref<!tpu.dma_semaphore, #tpu.memory_space<semaphore_mem>>)
    %dma_wait3A_71 = arith.constant 0 : i32
    %dma_wait3A_72 = arith.constant 0 : i32
    %dma_wait3A_73 = tpu.memref_slice %arg3[%dma_wait3A_71, %dma_wait3A_72] : memref<100000x128xf32, #tpu.memory_space<hbm>> -> memref<100000x128xf32, #tpu.memory_space<hbm>>
    tpu.wait_indirect_dma semaphore(%arg9 : memref<!tpu.dma_semaphore, #tpu.memory_space<semaphore_mem>>) src(%dma_wait3A_73 : memref<100000x128xf32, #tpu.memory_space<hbm>>) dst(%arg7 : memref<384x128xf32, #tpu.memory_space<vmem>>)
    %add3A_74 = arith.constant 2304 : i32
    %add3A_75 = arith.addi %mul3A_2, %add3A_74 : i32
    "tpu.region"() ({
      %run_scoped3A = tpu.sem_alloc : memref<!tpu.dma_semaphore, #tpu.memory_space<semaphore_mem>>
      %dma_start3A_201 = arith.constant 0 : i32
      %dma_start3A_202 = tpu.memref_slice %arg4[%add3A_75, %dma_start3A_201] : memref<245760x128xf32, #tpu.memory_space<hbm>> -> memref<384x128xf32, #tpu.memory_space<hbm>>
      %dma_start3A_203 = arith.constant 0 : i32
      %dma_start3A_204 = tpu.memref_slice %arg4[%add3A_75, %dma_start3A_203] : memref<245760x128xf32, #tpu.memory_space<hbm>> -> memref<384x128xf32, #tpu.memory_space<hbm>>
      tpu.enqueue_dma source(%arg7 : memref<384x128xf32, #tpu.memory_space<vmem>>) target(%dma_start3A_204 : memref<384x128xf32, #tpu.memory_space<hbm>>) target_semaphore(%run_scoped3A : memref<!tpu.dma_semaphore, #tpu.memory_space<semaphore_mem>>)
      %dma_wait3A_205 = arith.constant 0 : i32
      %dma_wait3A_206 = tpu.memref_slice %arg4[%add3A_75, %dma_wait3A_205] : memref<245760x128xf32, #tpu.memory_space<hbm>> -> memref<384x128xf32, #tpu.memory_space<hbm>>
      %dma_wait3A_207 = arith.constant 0 : i32
      %dma_wait3A_208 = tpu.memref_slice %arg4[%add3A_75, %dma_wait3A_207] : memref<245760x128xf32, #tpu.memory_space<hbm>> -> memref<384x128xf32, #tpu.memory_space<hbm>>
      tpu.wait_dma2 semaphore(%run_scoped3A : memref<!tpu.dma_semaphore, #tpu.memory_space<semaphore_mem>>) src(%arg7 : memref<384x128xf32, #tpu.memory_space<vmem>>) dst(%dma_wait3A_208 : memref<384x128xf32, #tpu.memory_space<hbm>>)
      tpu.yield
    }) : () -> ()
    %add3A_76 = arith.constant 3072 : i32
    %add3A_77 = arith.addi %mul3A_2, %add3A_76 : i32
    "tpu.region"() ({
      %run_scoped3A = tpu.sem_alloc : memref<!tpu.dma_semaphore, #tpu.memory_space<semaphore_mem>>
      %dma_start3A_201 = tpu.memref_slice %arg2[%add3A_77] : memref<245760xi32, #tpu.memory_space<hbm>> -> memref<384xi32, #tpu.memory_space<hbm>>
      %dma_start3A_202 = tpu.memref_slice %arg2[%add3A_77] : memref<245760xi32, #tpu.memory_space<hbm>> -> memref<384xi32, #tpu.memory_space<hbm>>
      tpu.enqueue_dma source(%dma_start3A_202 : memref<384xi32, #tpu.memory_space<hbm>>) target(%arg5 : memref<384xi32, #tpu.memory_space<vmem>>) target_semaphore(%run_scoped3A : memref<!tpu.dma_semaphore, #tpu.memory_space<semaphore_mem>>)
      %dma_wait3A_203 = tpu.memref_slice %arg2[%add3A_77] : memref<245760xi32, #tpu.memory_space<hbm>> -> memref<384xi32, #tpu.memory_space<hbm>>
      %dma_wait3A_204 = tpu.memref_slice %arg2[%add3A_77] : memref<245760xi32, #tpu.memory_space<hbm>> -> memref<384xi32, #tpu.memory_space<hbm>>
      tpu.wait_dma2 semaphore(%run_scoped3A : memref<!tpu.dma_semaphore, #tpu.memory_space<semaphore_mem>>) src(%dma_wait3A_204 : memref<384xi32, #tpu.memory_space<hbm>>) dst(%arg5 : memref<384xi32, #tpu.memory_space<vmem>>)
      tpu.yield
    }) : () -> ()
    %dma_start3A_78 = arith.constant 0 : i32
    %dma_start3A_79 = arith.constant 0 : i32
    %dma_start3A_80 = tpu.memref_slice %arg3[%dma_start3A_78, %dma_start3A_79] : memref<100000x128xf32, #tpu.memory_space<hbm>> -> memref<100000x128xf32, #tpu.memory_space<hbm>>
    tpu.enqueue_indirect_dma source(%dma_start3A_80 : memref<100000x128xf32, #tpu.memory_space<hbm>>) target(%arg7 : memref<384x128xf32, #tpu.memory_space<vmem>>) offsets(%arg5 : memref<384xi32, #tpu.memory_space<vmem>>) semaphore(%arg9 : memref<!tpu.dma_semaphore, #tpu.memory_space<semaphore_mem>>)
    %dma_wait3A_81 = arith.constant 0 : i32
    %dma_wait3A_82 = arith.constant 0 : i32
    %dma_wait3A_83 = tpu.memref_slice %arg3[%dma_wait3A_81, %dma_wait3A_82] : memref<100000x128xf32, #tpu.memory_space<hbm>> -> memref<100000x128xf32, #tpu.memory_space<hbm>>
    tpu.wait_indirect_dma semaphore(%arg10 : memref<!tpu.dma_semaphore, #tpu.memory_space<semaphore_mem>>) src(%dma_wait3A_83 : memref<100000x128xf32, #tpu.memory_space<hbm>>) dst(%arg8 : memref<384x128xf32, #tpu.memory_space<vmem>>)
    %add3A_84 = arith.constant 2688 : i32
    %add3A_85 = arith.addi %mul3A_2, %add3A_84 : i32
    "tpu.region"() ({
      %run_scoped3A = tpu.sem_alloc : memref<!tpu.dma_semaphore, #tpu.memory_space<semaphore_mem>>
      %dma_start3A_201 = arith.constant 0 : i32
      %dma_start3A_202 = tpu.memref_slice %arg4[%add3A_85, %dma_start3A_201] : memref<245760x128xf32, #tpu.memory_space<hbm>> -> memref<384x128xf32, #tpu.memory_space<hbm>>
      %dma_start3A_203 = arith.constant 0 : i32
      %dma_start3A_204 = tpu.memref_slice %arg4[%add3A_85, %dma_start3A_203] : memref<245760x128xf32, #tpu.memory_space<hbm>> -> memref<384x128xf32, #tpu.memory_space<hbm>>
      tpu.enqueue_dma source(%arg8 : memref<384x128xf32, #tpu.memory_space<vmem>>) target(%dma_start3A_204 : memref<384x128xf32, #tpu.memory_space<hbm>>) target_semaphore(%run_scoped3A : memref<!tpu.dma_semaphore, #tpu.memory_space<semaphore_mem>>)
      %dma_wait3A_205 = arith.constant 0 : i32
      %dma_wait3A_206 = tpu.memref_slice %arg4[%add3A_85, %dma_wait3A_205] : memref<245760x128xf32, #tpu.memory_space<hbm>> -> memref<384x128xf32, #tpu.memory_space<hbm>>
      %dma_wait3A_207 = arith.constant 0 : i32
      %dma_wait3A_208 = tpu.memref_slice %arg4[%add3A_85, %dma_wait3A_207] : memref<245760x128xf32, #tpu.memory_space<hbm>> -> memref<384x128xf32, #tpu.memory_space<hbm>>
      tpu.wait_dma2 semaphore(%run_scoped3A : memref<!tpu.dma_semaphore, #tpu.memory_space<semaphore_mem>>) src(%arg8 : memref<384x128xf32, #tpu.memory_space<vmem>>) dst(%dma_wait3A_208 : memref<384x128xf32, #tpu.memory_space<hbm>>)
      tpu.yield
    }) : () -> ()
    %add3A_86 = arith.constant 3456 : i32
    %add3A_87 = arith.addi %mul3A_2, %add3A_86 : i32
    "tpu.region"() ({
      %run_scoped3A = tpu.sem_alloc : memref<!tpu.dma_semaphore, #tpu.memory_space<semaphore_mem>>
      %dma_start3A_201 = tpu.memref_slice %arg2[%add3A_87] : memref<245760xi32, #tpu.memory_space<hbm>> -> memref<384xi32, #tpu.memory_space<hbm>>
      %dma_start3A_202 = tpu.memref_slice %arg2[%add3A_87] : memref<245760xi32, #tpu.memory_space<hbm>> -> memref<384xi32, #tpu.memory_space<hbm>>
      tpu.enqueue_dma source(%dma_start3A_202 : memref<384xi32, #tpu.memory_space<hbm>>) target(%arg6 : memref<384xi32, #tpu.memory_space<vmem>>) target_semaphore(%run_scoped3A : memref<!tpu.dma_semaphore, #tpu.memory_space<semaphore_mem>>)
      %dma_wait3A_203 = tpu.memref_slice %arg2[%add3A_87] : memref<245760xi32, #tpu.memory_space<hbm>> -> memref<384xi32, #tpu.memory_space<hbm>>
      %dma_wait3A_204 = tpu.memref_slice %arg2[%add3A_87] : memref<245760xi32, #tpu.memory_space<hbm>> -> memref<384xi32, #tpu.memory_space<hbm>>
      tpu.wait_dma2 semaphore(%run_scoped3A : memref<!tpu.dma_semaphore, #tpu.memory_space<semaphore_mem>>) src(%dma_wait3A_204 : memref<384xi32, #tpu.memory_space<hbm>>) dst(%arg6 : memref<384xi32, #tpu.memory_space<vmem>>)
      tpu.yield
    }) : () -> ()
    %dma_start3A_88 = arith.constant 0 : i32
    %dma_start3A_89 = arith.constant 0 : i32
    %dma_start3A_90 = tpu.memref_slice %arg3[%dma_start3A_88, %dma_start3A_89] : memref<100000x128xf32, #tpu.memory_space<hbm>> -> memref<100000x128xf32, #tpu.memory_space<hbm>>
    tpu.enqueue_indirect_dma source(%dma_start3A_90 : memref<100000x128xf32, #tpu.memory_space<hbm>>) target(%arg8 : memref<384x128xf32, #tpu.memory_space<vmem>>) offsets(%arg6 : memref<384xi32, #tpu.memory_space<vmem>>) semaphore(%arg10 : memref<!tpu.dma_semaphore, #tpu.memory_space<semaphore_mem>>)
    %dma_wait3A_91 = arith.constant 0 : i32
    %dma_wait3A_92 = arith.constant 0 : i32
    %dma_wait3A_93 = tpu.memref_slice %arg3[%dma_wait3A_91, %dma_wait3A_92] : memref<100000x128xf32, #tpu.memory_space<hbm>> -> memref<100000x128xf32, #tpu.memory_space<hbm>>
    tpu.wait_indirect_dma semaphore(%arg9 : memref<!tpu.dma_semaphore, #tpu.memory_space<semaphore_mem>>) src(%dma_wait3A_93 : memref<100000x128xf32, #tpu.memory_space<hbm>>) dst(%arg7 : memref<384x128xf32, #tpu.memory_space<vmem>>)
    %add3A_94 = arith.constant 3072 : i32
    %add3A_95 = arith.addi %mul3A_2, %add3A_94 : i32
    "tpu.region"() ({
      %run_scoped3A = tpu.sem_alloc : memref<!tpu.dma_semaphore, #tpu.memory_space<semaphore_mem>>
      %dma_start3A_201 = arith.constant 0 : i32
      %dma_start3A_202 = tpu.memref_slice %arg4[%add3A_95, %dma_start3A_201] : memref<245760x128xf32, #tpu.memory_space<hbm>> -> memref<384x128xf32, #tpu.memory_space<hbm>>
      %dma_start3A_203 = arith.constant 0 : i32
      %dma_start3A_204 = tpu.memref_slice %arg4[%add3A_95, %dma_start3A_203] : memref<245760x128xf32, #tpu.memory_space<hbm>> -> memref<384x128xf32, #tpu.memory_space<hbm>>
      tpu.enqueue_dma source(%arg7 : memref<384x128xf32, #tpu.memory_space<vmem>>) target(%dma_start3A_204 : memref<384x128xf32, #tpu.memory_space<hbm>>) target_semaphore(%run_scoped3A : memref<!tpu.dma_semaphore, #tpu.memory_space<semaphore_mem>>)
      %dma_wait3A_205 = arith.constant 0 : i32
      %dma_wait3A_206 = tpu.memref_slice %arg4[%add3A_95, %dma_wait3A_205] : memref<245760x128xf32, #tpu.memory_space<hbm>> -> memref<384x128xf32, #tpu.memory_space<hbm>>
      %dma_wait3A_207 = arith.constant 0 : i32
      %dma_wait3A_208 = tpu.memref_slice %arg4[%add3A_95, %dma_wait3A_207] : memref<245760x128xf32, #tpu.memory_space<hbm>> -> memref<384x128xf32, #tpu.memory_space<hbm>>
      tpu.wait_dma2 semaphore(%run_scoped3A : memref<!tpu.dma_semaphore, #tpu.memory_space<semaphore_mem>>) src(%arg7 : memref<384x128xf32, #tpu.memory_space<vmem>>) dst(%dma_wait3A_208 : memref<384x128xf32, #tpu.memory_space<hbm>>)
      tpu.yield
    }) : () -> ()
    %add3A_96 = arith.constant 3840 : i32
    %add3A_97 = arith.addi %mul3A_2, %add3A_96 : i32
    "tpu.region"() ({
      %run_scoped3A = tpu.sem_alloc : memref<!tpu.dma_semaphore, #tpu.memory_space<semaphore_mem>>
      %dma_start3A_201 = tpu.memref_slice %arg2[%add3A_97] : memref<245760xi32, #tpu.memory_space<hbm>> -> memref<384xi32, #tpu.memory_space<hbm>>
      %dma_start3A_202 = tpu.memref_slice %arg2[%add3A_97] : memref<245760xi32, #tpu.memory_space<hbm>> -> memref<384xi32, #tpu.memory_space<hbm>>
      tpu.enqueue_dma source(%dma_start3A_202 : memref<384xi32, #tpu.memory_space<hbm>>) target(%arg5 : memref<384xi32, #tpu.memory_space<vmem>>) target_semaphore(%run_scoped3A : memref<!tpu.dma_semaphore, #tpu.memory_space<semaphore_mem>>)
      %dma_wait3A_203 = tpu.memref_slice %arg2[%add3A_97] : memref<245760xi32, #tpu.memory_space<hbm>> -> memref<384xi32, #tpu.memory_space<hbm>>
      %dma_wait3A_204 = tpu.memref_slice %arg2[%add3A_97] : memref<245760xi32, #tpu.memory_space<hbm>> -> memref<384xi32, #tpu.memory_space<hbm>>
      tpu.wait_dma2 semaphore(%run_scoped3A : memref<!tpu.dma_semaphore, #tpu.memory_space<semaphore_mem>>) src(%dma_wait3A_204 : memref<384xi32, #tpu.memory_space<hbm>>) dst(%arg5 : memref<384xi32, #tpu.memory_space<vmem>>)
      tpu.yield
    }) : () -> ()
    %dma_start3A_98 = arith.constant 0 : i32
    %dma_start3A_99 = arith.constant 0 : i32
    %dma_start3A_100 = tpu.memref_slice %arg3[%dma_start3A_98, %dma_start3A_99] : memref<100000x128xf32, #tpu.memory_space<hbm>> -> memref<100000x128xf32, #tpu.memory_space<hbm>>
    tpu.enqueue_indirect_dma source(%dma_start3A_100 : memref<100000x128xf32, #tpu.memory_space<hbm>>) target(%arg7 : memref<384x128xf32, #tpu.memory_space<vmem>>) offsets(%arg5 : memref<384xi32, #tpu.memory_space<vmem>>) semaphore(%arg9 : memref<!tpu.dma_semaphore, #tpu.memory_space<semaphore_mem>>)
    %dma_wait3A_101 = arith.constant 0 : i32
    %dma_wait3A_102 = arith.constant 0 : i32
    %dma_wait3A_103 = tpu.memref_slice %arg3[%dma_wait3A_101, %dma_wait3A_102] : memref<100000x128xf32, #tpu.memory_space<hbm>> -> memref<100000x128xf32, #tpu.memory_space<hbm>>
    tpu.wait_indirect_dma semaphore(%arg10 : memref<!tpu.dma_semaphore, #tpu.memory_space<semaphore_mem>>) src(%dma_wait3A_103 : memref<100000x128xf32, #tpu.memory_space<hbm>>) dst(%arg8 : memref<384x128xf32, #tpu.memory_space<vmem>>)
    %add3A_104 = arith.constant 3456 : i32
    %add3A_105 = arith.addi %mul3A_2, %add3A_104 : i32
    "tpu.region"() ({
      %run_scoped3A = tpu.sem_alloc : memref<!tpu.dma_semaphore, #tpu.memory_space<semaphore_mem>>
      %dma_start3A_201 = arith.constant 0 : i32
      %dma_start3A_202 = tpu.memref_slice %arg4[%add3A_105, %dma_start3A_201] : memref<245760x128xf32, #tpu.memory_space<hbm>> -> memref<384x128xf32, #tpu.memory_space<hbm>>
      %dma_start3A_203 = arith.constant 0 : i32
      %dma_start3A_204 = tpu.memref_slice %arg4[%add3A_105, %dma_start3A_203] : memref<245760x128xf32, #tpu.memory_space<hbm>> -> memref<384x128xf32, #tpu.memory_space<hbm>>
      tpu.enqueue_dma source(%arg8 : memref<384x128xf32, #tpu.memory_space<vmem>>) target(%dma_start3A_204 : memref<384x128xf32, #tpu.memory_space<hbm>>) target_semaphore(%run_scoped3A : memref<!tpu.dma_semaphore, #tpu.memory_space<semaphore_mem>>)
      %dma_wait3A_205 = arith.constant 0 : i32
      %dma_wait3A_206 = tpu.memref_slice %arg4[%add3A_105, %dma_wait3A_205] : memref<245760x128xf32, #tpu.memory_space<hbm>> -> memref<384x128xf32, #tpu.memory_space<hbm>>
      %dma_wait3A_207 = arith.constant 0 : i32
      %dma_wait3A_208 = tpu.memref_slice %arg4[%add3A_105, %dma_wait3A_207] : memref<245760x128xf32, #tpu.memory_space<hbm>> -> memref<384x128xf32, #tpu.memory_space<hbm>>
      tpu.wait_dma2 semaphore(%run_scoped3A : memref<!tpu.dma_semaphore, #tpu.memory_space<semaphore_mem>>) src(%arg8 : memref<384x128xf32, #tpu.memory_space<vmem>>) dst(%dma_wait3A_208 : memref<384x128xf32, #tpu.memory_space<hbm>>)
      tpu.yield
    }) : () -> ()
    %add3A_106 = arith.constant 4224 : i32
    %add3A_107 = arith.addi %mul3A_2, %add3A_106 : i32
    "tpu.region"() ({
      %run_scoped3A = tpu.sem_alloc : memref<!tpu.dma_semaphore, #tpu.memory_space<semaphore_mem>>
      %dma_start3A_201 = tpu.memref_slice %arg2[%add3A_107] : memref<245760xi32, #tpu.memory_space<hbm>> -> memref<384xi32, #tpu.memory_space<hbm>>
      %dma_start3A_202 = tpu.memref_slice %arg2[%add3A_107] : memref<245760xi32, #tpu.memory_space<hbm>> -> memref<384xi32, #tpu.memory_space<hbm>>
      tpu.enqueue_dma source(%dma_start3A_202 : memref<384xi32, #tpu.memory_space<hbm>>) target(%arg6 : memref<384xi32, #tpu.memory_space<vmem>>) target_semaphore(%run_scoped3A : memref<!tpu.dma_semaphore, #tpu.memory_space<semaphore_mem>>)
      %dma_wait3A_203 = tpu.memref_slice %arg2[%add3A_107] : memref<245760xi32, #tpu.memory_space<hbm>> -> memref<384xi32, #tpu.memory_space<hbm>>
      %dma_wait3A_204 = tpu.memref_slice %arg2[%add3A_107] : memref<245760xi32, #tpu.memory_space<hbm>> -> memref<384xi32, #tpu.memory_space<hbm>>
      tpu.wait_dma2 semaphore(%run_scoped3A : memref<!tpu.dma_semaphore, #tpu.memory_space<semaphore_mem>>) src(%dma_wait3A_204 : memref<384xi32, #tpu.memory_space<hbm>>) dst(%arg6 : memref<384xi32, #tpu.memory_space<vmem>>)
      tpu.yield
    }) : () -> ()
    %dma_start3A_108 = arith.constant 0 : i32
    %dma_start3A_109 = arith.constant 0 : i32
    %dma_start3A_110 = tpu.memref_slice %arg3[%dma_start3A_108, %dma_start3A_109] : memref<100000x128xf32, #tpu.memory_space<hbm>> -> memref<100000x128xf32, #tpu.memory_space<hbm>>
    tpu.enqueue_indirect_dma source(%dma_start3A_110 : memref<100000x128xf32, #tpu.memory_space<hbm>>) target(%arg8 : memref<384x128xf32, #tpu.memory_space<vmem>>) offsets(%arg6 : memref<384xi32, #tpu.memory_space<vmem>>) semaphore(%arg10 : memref<!tpu.dma_semaphore, #tpu.memory_space<semaphore_mem>>)
    %dma_wait3A_111 = arith.constant 0 : i32
    %dma_wait3A_112 = arith.constant 0 : i32
    %dma_wait3A_113 = tpu.memref_slice %arg3[%dma_wait3A_111, %dma_wait3A_112] : memref<100000x128xf32, #tpu.memory_space<hbm>> -> memref<100000x128xf32, #tpu.memory_space<hbm>>
    tpu.wait_indirect_dma semaphore(%arg9 : memref<!tpu.dma_semaphore, #tpu.memory_space<semaphore_mem>>) src(%dma_wait3A_113 : memref<100000x128xf32, #tpu.memory_space<hbm>>) dst(%arg7 : memref<384x128xf32, #tpu.memory_space<vmem>>)
    %add3A_114 = arith.constant 3840 : i32
    %add3A_115 = arith.addi %mul3A_2, %add3A_114 : i32
    "tpu.region"() ({
      %run_scoped3A = tpu.sem_alloc : memref<!tpu.dma_semaphore, #tpu.memory_space<semaphore_mem>>
      %dma_start3A_201 = arith.constant 0 : i32
      %dma_start3A_202 = tpu.memref_slice %arg4[%add3A_115, %dma_start3A_201] : memref<245760x128xf32, #tpu.memory_space<hbm>> -> memref<384x128xf32, #tpu.memory_space<hbm>>
      %dma_start3A_203 = arith.constant 0 : i32
      %dma_start3A_204 = tpu.memref_slice %arg4[%add3A_115, %dma_start3A_203] : memref<245760x128xf32, #tpu.memory_space<hbm>> -> memref<384x128xf32, #tpu.memory_space<hbm>>
      tpu.enqueue_dma source(%arg7 : memref<384x128xf32, #tpu.memory_space<vmem>>) target(%dma_start3A_204 : memref<384x128xf32, #tpu.memory_space<hbm>>) target_semaphore(%run_scoped3A : memref<!tpu.dma_semaphore, #tpu.memory_space<semaphore_mem>>)
      %dma_wait3A_205 = arith.constant 0 : i32
      %dma_wait3A_206 = tpu.memref_slice %arg4[%add3A_115, %dma_wait3A_205] : memref<245760x128xf32, #tpu.memory_space<hbm>> -> memref<384x128xf32, #tpu.memory_space<hbm>>
      %dma_wait3A_207 = arith.constant 0 : i32
      %dma_wait3A_208 = tpu.memref_slice %arg4[%add3A_115, %dma_wait3A_207] : memref<245760x128xf32, #tpu.memory_space<hbm>> -> memref<384x128xf32, #tpu.memory_space<hbm>>
      tpu.wait_dma2 semaphore(%run_scoped3A : memref<!tpu.dma_semaphore, #tpu.memory_space<semaphore_mem>>) src(%arg7 : memref<384x128xf32, #tpu.memory_space<vmem>>) dst(%dma_wait3A_208 : memref<384x128xf32, #tpu.memory_space<hbm>>)
      tpu.yield
    }) : () -> ()
    %add3A_116 = arith.constant 4608 : i32
    %add3A_117 = arith.addi %mul3A_2, %add3A_116 : i32
    "tpu.region"() ({
      %run_scoped3A = tpu.sem_alloc : memref<!tpu.dma_semaphore, #tpu.memory_space<semaphore_mem>>
      %dma_start3A_201 = tpu.memref_slice %arg2[%add3A_117] : memref<245760xi32, #tpu.memory_space<hbm>> -> memref<384xi32, #tpu.memory_space<hbm>>
      %dma_start3A_202 = tpu.memref_slice %arg2[%add3A_117] : memref<245760xi32, #tpu.memory_space<hbm>> -> memref<384xi32, #tpu.memory_space<hbm>>
      tpu.enqueue_dma source(%dma_start3A_202 : memref<384xi32, #tpu.memory_space<hbm>>) target(%arg5 : memref<384xi32, #tpu.memory_space<vmem>>) target_semaphore(%run_scoped3A : memref<!tpu.dma_semaphore, #tpu.memory_space<semaphore_mem>>)
      %dma_wait3A_203 = tpu.memref_slice %arg2[%add3A_117] : memref<245760xi32, #tpu.memory_space<hbm>> -> memref<384xi32, #tpu.memory_space<hbm>>
      %dma_wait3A_204 = tpu.memref_slice %arg2[%add3A_117] : memref<245760xi32, #tpu.memory_space<hbm>> -> memref<384xi32, #tpu.memory_space<hbm>>
      tpu.wait_dma2 semaphore(%run_scoped3A : memref<!tpu.dma_semaphore, #tpu.memory_space<semaphore_mem>>) src(%dma_wait3A_204 : memref<384xi32, #tpu.memory_space<hbm>>) dst(%arg5 : memref<384xi32, #tpu.memory_space<vmem>>)
      tpu.yield
    }) : () -> ()
    %dma_start3A_118 = arith.constant 0 : i32
    %dma_start3A_119 = arith.constant 0 : i32
    %dma_start3A_120 = tpu.memref_slice %arg3[%dma_start3A_118, %dma_start3A_119] : memref<100000x128xf32, #tpu.memory_space<hbm>> -> memref<100000x128xf32, #tpu.memory_space<hbm>>
    tpu.enqueue_indirect_dma source(%dma_start3A_120 : memref<100000x128xf32, #tpu.memory_space<hbm>>) target(%arg7 : memref<384x128xf32, #tpu.memory_space<vmem>>) offsets(%arg5 : memref<384xi32, #tpu.memory_space<vmem>>) semaphore(%arg9 : memref<!tpu.dma_semaphore, #tpu.memory_space<semaphore_mem>>)
    %dma_wait3A_121 = arith.constant 0 : i32
    %dma_wait3A_122 = arith.constant 0 : i32
    %dma_wait3A_123 = tpu.memref_slice %arg3[%dma_wait3A_121, %dma_wait3A_122] : memref<100000x128xf32, #tpu.memory_space<hbm>> -> memref<100000x128xf32, #tpu.memory_space<hbm>>
    tpu.wait_indirect_dma semaphore(%arg10 : memref<!tpu.dma_semaphore, #tpu.memory_space<semaphore_mem>>) src(%dma_wait3A_123 : memref<100000x128xf32, #tpu.memory_space<hbm>>) dst(%arg8 : memref<384x128xf32, #tpu.memory_space<vmem>>)
    %add3A_124 = arith.constant 4224 : i32
    %add3A_125 = arith.addi %mul3A_2, %add3A_124 : i32
    "tpu.region"() ({
      %run_scoped3A = tpu.sem_alloc : memref<!tpu.dma_semaphore, #tpu.memory_space<semaphore_mem>>
      %dma_start3A_201 = arith.constant 0 : i32
      %dma_start3A_202 = tpu.memref_slice %arg4[%add3A_125, %dma_start3A_201] : memref<245760x128xf32, #tpu.memory_space<hbm>> -> memref<384x128xf32, #tpu.memory_space<hbm>>
      %dma_start3A_203 = arith.constant 0 : i32
      %dma_start3A_204 = tpu.memref_slice %arg4[%add3A_125, %dma_start3A_203] : memref<245760x128xf32, #tpu.memory_space<hbm>> -> memref<384x128xf32, #tpu.memory_space<hbm>>
      tpu.enqueue_dma source(%arg8 : memref<384x128xf32, #tpu.memory_space<vmem>>) target(%dma_start3A_204 : memref<384x128xf32, #tpu.memory_space<hbm>>) target_semaphore(%run_scoped3A : memref<!tpu.dma_semaphore, #tpu.memory_space<semaphore_mem>>)
      %dma_wait3A_205 = arith.constant 0 : i32
      %dma_wait3A_206 = tpu.memref_slice %arg4[%add3A_125, %dma_wait3A_205] : memref<245760x128xf32, #tpu.memory_space<hbm>> -> memref<384x128xf32, #tpu.memory_space<hbm>>
      %dma_wait3A_207 = arith.constant 0 : i32
      %dma_wait3A_208 = tpu.memref_slice %arg4[%add3A_125, %dma_wait3A_207] : memref<245760x128xf32, #tpu.memory_space<hbm>> -> memref<384x128xf32, #tpu.memory_space<hbm>>
      tpu.wait_dma2 semaphore(%run_scoped3A : memref<!tpu.dma_semaphore, #tpu.memory_space<semaphore_mem>>) src(%arg8 : memref<384x128xf32, #tpu.memory_space<vmem>>) dst(%dma_wait3A_208 : memref<384x128xf32, #tpu.memory_space<hbm>>)
      tpu.yield
    }) : () -> ()
    %add3A_126 = arith.constant 4992 : i32
    %add3A_127 = arith.addi %mul3A_2, %add3A_126 : i32
    "tpu.region"() ({
      %run_scoped3A = tpu.sem_alloc : memref<!tpu.dma_semaphore, #tpu.memory_space<semaphore_mem>>
      %dma_start3A_201 = tpu.memref_slice %arg2[%add3A_127] : memref<245760xi32, #tpu.memory_space<hbm>> -> memref<384xi32, #tpu.memory_space<hbm>>
      %dma_start3A_202 = tpu.memref_slice %arg2[%add3A_127] : memref<245760xi32, #tpu.memory_space<hbm>> -> memref<384xi32, #tpu.memory_space<hbm>>
      tpu.enqueue_dma source(%dma_start3A_202 : memref<384xi32, #tpu.memory_space<hbm>>) target(%arg6 : memref<384xi32, #tpu.memory_space<vmem>>) target_semaphore(%run_scoped3A : memref<!tpu.dma_semaphore, #tpu.memory_space<semaphore_mem>>)
      %dma_wait3A_203 = tpu.memref_slice %arg2[%add3A_127] : memref<245760xi32, #tpu.memory_space<hbm>> -> memref<384xi32, #tpu.memory_space<hbm>>
      %dma_wait3A_204 = tpu.memref_slice %arg2[%add3A_127] : memref<245760xi32, #tpu.memory_space<hbm>> -> memref<384xi32, #tpu.memory_space<hbm>>
      tpu.wait_dma2 semaphore(%run_scoped3A : memref<!tpu.dma_semaphore, #tpu.memory_space<semaphore_mem>>) src(%dma_wait3A_204 : memref<384xi32, #tpu.memory_space<hbm>>) dst(%arg6 : memref<384xi32, #tpu.memory_space<vmem>>)
      tpu.yield
    }) : () -> ()
    %dma_start3A_128 = arith.constant 0 : i32
    %dma_start3A_129 = arith.constant 0 : i32
    %dma_start3A_130 = tpu.memref_slice %arg3[%dma_start3A_128, %dma_start3A_129] : memref<100000x128xf32, #tpu.memory_space<hbm>> -> memref<100000x128xf32, #tpu.memory_space<hbm>>
    tpu.enqueue_indirect_dma source(%dma_start3A_130 : memref<100000x128xf32, #tpu.memory_space<hbm>>) target(%arg8 : memref<384x128xf32, #tpu.memory_space<vmem>>) offsets(%arg6 : memref<384xi32, #tpu.memory_space<vmem>>) semaphore(%arg10 : memref<!tpu.dma_semaphore, #tpu.memory_space<semaphore_mem>>)
    %dma_wait3A_131 = arith.constant 0 : i32
    %dma_wait3A_132 = arith.constant 0 : i32
    %dma_wait3A_133 = tpu.memref_slice %arg3[%dma_wait3A_131, %dma_wait3A_132] : memref<100000x128xf32, #tpu.memory_space<hbm>> -> memref<100000x128xf32, #tpu.memory_space<hbm>>
    tpu.wait_indirect_dma semaphore(%arg9 : memref<!tpu.dma_semaphore, #tpu.memory_space<semaphore_mem>>) src(%dma_wait3A_133 : memref<100000x128xf32, #tpu.memory_space<hbm>>) dst(%arg7 : memref<384x128xf32, #tpu.memory_space<vmem>>)
    %add3A_134 = arith.constant 4608 : i32
    %add3A_135 = arith.addi %mul3A_2, %add3A_134 : i32
    "tpu.region"() ({
      %run_scoped3A = tpu.sem_alloc : memref<!tpu.dma_semaphore, #tpu.memory_space<semaphore_mem>>
      %dma_start3A_201 = arith.constant 0 : i32
      %dma_start3A_202 = tpu.memref_slice %arg4[%add3A_135, %dma_start3A_201] : memref<245760x128xf32, #tpu.memory_space<hbm>> -> memref<384x128xf32, #tpu.memory_space<hbm>>
      %dma_start3A_203 = arith.constant 0 : i32
      %dma_start3A_204 = tpu.memref_slice %arg4[%add3A_135, %dma_start3A_203] : memref<245760x128xf32, #tpu.memory_space<hbm>> -> memref<384x128xf32, #tpu.memory_space<hbm>>
      tpu.enqueue_dma source(%arg7 : memref<384x128xf32, #tpu.memory_space<vmem>>) target(%dma_start3A_204 : memref<384x128xf32, #tpu.memory_space<hbm>>) target_semaphore(%run_scoped3A : memref<!tpu.dma_semaphore, #tpu.memory_space<semaphore_mem>>)
      %dma_wait3A_205 = arith.constant 0 : i32
      %dma_wait3A_206 = tpu.memref_slice %arg4[%add3A_135, %dma_wait3A_205] : memref<245760x128xf32, #tpu.memory_space<hbm>> -> memref<384x128xf32, #tpu.memory_space<hbm>>
      %dma_wait3A_207 = arith.constant 0 : i32
      %dma_wait3A_208 = tpu.memref_slice %arg4[%add3A_135, %dma_wait3A_207] : memref<245760x128xf32, #tpu.memory_space<hbm>> -> memref<384x128xf32, #tpu.memory_space<hbm>>
      tpu.wait_dma2 semaphore(%run_scoped3A : memref<!tpu.dma_semaphore, #tpu.memory_space<semaphore_mem>>) src(%arg7 : memref<384x128xf32, #tpu.memory_space<vmem>>) dst(%dma_wait3A_208 : memref<384x128xf32, #tpu.memory_space<hbm>>)
      tpu.yield
    }) : () -> ()
    %add3A_136 = arith.constant 5376 : i32
    %add3A_137 = arith.addi %mul3A_2, %add3A_136 : i32
    "tpu.region"() ({
      %run_scoped3A = tpu.sem_alloc : memref<!tpu.dma_semaphore, #tpu.memory_space<semaphore_mem>>
      %dma_start3A_201 = tpu.memref_slice %arg2[%add3A_137] : memref<245760xi32, #tpu.memory_space<hbm>> -> memref<384xi32, #tpu.memory_space<hbm>>
      %dma_start3A_202 = tpu.memref_slice %arg2[%add3A_137] : memref<245760xi32, #tpu.memory_space<hbm>> -> memref<384xi32, #tpu.memory_space<hbm>>
      tpu.enqueue_dma source(%dma_start3A_202 : memref<384xi32, #tpu.memory_space<hbm>>) target(%arg5 : memref<384xi32, #tpu.memory_space<vmem>>) target_semaphore(%run_scoped3A : memref<!tpu.dma_semaphore, #tpu.memory_space<semaphore_mem>>)
      %dma_wait3A_203 = tpu.memref_slice %arg2[%add3A_137] : memref<245760xi32, #tpu.memory_space<hbm>> -> memref<384xi32, #tpu.memory_space<hbm>>
      %dma_wait3A_204 = tpu.memref_slice %arg2[%add3A_137] : memref<245760xi32, #tpu.memory_space<hbm>> -> memref<384xi32, #tpu.memory_space<hbm>>
      tpu.wait_dma2 semaphore(%run_scoped3A : memref<!tpu.dma_semaphore, #tpu.memory_space<semaphore_mem>>) src(%dma_wait3A_204 : memref<384xi32, #tpu.memory_space<hbm>>) dst(%arg5 : memref<384xi32, #tpu.memory_space<vmem>>)
      tpu.yield
    }) : () -> ()
    %dma_start3A_138 = arith.constant 0 : i32
    %dma_start3A_139 = arith.constant 0 : i32
    %dma_start3A_140 = tpu.memref_slice %arg3[%dma_start3A_138, %dma_start3A_139] : memref<100000x128xf32, #tpu.memory_space<hbm>> -> memref<100000x128xf32, #tpu.memory_space<hbm>>
    tpu.enqueue_indirect_dma source(%dma_start3A_140 : memref<100000x128xf32, #tpu.memory_space<hbm>>) target(%arg7 : memref<384x128xf32, #tpu.memory_space<vmem>>) offsets(%arg5 : memref<384xi32, #tpu.memory_space<vmem>>) semaphore(%arg9 : memref<!tpu.dma_semaphore, #tpu.memory_space<semaphore_mem>>)
    %dma_wait3A_141 = arith.constant 0 : i32
    %dma_wait3A_142 = arith.constant 0 : i32
    %dma_wait3A_143 = tpu.memref_slice %arg3[%dma_wait3A_141, %dma_wait3A_142] : memref<100000x128xf32, #tpu.memory_space<hbm>> -> memref<100000x128xf32, #tpu.memory_space<hbm>>
    tpu.wait_indirect_dma semaphore(%arg10 : memref<!tpu.dma_semaphore, #tpu.memory_space<semaphore_mem>>) src(%dma_wait3A_143 : memref<100000x128xf32, #tpu.memory_space<hbm>>) dst(%arg8 : memref<384x128xf32, #tpu.memory_space<vmem>>)
    %add3A_144 = arith.constant 4992 : i32
    %add3A_145 = arith.addi %mul3A_2, %add3A_144 : i32
    "tpu.region"() ({
      %run_scoped3A = tpu.sem_alloc : memref<!tpu.dma_semaphore, #tpu.memory_space<semaphore_mem>>
      %dma_start3A_201 = arith.constant 0 : i32
      %dma_start3A_202 = tpu.memref_slice %arg4[%add3A_145, %dma_start3A_201] : memref<245760x128xf32, #tpu.memory_space<hbm>> -> memref<384x128xf32, #tpu.memory_space<hbm>>
      %dma_start3A_203 = arith.constant 0 : i32
      %dma_start3A_204 = tpu.memref_slice %arg4[%add3A_145, %dma_start3A_203] : memref<245760x128xf32, #tpu.memory_space<hbm>> -> memref<384x128xf32, #tpu.memory_space<hbm>>
      tpu.enqueue_dma source(%arg8 : memref<384x128xf32, #tpu.memory_space<vmem>>) target(%dma_start3A_204 : memref<384x128xf32, #tpu.memory_space<hbm>>) target_semaphore(%run_scoped3A : memref<!tpu.dma_semaphore, #tpu.memory_space<semaphore_mem>>)
      %dma_wait3A_205 = arith.constant 0 : i32
      %dma_wait3A_206 = tpu.memref_slice %arg4[%add3A_145, %dma_wait3A_205] : memref<245760x128xf32, #tpu.memory_space<hbm>> -> memref<384x128xf32, #tpu.memory_space<hbm>>
      %dma_wait3A_207 = arith.constant 0 : i32
      %dma_wait3A_208 = tpu.memref_slice %arg4[%add3A_145, %dma_wait3A_207] : memref<245760x128xf32, #tpu.memory_space<hbm>> -> memref<384x128xf32, #tpu.memory_space<hbm>>
      tpu.wait_dma2 semaphore(%run_scoped3A : memref<!tpu.dma_semaphore, #tpu.memory_space<semaphore_mem>>) src(%arg8 : memref<384x128xf32, #tpu.memory_space<vmem>>) dst(%dma_wait3A_208 : memref<384x128xf32, #tpu.memory_space<hbm>>)
      tpu.yield
    }) : () -> ()
    %add3A_146 = arith.constant 5760 : i32
    %add3A_147 = arith.addi %mul3A_2, %add3A_146 : i32
    "tpu.region"() ({
      %run_scoped3A = tpu.sem_alloc : memref<!tpu.dma_semaphore, #tpu.memory_space<semaphore_mem>>
      %dma_start3A_201 = tpu.memref_slice %arg2[%add3A_147] : memref<245760xi32, #tpu.memory_space<hbm>> -> memref<384xi32, #tpu.memory_space<hbm>>
      %dma_start3A_202 = tpu.memref_slice %arg2[%add3A_147] : memref<245760xi32, #tpu.memory_space<hbm>> -> memref<384xi32, #tpu.memory_space<hbm>>
      tpu.enqueue_dma source(%dma_start3A_202 : memref<384xi32, #tpu.memory_space<hbm>>) target(%arg6 : memref<384xi32, #tpu.memory_space<vmem>>) target_semaphore(%run_scoped3A : memref<!tpu.dma_semaphore, #tpu.memory_space<semaphore_mem>>)
      %dma_wait3A_203 = tpu.memref_slice %arg2[%add3A_147] : memref<245760xi32, #tpu.memory_space<hbm>> -> memref<384xi32, #tpu.memory_space<hbm>>
      %dma_wait3A_204 = tpu.memref_slice %arg2[%add3A_147] : memref<245760xi32, #tpu.memory_space<hbm>> -> memref<384xi32, #tpu.memory_space<hbm>>
      tpu.wait_dma2 semaphore(%run_scoped3A : memref<!tpu.dma_semaphore, #tpu.memory_space<semaphore_mem>>) src(%dma_wait3A_204 : memref<384xi32, #tpu.memory_space<hbm>>) dst(%arg6 : memref<384xi32, #tpu.memory_space<vmem>>)
      tpu.yield
    }) : () -> ()
    %dma_start3A_148 = arith.constant 0 : i32
    %dma_start3A_149 = arith.constant 0 : i32
    %dma_start3A_150 = tpu.memref_slice %arg3[%dma_start3A_148, %dma_start3A_149] : memref<100000x128xf32, #tpu.memory_space<hbm>> -> memref<100000x128xf32, #tpu.memory_space<hbm>>
    tpu.enqueue_indirect_dma source(%dma_start3A_150 : memref<100000x128xf32, #tpu.memory_space<hbm>>) target(%arg8 : memref<384x128xf32, #tpu.memory_space<vmem>>) offsets(%arg6 : memref<384xi32, #tpu.memory_space<vmem>>) semaphore(%arg10 : memref<!tpu.dma_semaphore, #tpu.memory_space<semaphore_mem>>)
    %dma_wait3A_151 = arith.constant 0 : i32
    %dma_wait3A_152 = arith.constant 0 : i32
    %dma_wait3A_153 = tpu.memref_slice %arg3[%dma_wait3A_151, %dma_wait3A_152] : memref<100000x128xf32, #tpu.memory_space<hbm>> -> memref<100000x128xf32, #tpu.memory_space<hbm>>
    tpu.wait_indirect_dma semaphore(%arg9 : memref<!tpu.dma_semaphore, #tpu.memory_space<semaphore_mem>>) src(%dma_wait3A_153 : memref<100000x128xf32, #tpu.memory_space<hbm>>) dst(%arg7 : memref<384x128xf32, #tpu.memory_space<vmem>>)
    %add3A_154 = arith.constant 5376 : i32
    %add3A_155 = arith.addi %mul3A_2, %add3A_154 : i32
    "tpu.region"() ({
      %run_scoped3A = tpu.sem_alloc : memref<!tpu.dma_semaphore, #tpu.memory_space<semaphore_mem>>
      %dma_start3A_201 = arith.constant 0 : i32
      %dma_start3A_202 = tpu.memref_slice %arg4[%add3A_155, %dma_start3A_201] : memref<245760x128xf32, #tpu.memory_space<hbm>> -> memref<384x128xf32, #tpu.memory_space<hbm>>
      %dma_start3A_203 = arith.constant 0 : i32
      %dma_start3A_204 = tpu.memref_slice %arg4[%add3A_155, %dma_start3A_203] : memref<245760x128xf32, #tpu.memory_space<hbm>> -> memref<384x128xf32, #tpu.memory_space<hbm>>
      tpu.enqueue_dma source(%arg7 : memref<384x128xf32, #tpu.memory_space<vmem>>) target(%dma_start3A_204 : memref<384x128xf32, #tpu.memory_space<hbm>>) target_semaphore(%run_scoped3A : memref<!tpu.dma_semaphore, #tpu.memory_space<semaphore_mem>>)
      %dma_wait3A_205 = arith.constant 0 : i32
      %dma_wait3A_206 = tpu.memref_slice %arg4[%add3A_155, %dma_wait3A_205] : memref<245760x128xf32, #tpu.memory_space<hbm>> -> memref<384x128xf32, #tpu.memory_space<hbm>>
      %dma_wait3A_207 = arith.constant 0 : i32
      %dma_wait3A_208 = tpu.memref_slice %arg4[%add3A_155, %dma_wait3A_207] : memref<245760x128xf32, #tpu.memory_space<hbm>> -> memref<384x128xf32, #tpu.memory_space<hbm>>
      tpu.wait_dma2 semaphore(%run_scoped3A : memref<!tpu.dma_semaphore, #tpu.memory_space<semaphore_mem>>) src(%arg7 : memref<384x128xf32, #tpu.memory_space<vmem>>) dst(%dma_wait3A_208 : memref<384x128xf32, #tpu.memory_space<hbm>>)
      tpu.yield
    }) : () -> ()
    %add3A_156 = arith.constant 6144 : i32
    %add3A_157 = arith.addi %mul3A_2, %add3A_156 : i32
    "tpu.region"() ({
      %run_scoped3A = tpu.sem_alloc : memref<!tpu.dma_semaphore, #tpu.memory_space<semaphore_mem>>
      %dma_start3A_201 = tpu.memref_slice %arg2[%add3A_157] : memref<245760xi32, #tpu.memory_space<hbm>> -> memref<384xi32, #tpu.memory_space<hbm>>
      %dma_start3A_202 = tpu.memref_slice %arg2[%add3A_157] : memref<245760xi32, #tpu.memory_space<hbm>> -> memref<384xi32, #tpu.memory_space<hbm>>
      tpu.enqueue_dma source(%dma_start3A_202 : memref<384xi32, #tpu.memory_space<hbm>>) target(%arg5 : memref<384xi32, #tpu.memory_space<vmem>>) target_semaphore(%run_scoped3A : memref<!tpu.dma_semaphore, #tpu.memory_space<semaphore_mem>>)
      %dma_wait3A_203 = tpu.memref_slice %arg2[%add3A_157] : memref<245760xi32, #tpu.memory_space<hbm>> -> memref<384xi32, #tpu.memory_space<hbm>>
      %dma_wait3A_204 = tpu.memref_slice %arg2[%add3A_157] : memref<245760xi32, #tpu.memory_space<hbm>> -> memref<384xi32, #tpu.memory_space<hbm>>
      tpu.wait_dma2 semaphore(%run_scoped3A : memref<!tpu.dma_semaphore, #tpu.memory_space<semaphore_mem>>) src(%dma_wait3A_204 : memref<384xi32, #tpu.memory_space<hbm>>) dst(%arg5 : memref<384xi32, #tpu.memory_space<vmem>>)
      tpu.yield
    }) : () -> ()
    %dma_start3A_158 = arith.constant 0 : i32
    %dma_start3A_159 = arith.constant 0 : i32
    %dma_start3A_160 = tpu.memref_slice %arg3[%dma_start3A_158, %dma_start3A_159] : memref<100000x128xf32, #tpu.memory_space<hbm>> -> memref<100000x128xf32, #tpu.memory_space<hbm>>
    tpu.enqueue_indirect_dma source(%dma_start3A_160 : memref<100000x128xf32, #tpu.memory_space<hbm>>) target(%arg7 : memref<384x128xf32, #tpu.memory_space<vmem>>) offsets(%arg5 : memref<384xi32, #tpu.memory_space<vmem>>) semaphore(%arg9 : memref<!tpu.dma_semaphore, #tpu.memory_space<semaphore_mem>>)
    %dma_wait3A_161 = arith.constant 0 : i32
    %dma_wait3A_162 = arith.constant 0 : i32
    %dma_wait3A_163 = tpu.memref_slice %arg3[%dma_wait3A_161, %dma_wait3A_162] : memref<100000x128xf32, #tpu.memory_space<hbm>> -> memref<100000x128xf32, #tpu.memory_space<hbm>>
    tpu.wait_indirect_dma semaphore(%arg10 : memref<!tpu.dma_semaphore, #tpu.memory_space<semaphore_mem>>) src(%dma_wait3A_163 : memref<100000x128xf32, #tpu.memory_space<hbm>>) dst(%arg8 : memref<384x128xf32, #tpu.memory_space<vmem>>)
    %add3A_164 = arith.constant 5760 : i32
    %add3A_165 = arith.addi %mul3A_2, %add3A_164 : i32
    "tpu.region"() ({
      %run_scoped3A = tpu.sem_alloc : memref<!tpu.dma_semaphore, #tpu.memory_space<semaphore_mem>>
      %dma_start3A_201 = arith.constant 0 : i32
      %dma_start3A_202 = tpu.memref_slice %arg4[%add3A_165, %dma_start3A_201] : memref<245760x128xf32, #tpu.memory_space<hbm>> -> memref<384x128xf32, #tpu.memory_space<hbm>>
      %dma_start3A_203 = arith.constant 0 : i32
      %dma_start3A_204 = tpu.memref_slice %arg4[%add3A_165, %dma_start3A_203] : memref<245760x128xf32, #tpu.memory_space<hbm>> -> memref<384x128xf32, #tpu.memory_space<hbm>>
      tpu.enqueue_dma source(%arg8 : memref<384x128xf32, #tpu.memory_space<vmem>>) target(%dma_start3A_204 : memref<384x128xf32, #tpu.memory_space<hbm>>) target_semaphore(%run_scoped3A : memref<!tpu.dma_semaphore, #tpu.memory_space<semaphore_mem>>)
      %dma_wait3A_205 = arith.constant 0 : i32
      %dma_wait3A_206 = tpu.memref_slice %arg4[%add3A_165, %dma_wait3A_205] : memref<245760x128xf32, #tpu.memory_space<hbm>> -> memref<384x128xf32, #tpu.memory_space<hbm>>
      %dma_wait3A_207 = arith.constant 0 : i32
      %dma_wait3A_208 = tpu.memref_slice %arg4[%add3A_165, %dma_wait3A_207] : memref<245760x128xf32, #tpu.memory_space<hbm>> -> memref<384x128xf32, #tpu.memory_space<hbm>>
      tpu.wait_dma2 semaphore(%run_scoped3A : memref<!tpu.dma_semaphore, #tpu.memory_space<semaphore_mem>>) src(%arg8 : memref<384x128xf32, #tpu.memory_space<vmem>>) dst(%dma_wait3A_208 : memref<384x128xf32, #tpu.memory_space<hbm>>)
      tpu.yield
    }) : () -> ()
    %add3A_166 = arith.constant 6528 : i32
    %add3A_167 = arith.addi %mul3A_2, %add3A_166 : i32
    "tpu.region"() ({
      %run_scoped3A = tpu.sem_alloc : memref<!tpu.dma_semaphore, #tpu.memory_space<semaphore_mem>>
      %dma_start3A_201 = tpu.memref_slice %arg2[%add3A_167] : memref<245760xi32, #tpu.memory_space<hbm>> -> memref<384xi32, #tpu.memory_space<hbm>>
      %dma_start3A_202 = tpu.memref_slice %arg2[%add3A_167] : memref<245760xi32, #tpu.memory_space<hbm>> -> memref<384xi32, #tpu.memory_space<hbm>>
      tpu.enqueue_dma source(%dma_start3A_202 : memref<384xi32, #tpu.memory_space<hbm>>) target(%arg6 : memref<384xi32, #tpu.memory_space<vmem>>) target_semaphore(%run_scoped3A : memref<!tpu.dma_semaphore, #tpu.memory_space<semaphore_mem>>)
      %dma_wait3A_203 = tpu.memref_slice %arg2[%add3A_167] : memref<245760xi32, #tpu.memory_space<hbm>> -> memref<384xi32, #tpu.memory_space<hbm>>
      %dma_wait3A_204 = tpu.memref_slice %arg2[%add3A_167] : memref<245760xi32, #tpu.memory_space<hbm>> -> memref<384xi32, #tpu.memory_space<hbm>>
      tpu.wait_dma2 semaphore(%run_scoped3A : memref<!tpu.dma_semaphore, #tpu.memory_space<semaphore_mem>>) src(%dma_wait3A_204 : memref<384xi32, #tpu.memory_space<hbm>>) dst(%arg6 : memref<384xi32, #tpu.memory_space<vmem>>)
      tpu.yield
    }) : () -> ()
    %dma_start3A_168 = arith.constant 0 : i32
    %dma_start3A_169 = arith.constant 0 : i32
    %dma_start3A_170 = tpu.memref_slice %arg3[%dma_start3A_168, %dma_start3A_169] : memref<100000x128xf32, #tpu.memory_space<hbm>> -> memref<100000x128xf32, #tpu.memory_space<hbm>>
    tpu.enqueue_indirect_dma source(%dma_start3A_170 : memref<100000x128xf32, #tpu.memory_space<hbm>>) target(%arg8 : memref<384x128xf32, #tpu.memory_space<vmem>>) offsets(%arg6 : memref<384xi32, #tpu.memory_space<vmem>>) semaphore(%arg10 : memref<!tpu.dma_semaphore, #tpu.memory_space<semaphore_mem>>)
    %dma_wait3A_171 = arith.constant 0 : i32
    %dma_wait3A_172 = arith.constant 0 : i32
    %dma_wait3A_173 = tpu.memref_slice %arg3[%dma_wait3A_171, %dma_wait3A_172] : memref<100000x128xf32, #tpu.memory_space<hbm>> -> memref<100000x128xf32, #tpu.memory_space<hbm>>
    tpu.wait_indirect_dma semaphore(%arg9 : memref<!tpu.dma_semaphore, #tpu.memory_space<semaphore_mem>>) src(%dma_wait3A_173 : memref<100000x128xf32, #tpu.memory_space<hbm>>) dst(%arg7 : memref<384x128xf32, #tpu.memory_space<vmem>>)
    %add3A_174 = arith.constant 6144 : i32
    %add3A_175 = arith.addi %mul3A_2, %add3A_174 : i32
    "tpu.region"() ({
      %run_scoped3A = tpu.sem_alloc : memref<!tpu.dma_semaphore, #tpu.memory_space<semaphore_mem>>
      %dma_start3A_201 = arith.constant 0 : i32
      %dma_start3A_202 = tpu.memref_slice %arg4[%add3A_175, %dma_start3A_201] : memref<245760x128xf32, #tpu.memory_space<hbm>> -> memref<384x128xf32, #tpu.memory_space<hbm>>
      %dma_start3A_203 = arith.constant 0 : i32
      %dma_start3A_204 = tpu.memref_slice %arg4[%add3A_175, %dma_start3A_203] : memref<245760x128xf32, #tpu.memory_space<hbm>> -> memref<384x128xf32, #tpu.memory_space<hbm>>
      tpu.enqueue_dma source(%arg7 : memref<384x128xf32, #tpu.memory_space<vmem>>) target(%dma_start3A_204 : memref<384x128xf32, #tpu.memory_space<hbm>>) target_semaphore(%run_scoped3A : memref<!tpu.dma_semaphore, #tpu.memory_space<semaphore_mem>>)
      %dma_wait3A_205 = arith.constant 0 : i32
      %dma_wait3A_206 = tpu.memref_slice %arg4[%add3A_175, %dma_wait3A_205] : memref<245760x128xf32, #tpu.memory_space<hbm>> -> memref<384x128xf32, #tpu.memory_space<hbm>>
      %dma_wait3A_207 = arith.constant 0 : i32
      %dma_wait3A_208 = tpu.memref_slice %arg4[%add3A_175, %dma_wait3A_207] : memref<245760x128xf32, #tpu.memory_space<hbm>> -> memref<384x128xf32, #tpu.memory_space<hbm>>
      tpu.wait_dma2 semaphore(%run_scoped3A : memref<!tpu.dma_semaphore, #tpu.memory_space<semaphore_mem>>) src(%arg7 : memref<384x128xf32, #tpu.memory_space<vmem>>) dst(%dma_wait3A_208 : memref<384x128xf32, #tpu.memory_space<hbm>>)
      tpu.yield
    }) : () -> ()
    %add3A_176 = arith.constant 6912 : i32
    %add3A_177 = arith.addi %mul3A_2, %add3A_176 : i32
    "tpu.region"() ({
      %run_scoped3A = tpu.sem_alloc : memref<!tpu.dma_semaphore, #tpu.memory_space<semaphore_mem>>
      %dma_start3A_201 = tpu.memref_slice %arg2[%add3A_177] : memref<245760xi32, #tpu.memory_space<hbm>> -> memref<384xi32, #tpu.memory_space<hbm>>
      %dma_start3A_202 = tpu.memref_slice %arg2[%add3A_177] : memref<245760xi32, #tpu.memory_space<hbm>> -> memref<384xi32, #tpu.memory_space<hbm>>
      tpu.enqueue_dma source(%dma_start3A_202 : memref<384xi32, #tpu.memory_space<hbm>>) target(%arg5 : memref<384xi32, #tpu.memory_space<vmem>>) target_semaphore(%run_scoped3A : memref<!tpu.dma_semaphore, #tpu.memory_space<semaphore_mem>>)
      %dma_wait3A_203 = tpu.memref_slice %arg2[%add3A_177] : memref<245760xi32, #tpu.memory_space<hbm>> -> memref<384xi32, #tpu.memory_space<hbm>>
      %dma_wait3A_204 = tpu.memref_slice %arg2[%add3A_177] : memref<245760xi32, #tpu.memory_space<hbm>> -> memref<384xi32, #tpu.memory_space<hbm>>
      tpu.wait_dma2 semaphore(%run_scoped3A : memref<!tpu.dma_semaphore, #tpu.memory_space<semaphore_mem>>) src(%dma_wait3A_204 : memref<384xi32, #tpu.memory_space<hbm>>) dst(%arg5 : memref<384xi32, #tpu.memory_space<vmem>>)
      tpu.yield
    }) : () -> ()
    %dma_start3A_178 = arith.constant 0 : i32
    %dma_start3A_179 = arith.constant 0 : i32
    %dma_start3A_180 = tpu.memref_slice %arg3[%dma_start3A_178, %dma_start3A_179] : memref<100000x128xf32, #tpu.memory_space<hbm>> -> memref<100000x128xf32, #tpu.memory_space<hbm>>
    tpu.enqueue_indirect_dma source(%dma_start3A_180 : memref<100000x128xf32, #tpu.memory_space<hbm>>) target(%arg7 : memref<384x128xf32, #tpu.memory_space<vmem>>) offsets(%arg5 : memref<384xi32, #tpu.memory_space<vmem>>) semaphore(%arg9 : memref<!tpu.dma_semaphore, #tpu.memory_space<semaphore_mem>>)
    %dma_wait3A_181 = arith.constant 0 : i32
    %dma_wait3A_182 = arith.constant 0 : i32
    %dma_wait3A_183 = tpu.memref_slice %arg3[%dma_wait3A_181, %dma_wait3A_182] : memref<100000x128xf32, #tpu.memory_space<hbm>> -> memref<100000x128xf32, #tpu.memory_space<hbm>>
    tpu.wait_indirect_dma semaphore(%arg10 : memref<!tpu.dma_semaphore, #tpu.memory_space<semaphore_mem>>) src(%dma_wait3A_183 : memref<100000x128xf32, #tpu.memory_space<hbm>>) dst(%arg8 : memref<384x128xf32, #tpu.memory_space<vmem>>)
    %add3A_184 = arith.constant 6528 : i32
    %add3A_185 = arith.addi %mul3A_2, %add3A_184 : i32
    "tpu.region"() ({
      %run_scoped3A = tpu.sem_alloc : memref<!tpu.dma_semaphore, #tpu.memory_space<semaphore_mem>>
      %dma_start3A_201 = arith.constant 0 : i32
      %dma_start3A_202 = tpu.memref_slice %arg4[%add3A_185, %dma_start3A_201] : memref<245760x128xf32, #tpu.memory_space<hbm>> -> memref<384x128xf32, #tpu.memory_space<hbm>>
      %dma_start3A_203 = arith.constant 0 : i32
      %dma_start3A_204 = tpu.memref_slice %arg4[%add3A_185, %dma_start3A_203] : memref<245760x128xf32, #tpu.memory_space<hbm>> -> memref<384x128xf32, #tpu.memory_space<hbm>>
      tpu.enqueue_dma source(%arg8 : memref<384x128xf32, #tpu.memory_space<vmem>>) target(%dma_start3A_204 : memref<384x128xf32, #tpu.memory_space<hbm>>) target_semaphore(%run_scoped3A : memref<!tpu.dma_semaphore, #tpu.memory_space<semaphore_mem>>)
      %dma_wait3A_205 = arith.constant 0 : i32
      %dma_wait3A_206 = tpu.memref_slice %arg4[%add3A_185, %dma_wait3A_205] : memref<245760x128xf32, #tpu.memory_space<hbm>> -> memref<384x128xf32, #tpu.memory_space<hbm>>
      %dma_wait3A_207 = arith.constant 0 : i32
      %dma_wait3A_208 = tpu.memref_slice %arg4[%add3A_185, %dma_wait3A_207] : memref<245760x128xf32, #tpu.memory_space<hbm>> -> memref<384x128xf32, #tpu.memory_space<hbm>>
      tpu.wait_dma2 semaphore(%run_scoped3A : memref<!tpu.dma_semaphore, #tpu.memory_space<semaphore_mem>>) src(%arg8 : memref<384x128xf32, #tpu.memory_space<vmem>>) dst(%dma_wait3A_208 : memref<384x128xf32, #tpu.memory_space<hbm>>)
      tpu.yield
    }) : () -> ()
    %add3A_186 = arith.constant 7296 : i32
    %add3A_187 = arith.addi %mul3A_2, %add3A_186 : i32
    "tpu.region"() ({
      %run_scoped3A = tpu.sem_alloc : memref<!tpu.dma_semaphore, #tpu.memory_space<semaphore_mem>>
      %dma_start3A_201 = tpu.memref_slice %arg2[%add3A_187] : memref<245760xi32, #tpu.memory_space<hbm>> -> memref<384xi32, #tpu.memory_space<hbm>>
      %dma_start3A_202 = tpu.memref_slice %arg2[%add3A_187] : memref<245760xi32, #tpu.memory_space<hbm>> -> memref<384xi32, #tpu.memory_space<hbm>>
      tpu.enqueue_dma source(%dma_start3A_202 : memref<384xi32, #tpu.memory_space<hbm>>) target(%arg6 : memref<384xi32, #tpu.memory_space<vmem>>) target_semaphore(%run_scoped3A : memref<!tpu.dma_semaphore, #tpu.memory_space<semaphore_mem>>)
      %dma_wait3A_203 = tpu.memref_slice %arg2[%add3A_187] : memref<245760xi32, #tpu.memory_space<hbm>> -> memref<384xi32, #tpu.memory_space<hbm>>
      %dma_wait3A_204 = tpu.memref_slice %arg2[%add3A_187] : memref<245760xi32, #tpu.memory_space<hbm>> -> memref<384xi32, #tpu.memory_space<hbm>>
      tpu.wait_dma2 semaphore(%run_scoped3A : memref<!tpu.dma_semaphore, #tpu.memory_space<semaphore_mem>>) src(%dma_wait3A_204 : memref<384xi32, #tpu.memory_space<hbm>>) dst(%arg6 : memref<384xi32, #tpu.memory_space<vmem>>)
      tpu.yield
    }) : () -> ()
    %dma_start3A_188 = arith.constant 0 : i32
    %dma_start3A_189 = arith.constant 0 : i32
    %dma_start3A_190 = tpu.memref_slice %arg3[%dma_start3A_188, %dma_start3A_189] : memref<100000x128xf32, #tpu.memory_space<hbm>> -> memref<100000x128xf32, #tpu.memory_space<hbm>>
    tpu.enqueue_indirect_dma source(%dma_start3A_190 : memref<100000x128xf32, #tpu.memory_space<hbm>>) target(%arg8 : memref<384x128xf32, #tpu.memory_space<vmem>>) offsets(%arg6 : memref<384xi32, #tpu.memory_space<vmem>>) semaphore(%arg10 : memref<!tpu.dma_semaphore, #tpu.memory_space<semaphore_mem>>)
    %dma_wait3A_191 = arith.constant 0 : i32
    %dma_wait3A_192 = arith.constant 0 : i32
    %dma_wait3A_193 = tpu.memref_slice %arg3[%dma_wait3A_191, %dma_wait3A_192] : memref<100000x128xf32, #tpu.memory_space<hbm>> -> memref<100000x128xf32, #tpu.memory_space<hbm>>
    tpu.wait_indirect_dma semaphore(%arg9 : memref<!tpu.dma_semaphore, #tpu.memory_space<semaphore_mem>>) src(%dma_wait3A_193 : memref<100000x128xf32, #tpu.memory_space<hbm>>) dst(%arg7 : memref<384x128xf32, #tpu.memory_space<vmem>>)
    %add3A_194 = arith.constant 6912 : i32
    %add3A_195 = arith.addi %mul3A_2, %add3A_194 : i32
    "tpu.region"() ({
      %run_scoped3A = tpu.sem_alloc : memref<!tpu.dma_semaphore, #tpu.memory_space<semaphore_mem>>
      %dma_start3A_201 = arith.constant 0 : i32
      %dma_start3A_202 = tpu.memref_slice %arg4[%add3A_195, %dma_start3A_201] : memref<245760x128xf32, #tpu.memory_space<hbm>> -> memref<384x128xf32, #tpu.memory_space<hbm>>
      %dma_start3A_203 = arith.constant 0 : i32
      %dma_start3A_204 = tpu.memref_slice %arg4[%add3A_195, %dma_start3A_203] : memref<245760x128xf32, #tpu.memory_space<hbm>> -> memref<384x128xf32, #tpu.memory_space<hbm>>
      tpu.enqueue_dma source(%arg7 : memref<384x128xf32, #tpu.memory_space<vmem>>) target(%dma_start3A_204 : memref<384x128xf32, #tpu.memory_space<hbm>>) target_semaphore(%run_scoped3A : memref<!tpu.dma_semaphore, #tpu.memory_space<semaphore_mem>>)
      %dma_wait3A_205 = arith.constant 0 : i32
      %dma_wait3A_206 = tpu.memref_slice %arg4[%add3A_195, %dma_wait3A_205] : memref<245760x128xf32, #tpu.memory_space<hbm>> -> memref<384x128xf32, #tpu.memory_space<hbm>>
      %dma_wait3A_207 = arith.constant 0 : i32
      %dma_wait3A_208 = tpu.memref_slice %arg4[%add3A_195, %dma_wait3A_207] : memref<245760x128xf32, #tpu.memory_space<hbm>> -> memref<384x128xf32, #tpu.memory_space<hbm>>
      tpu.wait_dma2 semaphore(%run_scoped3A : memref<!tpu.dma_semaphore, #tpu.memory_space<semaphore_mem>>) src(%arg7 : memref<384x128xf32, #tpu.memory_space<vmem>>) dst(%dma_wait3A_208 : memref<384x128xf32, #tpu.memory_space<hbm>>)
      tpu.yield
    }) : () -> ()
    %dma_wait3A_196 = arith.constant 0 : i32
    %dma_wait3A_197 = arith.constant 0 : i32
    %dma_wait3A_198 = tpu.memref_slice %arg3[%dma_wait3A_196, %dma_wait3A_197] : memref<100000x128xf32, #tpu.memory_space<hbm>> -> memref<100000x128xf32, #tpu.memory_space<hbm>>
    tpu.wait_indirect_dma semaphore(%arg10 : memref<!tpu.dma_semaphore, #tpu.memory_space<semaphore_mem>>) src(%dma_wait3A_198 : memref<100000x128xf32, #tpu.memory_space<hbm>>) dst(%arg8 : memref<384x128xf32, #tpu.memory_space<vmem>>)
    %add3A_199 = arith.constant 7296 : i32
    %add3A_200 = arith.addi %mul3A_2, %add3A_199 : i32
    "tpu.region"() ({
      %run_scoped3A = tpu.sem_alloc : memref<!tpu.dma_semaphore, #tpu.memory_space<semaphore_mem>>
      %dma_start3A_201 = arith.constant 0 : i32
      %dma_start3A_202 = tpu.memref_slice %arg4[%add3A_200, %dma_start3A_201] : memref<245760x128xf32, #tpu.memory_space<hbm>> -> memref<384x128xf32, #tpu.memory_space<hbm>>
      %dma_start3A_203 = arith.constant 0 : i32
      %dma_start3A_204 = tpu.memref_slice %arg4[%add3A_200, %dma_start3A_203] : memref<245760x128xf32, #tpu.memory_space<hbm>> -> memref<384x128xf32, #tpu.memory_space<hbm>>
      tpu.enqueue_dma source(%arg8 : memref<384x128xf32, #tpu.memory_space<vmem>>) target(%dma_start3A_204 : memref<384x128xf32, #tpu.memory_space<hbm>>) target_semaphore(%run_scoped3A : memref<!tpu.dma_semaphore, #tpu.memory_space<semaphore_mem>>)
      %dma_wait3A_205 = arith.constant 0 : i32
      %dma_wait3A_206 = tpu.memref_slice %arg4[%add3A_200, %dma_wait3A_205] : memref<245760x128xf32, #tpu.memory_space<hbm>> -> memref<384x128xf32, #tpu.memory_space<hbm>>
      %dma_wait3A_207 = arith.constant 0 : i32
      %dma_wait3A_208 = tpu.memref_slice %arg4[%add3A_200, %dma_wait3A_207] : memref<245760x128xf32, #tpu.memory_space<hbm>> -> memref<384x128xf32, #tpu.memory_space<hbm>>
      tpu.wait_dma2 semaphore(%run_scoped3A : memref<!tpu.dma_semaphore, #tpu.memory_space<semaphore_mem>>) src(%arg8 : memref<384x128xf32, #tpu.memory_space<vmem>>) dst(%dma_wait3A_208 : memref<384x128xf32, #tpu.memory_space<hbm>>)
      tpu.yield
    }) : () -> ()
    return
  }
}

#map = affine_map<(d0, d1) -> (0)>
#map1 = affine_map<(d0, d1) -> (0, 0)>
module attributes {stable_mosaic.version = 14 : i64} {
  func.func @_gather_nodes_body(%arg0: i32, %arg1: i32, %arg2: memref<10240xi32, #tpu.memory_space<hbm>>, %arg3: memref<100000x24xi32, #tpu.memory_space<hbm>>, %arg4: memref<100000x128xf32, #tpu.memory_space<hbm>>, %arg5: memref<10240x24xi32, #tpu.memory_space<hbm>>, %arg6: memref<10240x128xf32, #tpu.memory_space<hbm>>, %arg7: memref<320xi32, #tpu.memory_space<vmem>>, %arg8: memref<320x24xi32, #tpu.memory_space<vmem>>, %arg9: memref<320x128xf32, #tpu.memory_space<vmem>>, %arg10: memref<!tpu.dma_semaphore, #tpu.memory_space<semaphore_mem>>, %arg11: memref<!tpu.dma_semaphore, #tpu.memory_space<semaphore_mem>>) attributes {dimension_semantics = [#tpu.dimension_semantics<core_parallel>, #tpu.dimension_semantics<subcore_parallel>], iteration_bounds = array<i64: 2, 16>, scalar_prefetch = 0 : i64, scratch_operands = 5 : i64, tpu.core_type = #tpu.core_type<sc_vector_subcore>, window_params = [{transform_indices = #map}, {transform_indices = #map1}, {transform_indices = #map1}, {transform_indices = #map1}, {transform_indices = #map1}]} {
    %mul3A = arith.constant 2 : i32
    %mul3A_0 = arith.muli %arg1, %mul3A : i32
    %add3A = arith.addi %mul3A_0, %arg0 : i32
    %mul3A_1 = arith.constant 320 : i32
    %mul3A_2 = arith.muli %add3A, %mul3A_1 : i32
    "tpu.region"() ({
      %run_scoped3A = tpu.sem_alloc : memref<!tpu.dma_semaphore, #tpu.memory_space<semaphore_mem>>
      %dma_start3A_13 = tpu.memref_slice %arg2[%mul3A_2] : memref<10240xi32, #tpu.memory_space<hbm>> -> memref<320xi32, #tpu.memory_space<hbm>>
      %dma_start3A_14 = tpu.memref_slice %arg2[%mul3A_2] : memref<10240xi32, #tpu.memory_space<hbm>> -> memref<320xi32, #tpu.memory_space<hbm>>
      tpu.enqueue_dma source(%dma_start3A_14 : memref<320xi32, #tpu.memory_space<hbm>>) target(%arg7 : memref<320xi32, #tpu.memory_space<vmem>>) target_semaphore(%run_scoped3A : memref<!tpu.dma_semaphore, #tpu.memory_space<semaphore_mem>>)
      %dma_wait3A_15 = tpu.memref_slice %arg2[%mul3A_2] : memref<10240xi32, #tpu.memory_space<hbm>> -> memref<320xi32, #tpu.memory_space<hbm>>
      %dma_wait3A_16 = tpu.memref_slice %arg2[%mul3A_2] : memref<10240xi32, #tpu.memory_space<hbm>> -> memref<320xi32, #tpu.memory_space<hbm>>
      tpu.wait_dma2 semaphore(%run_scoped3A : memref<!tpu.dma_semaphore, #tpu.memory_space<semaphore_mem>>) src(%dma_wait3A_16 : memref<320xi32, #tpu.memory_space<hbm>>) dst(%arg7 : memref<320xi32, #tpu.memory_space<vmem>>)
      tpu.yield
    }) : () -> ()
    %dma_start3A = arith.constant 0 : i32
    %dma_start3A_3 = arith.constant 0 : i32
    %dma_start3A_4 = tpu.memref_slice %arg3[%dma_start3A, %dma_start3A_3] : memref<100000x24xi32, #tpu.memory_space<hbm>> -> memref<100000x24xi32, #tpu.memory_space<hbm>>
    tpu.enqueue_indirect_dma source(%dma_start3A_4 : memref<100000x24xi32, #tpu.memory_space<hbm>>) target(%arg8 : memref<320x24xi32, #tpu.memory_space<vmem>>) offsets(%arg7 : memref<320xi32, #tpu.memory_space<vmem>>) semaphore(%arg10 : memref<!tpu.dma_semaphore, #tpu.memory_space<semaphore_mem>>)
    %dma_start3A_5 = arith.constant 0 : i32
    %dma_start3A_6 = arith.constant 0 : i32
    %dma_start3A_7 = tpu.memref_slice %arg4[%dma_start3A_5, %dma_start3A_6] : memref<100000x128xf32, #tpu.memory_space<hbm>> -> memref<100000x128xf32, #tpu.memory_space<hbm>>
    tpu.enqueue_indirect_dma source(%dma_start3A_7 : memref<100000x128xf32, #tpu.memory_space<hbm>>) target(%arg9 : memref<320x128xf32, #tpu.memory_space<vmem>>) offsets(%arg7 : memref<320xi32, #tpu.memory_space<vmem>>) semaphore(%arg11 : memref<!tpu.dma_semaphore, #tpu.memory_space<semaphore_mem>>)
    %dma_wait3A = arith.constant 0 : i32
    %dma_wait3A_8 = arith.constant 0 : i32
    %dma_wait3A_9 = tpu.memref_slice %arg3[%dma_wait3A, %dma_wait3A_8] : memref<100000x24xi32, #tpu.memory_space<hbm>> -> memref<100000x24xi32, #tpu.memory_space<hbm>>
    tpu.wait_indirect_dma semaphore(%arg10 : memref<!tpu.dma_semaphore, #tpu.memory_space<semaphore_mem>>) src(%dma_wait3A_9 : memref<100000x24xi32, #tpu.memory_space<hbm>>) dst(%arg8 : memref<320x24xi32, #tpu.memory_space<vmem>>)
    "tpu.region"() ({
      %run_scoped3A = tpu.sem_alloc : memref<!tpu.dma_semaphore, #tpu.memory_space<semaphore_mem>>
      %dma_start3A_13 = arith.constant 0 : i32
      %dma_start3A_14 = tpu.memref_slice %arg5[%mul3A_2, %dma_start3A_13] : memref<10240x24xi32, #tpu.memory_space<hbm>> -> memref<320x24xi32, #tpu.memory_space<hbm>>
      %dma_start3A_15 = arith.constant 0 : i32
      %dma_start3A_16 = tpu.memref_slice %arg5[%mul3A_2, %dma_start3A_15] : memref<10240x24xi32, #tpu.memory_space<hbm>> -> memref<320x24xi32, #tpu.memory_space<hbm>>
      tpu.enqueue_dma source(%arg8 : memref<320x24xi32, #tpu.memory_space<vmem>>) target(%dma_start3A_16 : memref<320x24xi32, #tpu.memory_space<hbm>>) target_semaphore(%run_scoped3A : memref<!tpu.dma_semaphore, #tpu.memory_space<semaphore_mem>>)
      %dma_wait3A_17 = arith.constant 0 : i32
      %dma_wait3A_18 = tpu.memref_slice %arg5[%mul3A_2, %dma_wait3A_17] : memref<10240x24xi32, #tpu.memory_space<hbm>> -> memref<320x24xi32, #tpu.memory_space<hbm>>
      %dma_wait3A_19 = arith.constant 0 : i32
      %dma_wait3A_20 = tpu.memref_slice %arg5[%mul3A_2, %dma_wait3A_19] : memref<10240x24xi32, #tpu.memory_space<hbm>> -> memref<320x24xi32, #tpu.memory_space<hbm>>
      tpu.wait_dma2 semaphore(%run_scoped3A : memref<!tpu.dma_semaphore, #tpu.memory_space<semaphore_mem>>) src(%arg8 : memref<320x24xi32, #tpu.memory_space<vmem>>) dst(%dma_wait3A_20 : memref<320x24xi32, #tpu.memory_space<hbm>>)
      tpu.yield
    }) : () -> ()
    %dma_wait3A_10 = arith.constant 0 : i32
    %dma_wait3A_11 = arith.constant 0 : i32
    %dma_wait3A_12 = tpu.memref_slice %arg4[%dma_wait3A_10, %dma_wait3A_11] : memref<100000x128xf32, #tpu.memory_space<hbm>> -> memref<100000x128xf32, #tpu.memory_space<hbm>>
    tpu.wait_indirect_dma semaphore(%arg11 : memref<!tpu.dma_semaphore, #tpu.memory_space<semaphore_mem>>) src(%dma_wait3A_12 : memref<100000x128xf32, #tpu.memory_space<hbm>>) dst(%arg9 : memref<320x128xf32, #tpu.memory_space<vmem>>)
    "tpu.region"() ({
      %run_scoped3A = tpu.sem_alloc : memref<!tpu.dma_semaphore, #tpu.memory_space<semaphore_mem>>
      %dma_start3A_13 = arith.constant 0 : i32
      %dma_start3A_14 = tpu.memref_slice %arg6[%mul3A_2, %dma_start3A_13] : memref<10240x128xf32, #tpu.memory_space<hbm>> -> memref<320x128xf32, #tpu.memory_space<hbm>>
      %dma_start3A_15 = arith.constant 0 : i32
      %dma_start3A_16 = tpu.memref_slice %arg6[%mul3A_2, %dma_start3A_15] : memref<10240x128xf32, #tpu.memory_space<hbm>> -> memref<320x128xf32, #tpu.memory_space<hbm>>
      tpu.enqueue_dma source(%arg9 : memref<320x128xf32, #tpu.memory_space<vmem>>) target(%dma_start3A_16 : memref<320x128xf32, #tpu.memory_space<hbm>>) target_semaphore(%run_scoped3A : memref<!tpu.dma_semaphore, #tpu.memory_space<semaphore_mem>>)
      %dma_wait3A_17 = arith.constant 0 : i32
      %dma_wait3A_18 = tpu.memref_slice %arg6[%mul3A_2, %dma_wait3A_17] : memref<10240x128xf32, #tpu.memory_space<hbm>> -> memref<320x128xf32, #tpu.memory_space<hbm>>
      %dma_wait3A_19 = arith.constant 0 : i32
      %dma_wait3A_20 = tpu.memref_slice %arg6[%mul3A_2, %dma_wait3A_19] : memref<10240x128xf32, #tpu.memory_space<hbm>> -> memref<320x128xf32, #tpu.memory_space<hbm>>
      tpu.wait_dma2 semaphore(%run_scoped3A : memref<!tpu.dma_semaphore, #tpu.memory_space<semaphore_mem>>) src(%arg9 : memref<320x128xf32, #tpu.memory_space<vmem>>) dst(%dma_wait3A_20 : memref<320x128xf32, #tpu.memory_space<hbm>>)
      tpu.yield
    }) : () -> ()
    return
  }
}

#map = affine_map<(d0, d1) -> (0)>
#map1 = affine_map<(d0, d1) -> (0, 0)>
module attributes {stable_mosaic.version = 14 : i64} {
  func.func @_scatter_body(%arg0: i32, %arg1: i32, %arg2: memref<10000xi32, #tpu.memory_space<hbm>>, %arg3: memref<10240x128xf32, #tpu.memory_space<hbm>>, %arg4: memref<100000x128xf32, #tpu.memory_space<hbm>>, %arg5: memref<10000xi32, #tpu.memory_space<vmem>>, %arg6: memref<4000xi32, #tpu.memory_space<vmem>>, %arg7: memref<800x128xf32, #tpu.memory_space<vmem>>, %arg8: memref<!tpu.dma_semaphore, #tpu.memory_space<semaphore_mem>>) attributes {dimension_semantics = [#tpu.dimension_semantics<core_parallel>, #tpu.dimension_semantics<subcore_parallel>], iteration_bounds = array<i64: 2, 16>, scalar_prefetch = 0 : i64, scratch_operands = 4 : i64, tpu.core_type = #tpu.core_type<sc_vector_subcore>, window_params = [{transform_indices = #map}, {transform_indices = #map1}, {transform_indices = #map1}]} {
    %mul3A = arith.constant 2 : i32
    %mul3A_0 = arith.muli %arg1, %mul3A : i32
    %add3A = arith.addi %mul3A_0, %arg0 : i32
    %lt3A = arith.constant 25 : i32
    %lt3A_1 = arith.cmpi slt, %add3A, %lt3A : i32
    %convert_element_type3A = arith.extui %lt3A_1 : i1 to i32
    %cond3A = arith.constant 0 : i32
    %cond3A_2 = arith.cmpi ne, %convert_element_type3A, %cond3A : i32
    scf.if %cond3A_2 {
      %mul3A_3 = arith.constant 4000 : i32
      %mul3A_4 = arith.muli %add3A, %mul3A_3 : i32
      "tpu.region"() ({
        %run_scoped3A = tpu.sem_alloc : memref<!tpu.dma_semaphore, #tpu.memory_space<semaphore_mem>>
        tpu.enqueue_dma source(%arg2 : memref<10000xi32, #tpu.memory_space<hbm>>) target(%arg5 : memref<10000xi32, #tpu.memory_space<vmem>>) target_semaphore(%run_scoped3A : memref<!tpu.dma_semaphore, #tpu.memory_space<semaphore_mem>>)
        tpu.wait_dma2 semaphore(%run_scoped3A : memref<!tpu.dma_semaphore, #tpu.memory_space<semaphore_mem>>) src(%arg2 : memref<10000xi32, #tpu.memory_space<hbm>>) dst(%arg5 : memref<10000xi32, #tpu.memory_space<vmem>>)
        tpu.yield
      }) : () -> ()
      %scan3A = arith.constant 0 : i32
      %scan3A_5 = arith.constant 0 : i32
      %scan3A_6 = arith.constant 250 : i32
      %scan3A_7 = arith.addi %scan3A_5, %scan3A_6 : i32
      %scan3A_8 = arith.constant 1 : i32
      scf.for %scan3A_74 = %scan3A_5 to %scan3A_7 step %scan3A_8  : i32 {
        %broadcast_in_dim3A = arith.constant 10016 : i32
        %broadcast_in_dim3A_75 = vector.broadcast %broadcast_in_dim3A : i32 to vector<16xi32>
        %mul3A_76 = arith.constant 16 : i32
        %mul3A_77 = arith.muli %scan3A_74, %mul3A_76 : i32
        %swap3A = arith.index_cast %mul3A_77 : i32 to index
        %swap3A_78 = tpu.vector_load %arg6[%swap3A] {strides = array<i32>} : memref<4000xi32, #tpu.memory_space<vmem>>, vector<16xi32>,
        tpu.vector_store %arg6[%swap3A], %broadcast_in_dim3A_75 {strides = array<i32>} : memref<4000xi32, #tpu.memory_space<vmem>>, vector<16xi32>,
      }
      %scan3A_9 = arith.constant 250 : i32
      %scan3A_10 = arith.constant 0 : i32
      %scan3A_11 = arith.constant 0 : i32
      %scan3A_12 = arith.constant 625 : i32
      %scan3A_13 = arith.addi %scan3A_11, %scan3A_12 : i32
      %scan3A_14 = arith.constant 1 : i32
      scf.for %scan3A_74 = %scan3A_11 to %scan3A_13 step %scan3A_14  : i32 {
        %mul3A_75 = arith.constant 16 : i32
        %mul3A_76 = arith.muli %scan3A_74, %mul3A_75 : i32
        %get3A = arith.index_cast %mul3A_76 : i32 to index
        %get3A_77 = tpu.vector_load %arg5[%get3A] {strides = array<i32>} : memref<10000xi32, #tpu.memory_space<vmem>>, vector<16xi32>,
        %sub3A = vector.broadcast %mul3A_4 : i32 to vector<16xi32>
        %sub3A_78 = arith.subi %get3A_77, %sub3A : vector<16xi32>
        %ge3A = arith.constant 0 : i32
        %ge3A_79 = vector.broadcast %ge3A : i32 to vector<16xi32>
        %ge3A_80 = arith.cmpi sge, %sub3A_78, %ge3A_79 : vector<16xi32>
        %lt3A_81 = arith.constant 4000 : i32
        %lt3A_82 = vector.broadcast %lt3A_81 : i32 to vector<16xi32>
        %lt3A_83 = arith.cmpi slt, %sub3A_78, %lt3A_82 : vector<16xi32>
        %and3A = arith.andi %ge3A_80, %lt3A_83 : vector<16xi1>
        %jit3A = arith.constant 0 : i32
        %jit3A_84 = arith.constant 3999 : i32
        %max3A = vector.broadcast %jit3A : i32 to vector<16xi32>
        %max3A_85 = arith.maxsi %max3A, %sub3A_78 : vector<16xi32>
        %min3A = vector.broadcast %jit3A_84 : i32 to vector<16xi32>
        %min3A_86 = arith.minsi %min3A, %max3A_85 : vector<16xi32>
        %mul3A_87 = arith.constant 16 : i32
        %mul3A_88 = arith.muli %scan3A_74, %mul3A_87 : i32
        %iota3A = tpu.iota {dimensions = array<i32: 0>} : vector<16xi32>
        %add3A_89 = vector.broadcast %mul3A_88 : i32 to vector<16xi32>
        %add3A_90 = arith.addi %add3A_89, %iota3A : vector<16xi32>
        tpu.vector_store_idx %arg6[%min3A_86], %add3A_90 masked %and3A : memref<4000xi32, #tpu.memory_space<vmem>>[vector<16xi32>], vector<16xi32>, vector<16xi1>
      }
      %scan3A_15 = arith.constant 625 : i32
      %dma_start3A = arith.constant 0 : i32
      %dma_start3A_16 = tpu.memref_slice %arg6[%dma_start3A] : memref<4000xi32, #tpu.memory_space<vmem>> -> memref<800xi32, #tpu.memory_space<vmem>>
      %dma_start3A_17 = arith.constant 0 : i32
      %dma_start3A_18 = arith.constant 0 : i32
      %dma_start3A_19 = tpu.memref_slice %arg3[%dma_start3A_17, %dma_start3A_18] : memref<10240x128xf32, #tpu.memory_space<hbm>> -> memref<10240x128xf32, #tpu.memory_space<hbm>>
      tpu.enqueue_indirect_dma source(%dma_start3A_19 : memref<10240x128xf32, #tpu.memory_space<hbm>>) target(%arg7 : memref<800x128xf32, #tpu.memory_space<vmem>>) offsets(%dma_start3A_16 : memref<800xi32, #tpu.memory_space<vmem>>) semaphore(%arg8 : memref<!tpu.dma_semaphore, #tpu.memory_space<semaphore_mem>>)
      %dma_wait3A = arith.constant 0 : i32
      %dma_wait3A_20 = tpu.memref_slice %arg6[%dma_wait3A] : memref<4000xi32, #tpu.memory_space<vmem>> -> memref<800xi32, #tpu.memory_space<vmem>>
      %dma_wait3A_21 = arith.constant 0 : i32
      %dma_wait3A_22 = arith.constant 0 : i32
      %dma_wait3A_23 = tpu.memref_slice %arg3[%dma_wait3A_21, %dma_wait3A_22] : memref<10240x128xf32, #tpu.memory_space<hbm>> -> memref<10240x128xf32, #tpu.memory_space<hbm>>
      tpu.wait_indirect_dma semaphore(%arg8 : memref<!tpu.dma_semaphore, #tpu.memory_space<semaphore_mem>>) src(%dma_wait3A_23 : memref<10240x128xf32, #tpu.memory_space<hbm>>) dst(%arg7 : memref<800x128xf32, #tpu.memory_space<vmem>>)
      %add3A_24 = arith.constant 0 : i32
      %add3A_25 = arith.addi %mul3A_4, %add3A_24 : i32
      "tpu.region"() ({
        %run_scoped3A = tpu.sem_alloc : memref<!tpu.dma_semaphore, #tpu.memory_space<semaphore_mem>>
        %dma_start3A_74 = arith.constant 0 : i32
        %dma_start3A_75 = tpu.memref_slice %arg4[%add3A_25, %dma_start3A_74] : memref<100000x128xf32, #tpu.memory_space<hbm>> -> memref<800x128xf32, #tpu.memory_space<hbm>>
        %dma_start3A_76 = arith.constant 0 : i32
        %dma_start3A_77 = tpu.memref_slice %arg4[%add3A_25, %dma_start3A_76] : memref<100000x128xf32, #tpu.memory_space<hbm>> -> memref<800x128xf32, #tpu.memory_space<hbm>>
        tpu.enqueue_dma source(%arg7 : memref<800x128xf32, #tpu.memory_space<vmem>>) target(%dma_start3A_77 : memref<800x128xf32, #tpu.memory_space<hbm>>) target_semaphore(%run_scoped3A : memref<!tpu.dma_semaphore, #tpu.memory_space<semaphore_mem>>)
        %dma_wait3A_78 = arith.constant 0 : i32
        %dma_wait3A_79 = tpu.memref_slice %arg4[%add3A_25, %dma_wait3A_78] : memref<100000x128xf32, #tpu.memory_space<hbm>> -> memref<800x128xf32, #tpu.memory_space<hbm>>
        %dma_wait3A_80 = arith.constant 0 : i32
        %dma_wait3A_81 = tpu.memref_slice %arg4[%add3A_25, %dma_wait3A_80] : memref<100000x128xf32, #tpu.memory_space<hbm>> -> memref<800x128xf32, #tpu.memory_space<hbm>>
        tpu.wait_dma2 semaphore(%run_scoped3A : memref<!tpu.dma_semaphore, #tpu.memory_space<semaphore_mem>>) src(%arg7 : memref<800x128xf32, #tpu.memory_space<vmem>>) dst(%dma_wait3A_81 : memref<800x128xf32, #tpu.memory_space<hbm>>)
        tpu.yield
      }) : () -> ()
      %dma_start3A_26 = arith.constant 800 : i32
      %dma_start3A_27 = tpu.memref_slice %arg6[%dma_start3A_26] : memref<4000xi32, #tpu.memory_space<vmem>> -> memref<800xi32, #tpu.memory_space<vmem>>
      %dma_start3A_28 = arith.constant 0 : i32
      %dma_start3A_29 = arith.constant 0 : i32
      %dma_start3A_30 = tpu.memref_slice %arg3[%dma_start3A_28, %dma_start3A_29] : memref<10240x128xf32, #tpu.memory_space<hbm>> -> memref<10240x128xf32, #tpu.memory_space<hbm>>
      tpu.enqueue_indirect_dma source(%dma_start3A_30 : memref<10240x128xf32, #tpu.memory_space<hbm>>) target(%arg7 : memref<800x128xf32, #tpu.memory_space<vmem>>) offsets(%dma_start3A_27 : memref<800xi32, #tpu.memory_space<vmem>>) semaphore(%arg8 : memref<!tpu.dma_semaphore, #tpu.memory_space<semaphore_mem>>)
      %dma_wait3A_31 = arith.constant 800 : i32
      %dma_wait3A_32 = tpu.memref_slice %arg6[%dma_wait3A_31] : memref<4000xi32, #tpu.memory_space<vmem>> -> memref<800xi32, #tpu.memory_space<vmem>>
      %dma_wait3A_33 = arith.constant 0 : i32
      %dma_wait3A_34 = arith.constant 0 : i32
      %dma_wait3A_35 = tpu.memref_slice %arg3[%dma_wait3A_33, %dma_wait3A_34] : memref<10240x128xf32, #tpu.memory_space<hbm>> -> memref<10240x128xf32, #tpu.memory_space<hbm>>
      tpu.wait_indirect_dma semaphore(%arg8 : memref<!tpu.dma_semaphore, #tpu.memory_space<semaphore_mem>>) src(%dma_wait3A_35 : memref<10240x128xf32, #tpu.memory_space<hbm>>) dst(%arg7 : memref<800x128xf32, #tpu.memory_space<vmem>>)
      %add3A_36 = arith.constant 800 : i32
      %add3A_37 = arith.addi %mul3A_4, %add3A_36 : i32
      "tpu.region"() ({
        %run_scoped3A = tpu.sem_alloc : memref<!tpu.dma_semaphore, #tpu.memory_space<semaphore_mem>>
        %dma_start3A_74 = arith.constant 0 : i32
        %dma_start3A_75 = tpu.memref_slice %arg4[%add3A_37, %dma_start3A_74] : memref<100000x128xf32, #tpu.memory_space<hbm>> -> memref<800x128xf32, #tpu.memory_space<hbm>>
        %dma_start3A_76 = arith.constant 0 : i32
        %dma_start3A_77 = tpu.memref_slice %arg4[%add3A_37, %dma_start3A_76] : memref<100000x128xf32, #tpu.memory_space<hbm>> -> memref<800x128xf32, #tpu.memory_space<hbm>>
        tpu.enqueue_dma source(%arg7 : memref<800x128xf32, #tpu.memory_space<vmem>>) target(%dma_start3A_77 : memref<800x128xf32, #tpu.memory_space<hbm>>) target_semaphore(%run_scoped3A : memref<!tpu.dma_semaphore, #tpu.memory_space<semaphore_mem>>)
        %dma_wait3A_78 = arith.constant 0 : i32
        %dma_wait3A_79 = tpu.memref_slice %arg4[%add3A_37, %dma_wait3A_78] : memref<100000x128xf32, #tpu.memory_space<hbm>> -> memref<800x128xf32, #tpu.memory_space<hbm>>
        %dma_wait3A_80 = arith.constant 0 : i32
        %dma_wait3A_81 = tpu.memref_slice %arg4[%add3A_37, %dma_wait3A_80] : memref<100000x128xf32, #tpu.memory_space<hbm>> -> memref<800x128xf32, #tpu.memory_space<hbm>>
        tpu.wait_dma2 semaphore(%run_scoped3A : memref<!tpu.dma_semaphore, #tpu.memory_space<semaphore_mem>>) src(%arg7 : memref<800x128xf32, #tpu.memory_space<vmem>>) dst(%dma_wait3A_81 : memref<800x128xf32, #tpu.memory_space<hbm>>)
        tpu.yield
      }) : () -> ()
      %dma_start3A_38 = arith.constant 1600 : i32
      %dma_start3A_39 = tpu.memref_slice %arg6[%dma_start3A_38] : memref<4000xi32, #tpu.memory_space<vmem>> -> memref<800xi32, #tpu.memory_space<vmem>>
      %dma_start3A_40 = arith.constant 0 : i32
      %dma_start3A_41 = arith.constant 0 : i32
      %dma_start3A_42 = tpu.memref_slice %arg3[%dma_start3A_40, %dma_start3A_41] : memref<10240x128xf32, #tpu.memory_space<hbm>> -> memref<10240x128xf32, #tpu.memory_space<hbm>>
      tpu.enqueue_indirect_dma source(%dma_start3A_42 : memref<10240x128xf32, #tpu.memory_space<hbm>>) target(%arg7 : memref<800x128xf32, #tpu.memory_space<vmem>>) offsets(%dma_start3A_39 : memref<800xi32, #tpu.memory_space<vmem>>) semaphore(%arg8 : memref<!tpu.dma_semaphore, #tpu.memory_space<semaphore_mem>>)
      %dma_wait3A_43 = arith.constant 1600 : i32
      %dma_wait3A_44 = tpu.memref_slice %arg6[%dma_wait3A_43] : memref<4000xi32, #tpu.memory_space<vmem>> -> memref<800xi32, #tpu.memory_space<vmem>>
      %dma_wait3A_45 = arith.constant 0 : i32
      %dma_wait3A_46 = arith.constant 0 : i32
      %dma_wait3A_47 = tpu.memref_slice %arg3[%dma_wait3A_45, %dma_wait3A_46] : memref<10240x128xf32, #tpu.memory_space<hbm>> -> memref<10240x128xf32, #tpu.memory_space<hbm>>
      tpu.wait_indirect_dma semaphore(%arg8 : memref<!tpu.dma_semaphore, #tpu.memory_space<semaphore_mem>>) src(%dma_wait3A_47 : memref<10240x128xf32, #tpu.memory_space<hbm>>) dst(%arg7 : memref<800x128xf32, #tpu.memory_space<vmem>>)
      %add3A_48 = arith.constant 1600 : i32
      %add3A_49 = arith.addi %mul3A_4, %add3A_48 : i32
      "tpu.region"() ({
        %run_scoped3A = tpu.sem_alloc : memref<!tpu.dma_semaphore, #tpu.memory_space<semaphore_mem>>
        %dma_start3A_74 = arith.constant 0 : i32
        %dma_start3A_75 = tpu.memref_slice %arg4[%add3A_49, %dma_start3A_74] : memref<100000x128xf32, #tpu.memory_space<hbm>> -> memref<800x128xf32, #tpu.memory_space<hbm>>
        %dma_start3A_76 = arith.constant 0 : i32
        %dma_start3A_77 = tpu.memref_slice %arg4[%add3A_49, %dma_start3A_76] : memref<100000x128xf32, #tpu.memory_space<hbm>> -> memref<800x128xf32, #tpu.memory_space<hbm>>
        tpu.enqueue_dma source(%arg7 : memref<800x128xf32, #tpu.memory_space<vmem>>) target(%dma_start3A_77 : memref<800x128xf32, #tpu.memory_space<hbm>>) target_semaphore(%run_scoped3A : memref<!tpu.dma_semaphore, #tpu.memory_space<semaphore_mem>>)
        %dma_wait3A_78 = arith.constant 0 : i32
        %dma_wait3A_79 = tpu.memref_slice %arg4[%add3A_49, %dma_wait3A_78] : memref<100000x128xf32, #tpu.memory_space<hbm>> -> memref<800x128xf32, #tpu.memory_space<hbm>>
        %dma_wait3A_80 = arith.constant 0 : i32
        %dma_wait3A_81 = tpu.memref_slice %arg4[%add3A_49, %dma_wait3A_80] : memref<100000x128xf32, #tpu.memory_space<hbm>> -> memref<800x128xf32, #tpu.memory_space<hbm>>
        tpu.wait_dma2 semaphore(%run_scoped3A : memref<!tpu.dma_semaphore, #tpu.memory_space<semaphore_mem>>) src(%arg7 : memref<800x128xf32, #tpu.memory_space<vmem>>) dst(%dma_wait3A_81 : memref<800x128xf32, #tpu.memory_space<hbm>>)
        tpu.yield
      }) : () -> ()
      %dma_start3A_50 = arith.constant 2400 : i32
      %dma_start3A_51 = tpu.memref_slice %arg6[%dma_start3A_50] : memref<4000xi32, #tpu.memory_space<vmem>> -> memref<800xi32, #tpu.memory_space<vmem>>
      %dma_start3A_52 = arith.constant 0 : i32
      %dma_start3A_53 = arith.constant 0 : i32
      %dma_start3A_54 = tpu.memref_slice %arg3[%dma_start3A_52, %dma_start3A_53] : memref<10240x128xf32, #tpu.memory_space<hbm>> -> memref<10240x128xf32, #tpu.memory_space<hbm>>
      tpu.enqueue_indirect_dma source(%dma_start3A_54 : memref<10240x128xf32, #tpu.memory_space<hbm>>) target(%arg7 : memref<800x128xf32, #tpu.memory_space<vmem>>) offsets(%dma_start3A_51 : memref<800xi32, #tpu.memory_space<vmem>>) semaphore(%arg8 : memref<!tpu.dma_semaphore, #tpu.memory_space<semaphore_mem>>)
      %dma_wait3A_55 = arith.constant 2400 : i32
      %dma_wait3A_56 = tpu.memref_slice %arg6[%dma_wait3A_55] : memref<4000xi32, #tpu.memory_space<vmem>> -> memref<800xi32, #tpu.memory_space<vmem>>
      %dma_wait3A_57 = arith.constant 0 : i32
      %dma_wait3A_58 = arith.constant 0 : i32
      %dma_wait3A_59 = tpu.memref_slice %arg3[%dma_wait3A_57, %dma_wait3A_58] : memref<10240x128xf32, #tpu.memory_space<hbm>> -> memref<10240x128xf32, #tpu.memory_space<hbm>>
      tpu.wait_indirect_dma semaphore(%arg8 : memref<!tpu.dma_semaphore, #tpu.memory_space<semaphore_mem>>) src(%dma_wait3A_59 : memref<10240x128xf32, #tpu.memory_space<hbm>>) dst(%arg7 : memref<800x128xf32, #tpu.memory_space<vmem>>)
      %add3A_60 = arith.constant 2400 : i32
      %add3A_61 = arith.addi %mul3A_4, %add3A_60 : i32
      "tpu.region"() ({
        %run_scoped3A = tpu.sem_alloc : memref<!tpu.dma_semaphore, #tpu.memory_space<semaphore_mem>>
        %dma_start3A_74 = arith.constant 0 : i32
        %dma_start3A_75 = tpu.memref_slice %arg4[%add3A_61, %dma_start3A_74] : memref<100000x128xf32, #tpu.memory_space<hbm>> -> memref<800x128xf32, #tpu.memory_space<hbm>>
        %dma_start3A_76 = arith.constant 0 : i32
        %dma_start3A_77 = tpu.memref_slice %arg4[%add3A_61, %dma_start3A_76] : memref<100000x128xf32, #tpu.memory_space<hbm>> -> memref<800x128xf32, #tpu.memory_space<hbm>>
        tpu.enqueue_dma source(%arg7 : memref<800x128xf32, #tpu.memory_space<vmem>>) target(%dma_start3A_77 : memref<800x128xf32, #tpu.memory_space<hbm>>) target_semaphore(%run_scoped3A : memref<!tpu.dma_semaphore, #tpu.memory_space<semaphore_mem>>)
        %dma_wait3A_78 = arith.constant 0 : i32
        %dma_wait3A_79 = tpu.memref_slice %arg4[%add3A_61, %dma_wait3A_78] : memref<100000x128xf32, #tpu.memory_space<hbm>> -> memref<800x128xf32, #tpu.memory_space<hbm>>
        %dma_wait3A_80 = arith.constant 0 : i32
        %dma_wait3A_81 = tpu.memref_slice %arg4[%add3A_61, %dma_wait3A_80] : memref<100000x128xf32, #tpu.memory_space<hbm>> -> memref<800x128xf32, #tpu.memory_space<hbm>>
        tpu.wait_dma2 semaphore(%run_scoped3A : memref<!tpu.dma_semaphore, #tpu.memory_space<semaphore_mem>>) src(%arg7 : memref<800x128xf32, #tpu.memory_space<vmem>>) dst(%dma_wait3A_81 : memref<800x128xf32, #tpu.memory_space<hbm>>)
        tpu.yield
      }) : () -> ()
      %dma_start3A_62 = arith.constant 3200 : i32
      %dma_start3A_63 = tpu.memref_slice %arg6[%dma_start3A_62] : memref<4000xi32, #tpu.memory_space<vmem>> -> memref<800xi32, #tpu.memory_space<vmem>>
      %dma_start3A_64 = arith.constant 0 : i32
      %dma_start3A_65 = arith.constant 0 : i32
      %dma_start3A_66 = tpu.memref_slice %arg3[%dma_start3A_64, %dma_start3A_65] : memref<10240x128xf32, #tpu.memory_space<hbm>> -> memref<10240x128xf32, #tpu.memory_space<hbm>>
      tpu.enqueue_indirect_dma source(%dma_start3A_66 : memref<10240x128xf32, #tpu.memory_space<hbm>>) target(%arg7 : memref<800x128xf32, #tpu.memory_space<vmem>>) offsets(%dma_start3A_63 : memref<800xi32, #tpu.memory_space<vmem>>) semaphore(%arg8 : memref<!tpu.dma_semaphore, #tpu.memory_space<semaphore_mem>>)
      %dma_wait3A_67 = arith.constant 3200 : i32
      %dma_wait3A_68 = tpu.memref_slice %arg6[%dma_wait3A_67] : memref<4000xi32, #tpu.memory_space<vmem>> -> memref<800xi32, #tpu.memory_space<vmem>>
      %dma_wait3A_69 = arith.constant 0 : i32
      %dma_wait3A_70 = arith.constant 0 : i32
      %dma_wait3A_71 = tpu.memref_slice %arg3[%dma_wait3A_69, %dma_wait3A_70] : memref<10240x128xf32, #tpu.memory_space<hbm>> -> memref<10240x128xf32, #tpu.memory_space<hbm>>
      tpu.wait_indirect_dma semaphore(%arg8 : memref<!tpu.dma_semaphore, #tpu.memory_space<semaphore_mem>>) src(%dma_wait3A_71 : memref<10240x128xf32, #tpu.memory_space<hbm>>) dst(%arg7 : memref<800x128xf32, #tpu.memory_space<vmem>>)
      %add3A_72 = arith.constant 3200 : i32
      %add3A_73 = arith.addi %mul3A_4, %add3A_72 : i32
      "tpu.region"() ({
        %run_scoped3A = tpu.sem_alloc : memref<!tpu.dma_semaphore, #tpu.memory_space<semaphore_mem>>
        %dma_start3A_74 = arith.constant 0 : i32
        %dma_start3A_75 = tpu.memref_slice %arg4[%add3A_73, %dma_start3A_74] : memref<100000x128xf32, #tpu.memory_space<hbm>> -> memref<800x128xf32, #tpu.memory_space<hbm>>
        %dma_start3A_76 = arith.constant 0 : i32
        %dma_start3A_77 = tpu.memref_slice %arg4[%add3A_73, %dma_start3A_76] : memref<100000x128xf32, #tpu.memory_space<hbm>> -> memref<800x128xf32, #tpu.memory_space<hbm>>
        tpu.enqueue_dma source(%arg7 : memref<800x128xf32, #tpu.memory_space<vmem>>) target(%dma_start3A_77 : memref<800x128xf32, #tpu.memory_space<hbm>>) target_semaphore(%run_scoped3A : memref<!tpu.dma_semaphore, #tpu.memory_space<semaphore_mem>>)
        %dma_wait3A_78 = arith.constant 0 : i32
        %dma_wait3A_79 = tpu.memref_slice %arg4[%add3A_73, %dma_wait3A_78] : memref<100000x128xf32, #tpu.memory_space<hbm>> -> memref<800x128xf32, #tpu.memory_space<hbm>>
        %dma_wait3A_80 = arith.constant 0 : i32
        %dma_wait3A_81 = tpu.memref_slice %arg4[%add3A_73, %dma_wait3A_80] : memref<100000x128xf32, #tpu.memory_space<hbm>> -> memref<800x128xf32, #tpu.memory_space<hbm>>
        tpu.wait_dma2 semaphore(%run_scoped3A : memref<!tpu.dma_semaphore, #tpu.memory_space<semaphore_mem>>) src(%arg7 : memref<800x128xf32, #tpu.memory_space<vmem>>) dst(%dma_wait3A_81 : memref<800x128xf32, #tpu.memory_space<hbm>>)
        tpu.yield
      }) : () -> ()
    } else {
    }
    return
  }
}

module attributes {stable_mosaic.version = 14 : i64} {
  func.func @_dense_body(%arg0: i32, %arg1: memref<128x128xf32, #tpu.memory_space<vmem>>, %arg2: memref<3072x128xf32, #tpu.memory_space<vmem>>, %arg3: memref<128x128xf32, #tpu.memory_space<vmem>>, %arg4: memref<1x128xf32, #tpu.memory_space<vmem>>, %arg5: memref<128x128xf32, #tpu.memory_space<vmem>>, %arg6: memref<1x128xf32, #tpu.memory_space<vmem>>, %arg7: memref<256x128xf32, #tpu.memory_space<vmem>>, %arg8: memref<1x128xf32, #tpu.memory_space<vmem>>, %arg9: memref<128x1xf32, #tpu.memory_space<vmem>>, %arg10: memref<128x128xf32, #tpu.memory_space<vmem>>, %arg11: memref<128x128xf32, #tpu.memory_space<vmem>>, %arg12: memref<128x128xf32, #tpu.memory_space<vmem>>, %arg13: memref<1x128xf32, #tpu.memory_space<vmem>>, %arg14: memref<128x128xf32, #tpu.memory_space<vmem>>) attributes {dimension_semantics = [#tpu.dimension_semantics<arbitrary>], iteration_bounds = array<i64: 80>, scalar_prefetch = 0 : i64, scratch_operands = 3 : i64, tpu.core_type = #tpu.core_type<tc>, window_params = [{transform_indices = @transform_0, window_bounds = array<i64: 128, 128>}, {transform_indices = @transform_1, window_bounds = array<i64: 3072, 128>}, {pipeline_mode = #tpu.pipeline_mode<synchronous>, transform_indices = @transform_2, window_bounds = array<i64: 128, 128>}, {pipeline_mode = #tpu.pipeline_mode<synchronous>, transform_indices = @transform_3, window_bounds = array<i64: 1, 128>}, {pipeline_mode = #tpu.pipeline_mode<synchronous>, transform_indices = @transform_4, window_bounds = array<i64: 128, 128>}, {pipeline_mode = #tpu.pipeline_mode<synchronous>, transform_indices = @transform_5, window_bounds = array<i64: 1, 128>}, {pipeline_mode = #tpu.pipeline_mode<synchronous>, transform_indices = @transform_6, window_bounds = array<i64: 256, 128>}, {pipeline_mode = #tpu.pipeline_mode<synchronous>, transform_indices = @transform_7, window_bounds = array<i64: 1, 128>}, {pipeline_mode = #tpu.pipeline_mode<synchronous>, transform_indices = @transform_8, window_bounds = array<i64: 128, 1>}, {transform_indices = @transform_9, window_bounds = array<i64: 128, 128>}, {transform_indices = @transform_10, window_bounds = array<i64: 128, 128>}]} {
    %eq3A = arith.constant 0 : i32
    %eq3A_0 = arith.cmpi eq, %arg0, %eq3A : i32
    %convert_element_type3A = arith.extui %eq3A_0 : i1 to i32
    %cond3A = arith.constant 0 : i32
    %cond3A_1 = arith.cmpi ne, %convert_element_type3A, %cond3A : i32
    scf.if %cond3A_1 {
      %get3A_75 = arith.constant 0 : index
      %get3A_76 = arith.constant 0 : index
      %get3A_77 = vector.load %arg5[%get3A_75, %get3A_76] : memref<128x128xf32, #tpu.memory_space<vmem>>, vector<128x128xf32>
      %get3A_78 = arith.constant 0 : index
      %get3A_79 = arith.constant 0 : index
      %get3A_80 = vector.load %arg7[%get3A_78, %get3A_79] : memref<256x128xf32, #tpu.memory_space<vmem>>, vector<128x128xf32>
      %dot_general3A_81 = arith.constant dense<0.000000e+00> : vector<128x128xf32>
      %dot_general3A_82 = tpu.matmul %get3A_77, %get3A_80, %dot_general3A_81 {dimension_numbers = #tpu.dot_dimension_numbers<[1], [0], [0], [1], [0, 0, 1, 1], [], []>, transpose_lhs_hint = false} : vector<128x128xf32>, vector<128x128xf32>, vector<128x128xf32> -> vector<128x128xf32>
      %swap3A_83 = arith.constant 0 : index
      %swap3A_84 = arith.constant 0 : index
      %swap3A_85 = vector.load %arg12[%swap3A_83, %swap3A_84] : memref<128x128xf32, #tpu.memory_space<vmem>>, vector<128x128xf32>
      tpu.vector_store %arg12[%swap3A_83, %swap3A_84], %dot_general3A_82 {strides = array<i32>} : memref<128x128xf32, #tpu.memory_space<vmem>>, vector<128x128xf32>,
      %get3A_86 = arith.constant 0 : index
      %get3A_87 = arith.constant 0 : index
      %get3A_88 = vector.load %arg8[%get3A_86, %get3A_87] : memref<1x128xf32, #tpu.memory_space<vmem>>, vector<1x128xf32>
      %get3A_89 = arith.constant 0 : index
      %get3A_90 = arith.constant 0 : index
      %get3A_91 = vector.load %arg6[%get3A_89, %get3A_90] : memref<1x128xf32, #tpu.memory_space<vmem>>, vector<1x128xf32>
      %get3A_92 = arith.constant 0 : index
      %get3A_93 = arith.constant 0 : index
      %get3A_94 = vector.load %arg7[%get3A_92, %get3A_93] : memref<256x128xf32, #tpu.memory_space<vmem>>, vector<128x128xf32>
      %dot_general3A_95 = arith.constant dense<0.000000e+00> : vector<1x128xf32>
      %dot_general3A_96 = tpu.matmul %get3A_91, %get3A_94, %dot_general3A_95 {dimension_numbers = #tpu.dot_dimension_numbers<[1], [0], [0], [1], [0, 0, 1, 1], [], []>, transpose_lhs_hint = false} : vector<1x128xf32>, vector<128x128xf32>, vector<1x128xf32> -> vector<1x128xf32>
      %add3A_97 = arith.addf %get3A_88, %dot_general3A_96 : vector<1x128xf32>
      %swap3A_98 = arith.constant 0 : index
      %swap3A_99 = arith.constant 0 : index
      %swap3A_100 = vector.load %arg13[%swap3A_98, %swap3A_99] : memref<1x128xf32, #tpu.memory_space<vmem>>, vector<1x128xf32>
      tpu.vector_store %arg13[%swap3A_98, %swap3A_99], %add3A_97 {strides = array<i32>} : memref<1x128xf32, #tpu.memory_space<vmem>>, vector<1x128xf32>,
      %get3A_101 = arith.constant 0 : index
      %get3A_102 = arith.constant 0 : index
      %get3A_103 = vector.load %arg9[%get3A_101, %get3A_102] : memref<128x1xf32, #tpu.memory_space<vmem>>, vector<128x1xf32>
      %broadcast_in_dim3A_104 = vector.shape_cast %get3A_103 : vector<128x1xf32> to vector<128x1xf32>
      %broadcast_in_dim3A_105 = vector.broadcast %broadcast_in_dim3A_104 : vector<128x1xf32> to vector<128x128xf32>
      %swap3A_106 = arith.constant 0 : index
      %swap3A_107 = arith.constant 0 : index
      %swap3A_108 = vector.load %arg14[%swap3A_106, %swap3A_107] : memref<128x128xf32, #tpu.memory_space<vmem>>, vector<128x128xf32>
      tpu.vector_store %arg14[%swap3A_106, %swap3A_107], %broadcast_in_dim3A_105 {strides = array<i32>} : memref<128x128xf32, #tpu.memory_space<vmem>>, vector<128x128xf32>,
    } else {
    }
    %get3A = arith.constant 0 : index
    %get3A_2 = arith.constant 0 : index
    %get3A_3 = vector.load %arg1[%get3A, %get3A_2] : memref<128x128xf32, #tpu.memory_space<vmem>>, vector<128x128xf32>
    %get3A_4 = arith.constant 0 : index
    %get3A_5 = arith.constant 0 : index
    %get3A_6 = vector.load %arg3[%get3A_4, %get3A_5] : memref<128x128xf32, #tpu.memory_space<vmem>>, vector<128x128xf32>
    %dot_general3A = arith.constant dense<0.000000e+00> : vector<128x128xf32>
    %dot_general3A_7 = tpu.matmul %get3A_3, %get3A_6, %dot_general3A {dimension_numbers = #tpu.dot_dimension_numbers<[1], [0], [0], [1], [0, 0, 1, 1], [], []>, transpose_lhs_hint = false} : vector<128x128xf32>, vector<128x128xf32>, vector<128x128xf32> -> vector<128x128xf32>
    %get3A_8 = arith.constant 0 : index
    %get3A_9 = arith.constant 0 : index
    %get3A_10 = vector.load %arg4[%get3A_8, %get3A_9] : memref<1x128xf32, #tpu.memory_space<vmem>>, vector<1x128xf32>
    %add3A = vector.broadcast %get3A_10 : vector<1x128xf32> to vector<128x128xf32>
    %add3A_11 = arith.addf %dot_general3A_7, %add3A : vector<128x128xf32>
    %swap3A = arith.constant 0 : index
    %swap3A_12 = arith.constant 0 : index
    %swap3A_13 = vector.load %arg10[%swap3A, %swap3A_12] : memref<128x128xf32, #tpu.memory_space<vmem>>, vector<128x128xf32>
    tpu.vector_store %arg10[%swap3A, %swap3A_12], %add3A_11 {strides = array<i32>} : memref<128x128xf32, #tpu.memory_space<vmem>>, vector<128x128xf32>,
    %get3A_14 = arith.constant 128 : index
    %get3A_15 = arith.constant 0 : index
    %get3A_16 = vector.load %arg7[%get3A_14, %get3A_15] : memref<256x128xf32, #tpu.memory_space<vmem>>, vector<128x128xf32>
    %dot_general3A_17 = arith.constant dense<0.000000e+00> : vector<128x128xf32>
    %dot_general3A_18 = tpu.matmul %add3A_11, %get3A_16, %dot_general3A_17 {dimension_numbers = #tpu.dot_dimension_numbers<[1], [0], [0], [1], [0, 0, 1, 1], [], []>, transpose_lhs_hint = false} : vector<128x128xf32>, vector<128x128xf32>, vector<128x128xf32> -> vector<128x128xf32>
    %get3A_19 = arith.constant 0 : index
    %get3A_20 = arith.constant 0 : index
    %get3A_21 = vector.load %arg13[%get3A_19, %get3A_20] : memref<1x128xf32, #tpu.memory_space<vmem>>, vector<1x128xf32>
    %add3A_22 = vector.broadcast %get3A_21 : vector<1x128xf32> to vector<128x128xf32>
    %add3A_23 = arith.addf %dot_general3A_18, %add3A_22 : vector<128x128xf32>
    %get3A_24 = arith.constant 0 : index
    %get3A_25 = arith.constant 0 : index
    %get3A_26 = vector.load %arg2[%get3A_24, %get3A_25] : memref<3072x128xf32, #tpu.memory_space<vmem>>, vector<3072x128xf32>
    %get3A_27 = arith.constant 0 : index
    %get3A_28 = arith.constant 0 : index
    %get3A_29 = vector.load %arg12[%get3A_27, %get3A_28] : memref<128x128xf32, #tpu.memory_space<vmem>>, vector<128x128xf32>
    %dot_general3A_30 = arith.constant dense<0.000000e+00> : vector<3072x128xf32>
    %dot_general3A_31 = tpu.matmul %get3A_26, %get3A_29, %dot_general3A_30 {dimension_numbers = #tpu.dot_dimension_numbers<[1], [0], [0], [1], [0, 0, 1, 1], [], []>, transpose_lhs_hint = false} : vector<3072x128xf32>, vector<128x128xf32>, vector<3072x128xf32> -> vector<3072x128xf32>
    %reshape3A = vector.shape_cast %dot_general3A_31 : vector<3072x128xf32> to vector<128x24x128xf32>
    %broadcast_in_dim3A = vector.shape_cast %add3A_23 : vector<128x128xf32> to vector<128x1x128xf32>
    %add3A_32 = vector.broadcast %broadcast_in_dim3A : vector<128x1x128xf32> to vector<128x24x128xf32>
    %add3A_33 = arith.addf %reshape3A, %add3A_32 : vector<128x24x128xf32>
    %max3A = arith.constant 0.000000e+00 : f32
    %max3A_34 = vector.broadcast %max3A : f32 to vector<128x24x128xf32>
    %max3A_35 = arith.maximumf %add3A_33, %max3A_34 : vector<128x24x128xf32>
    %reshape3A_36 = vector.shape_cast %max3A_35 : vector<128x24x128xf32> to vector<3072x128xf32>
    %get3A_37 = arith.constant 0 : index
    %get3A_38 = arith.constant 0 : index
    %get3A_39 = vector.load %arg14[%get3A_37, %get3A_38] : memref<128x128xf32, #tpu.memory_space<vmem>>, vector<128x128xf32>
    %dot_general3A_40 = arith.constant dense<0.000000e+00> : vector<3072x128xf32>
    %dot_general3A_41 = tpu.matmul %reshape3A_36, %get3A_39, %dot_general3A_40 {dimension_numbers = #tpu.dot_dimension_numbers<[1], [0], [0], [1], [0, 0, 1, 1], [], []>, transpose_lhs_hint = false} : vector<3072x128xf32>, vector<128x128xf32>, vector<3072x128xf32> -> vector<3072x128xf32>
    %reshape3A_42 = vector.shape_cast %dot_general3A_41 : vector<3072x128xf32> to vector<128x24x128xf32>
    %reduce_max3A = arith.constant dense<0xFF800000> : vector<128x128xf32>
    %reduce_max3A_43 = vector.multi_reduction <maximumf>, %reshape3A_42, %reduce_max3A [1] : vector<128x24x128xf32> to vector<128x128xf32>
    %broadcast_in_dim3A_44 = vector.shape_cast %reduce_max3A_43 : vector<128x128xf32> to vector<128x1x128xf32>
    %sub3A = vector.broadcast %broadcast_in_dim3A_44 : vector<128x1x128xf32> to vector<128x24x128xf32>
    %sub3A_45 = arith.subf %reshape3A_42, %sub3A : vector<128x24x128xf32>
    %exp3A = math.exp %sub3A_45 : vector<128x24x128xf32>
    %reduce_sum3A = arith.constant dense<0.000000e+00> : vector<128x128xf32>
    %reduce_sum3A_46 = vector.multi_reduction <add>, %exp3A, %reduce_sum3A [1] : vector<128x24x128xf32> to vector<128x128xf32>
    %get3A_47 = arith.constant 0 : index
    %get3A_48 = arith.constant 0 : index
    %get3A_49 = vector.load %arg2[%get3A_47, %get3A_48] : memref<3072x128xf32, #tpu.memory_space<vmem>>, vector<3072x128xf32>
    %reshape3A_50 = vector.shape_cast %get3A_49 : vector<3072x128xf32> to vector<128x24x128xf32>
    %mul3A = arith.mulf %exp3A, %reshape3A_50 : vector<128x24x128xf32>
    %reduce_sum3A_51 = arith.constant dense<0.000000e+00> : vector<128x128xf32>
    %reduce_sum3A_52 = vector.multi_reduction <add>, %mul3A, %reduce_sum3A_51 [1] : vector<128x24x128xf32> to vector<128x128xf32>
    %div3A = arith.divf %reduce_sum3A_52, %reduce_sum3A_46 : vector<128x128xf32>
    %get3A_53 = arith.constant 0 : index
    %get3A_54 = arith.constant 0 : index
    %get3A_55 = vector.load %arg5[%get3A_53, %get3A_54] : memref<128x128xf32, #tpu.memory_space<vmem>>, vector<128x128xf32>
    %dot_general3A_56 = arith.constant dense<0.000000e+00> : vector<128x128xf32>
    %dot_general3A_57 = tpu.matmul %div3A, %get3A_55, %dot_general3A_56 {dimension_numbers = #tpu.dot_dimension_numbers<[1], [0], [0], [1], [0, 0, 1, 1], [], []>, transpose_lhs_hint = false} : vector<128x128xf32>, vector<128x128xf32>, vector<128x128xf32> -> vector<128x128xf32>
    %get3A_58 = arith.constant 0 : index
    %get3A_59 = arith.constant 0 : index
    %get3A_60 = vector.load %arg6[%get3A_58, %get3A_59] : memref<1x128xf32, #tpu.memory_space<vmem>>, vector<1x128xf32>
    %add3A_61 = vector.broadcast %get3A_60 : vector<1x128xf32> to vector<128x128xf32>
    %add3A_62 = arith.addf %dot_general3A_57, %add3A_61 : vector<128x128xf32>
    %mul3A_63 = arith.constant 128 : i32
    %mul3A_64 = arith.muli %arg0, %mul3A_63 : i32
    %iota3A = tpu.iota {dimensions = array<i32: 0>} : vector<128x1xi32>
    %add3A_65 = vector.broadcast %mul3A_64 : i32 to vector<128x1xi32>
    %add3A_66 = arith.addi %add3A_65, %iota3A : vector<128x1xi32>
    %lt3A = arith.constant 10000 : i32
    %lt3A_67 = vector.broadcast %lt3A : i32 to vector<128x1xi32>
    %lt3A_68 = arith.cmpi slt, %add3A_66, %lt3A_67 : vector<128x1xi32>
    %jit3A = arith.constant 0.000000e+00 : f32
    %broadcast_in_dim3A_69 = vector.shape_cast %lt3A_68 : vector<128x1xi1> to vector<128x1xi1>
    %broadcast_in_dim3A_70 = vector.broadcast %broadcast_in_dim3A_69 : vector<128x1xi1> to vector<128x128xi1>
    %broadcast_in_dim3A_71 = vector.broadcast %jit3A : f32 to vector<128x128xf32>
    %select_n3A = arith.select %broadcast_in_dim3A_70, %add3A_62, %broadcast_in_dim3A_71 : vector<128x128xi1>, vector<128x128xf32>
    %swap3A_72 = arith.constant 0 : index
    %swap3A_73 = arith.constant 0 : index
    %swap3A_74 = vector.load %arg11[%swap3A_72, %swap3A_73] : memref<128x128xf32, #tpu.memory_space<vmem>>, vector<128x128xf32>
    tpu.vector_store %arg11[%swap3A_72, %swap3A_73], %select_n3A {strides = array<i32>} : memref<128x128xf32, #tpu.memory_space<vmem>>, vector<128x128xf32>,
    return
  }
  func.func @transform_0(%arg0: i32) -> (i32, i32) {
    %c0_i32 = arith.constant 0 : i32
    %c0_i32_0 = arith.constant 0 : i32
    return %arg0, %c0_i32 : i32, i32
  }
  func.func @transform_1(%arg0: i32) -> (i32, i32) {
    %c0_i32 = arith.constant 0 : i32
    %c0_i32_0 = arith.constant 0 : i32
    return %arg0, %c0_i32 : i32, i32
  }
  func.func @transform_2(%arg0: i32) -> (i32, i32) {
    %c0_i32 = arith.constant 0 : i32
    %c0_i32_0 = arith.constant 0 : i32
    %c0_i32_1 = arith.constant 0 : i32
    return %c0_i32, %c0_i32_0 : i32, i32
  }
  func.func @transform_3(%arg0: i32) -> (i32, i32) {
    %c0_i32 = arith.constant 0 : i32
    %c0_i32_0 = arith.constant 0 : i32
    %c0_i32_1 = arith.constant 0 : i32
    return %c0_i32, %c0_i32_0 : i32, i32
  }
  func.func @transform_4(%arg0: i32) -> (i32, i32) {
    %c0_i32 = arith.constant 0 : i32
    %c0_i32_0 = arith.constant 0 : i32
    %c0_i32_1 = arith.constant 0 : i32
    return %c0_i32, %c0_i32_0 : i32, i32
  }
  func.func @transform_5(%arg0: i32) -> (i32, i32) {
    %c0_i32 = arith.constant 0 : i32
    %c0_i32_0 = arith.constant 0 : i32
    %c0_i32_1 = arith.constant 0 : i32
    return %c0_i32, %c0_i32_0 : i32, i32
  }
  func.func @transform_6(%arg0: i32) -> (i32, i32) {
    %c0_i32 = arith.constant 0 : i32
    %c0_i32_0 = arith.constant 0 : i32
    %c0_i32_1 = arith.constant 0 : i32
    return %c0_i32, %c0_i32_0 : i32, i32
  }
  func.func @transform_7(%arg0: i32) -> (i32, i32) {
    %c0_i32 = arith.constant 0 : i32
    %c0_i32_0 = arith.constant 0 : i32
    %c0_i32_1 = arith.constant 0 : i32
    return %c0_i32, %c0_i32_0 : i32, i32
  }
  func.func @transform_8(%arg0: i32) -> (i32, i32) {
    %c0_i32 = arith.constant 0 : i32
    %c0_i32_0 = arith.constant 0 : i32
    %c0_i32_1 = arith.constant 0 : i32
    return %c0_i32, %c0_i32_0 : i32, i32
  }
  func.func @transform_9(%arg0: i32) -> (i32, i32) {
    %c0_i32 = arith.constant 0 : i32
    %c0_i32_0 = arith.constant 0 : i32
    return %arg0, %c0_i32 : i32, i32
  }
  func.func @transform_10(%arg0: i32) -> (i32, i32) {
    %c0_i32 = arith.constant 0 : i32
    %c0_i32_0 = arith.constant 0 : i32
    return %arg0, %c0_i32 : i32, i32
  }
}

</mosaic_0001>

<sc_bundles>
// kernel: kernel.12.cloned.1.call-start
scs
__scs_entry_jumppad:
0x0: {  	(pc) =	sbr.rel $0x88, $3  }
0x1: {  	(tag) =	ssettag $0x0;
	lr =	simm.s32 $0x1  }
0x2: {  	[smem:$0x3F96] =	sst lr;
	_ =	strace $0xD0000000  }
0x3: {  	_ = 	snop  }
0x4: {  	_ = 	snop  }
0x5: {  	_ = 	snop  }
0x6: {  	_ = 	snop  }
0x7: {  	_ = 	snop  }
__scs_overlays_trampoline_lowered:
0x8: {  	[smem:$0x3FA5] =	sst s0  }
0x9: {  	[smem:$0x3FA6] =	sst s1  }
0xa: {  	[smem:$0x3FA7] =	sst s2  }
0xb: {  	[smem:$0x3FA8] =	sst s3  }
0xc: {  	[smem:$0x3FA9] =	sst s4  }
0xd: {  	[smem:$0x3FAA] =	sst s5  }
0xe: {  	[smem:$0x3FAB] =	sst s6  }
0xf: {  	[smem:$0x3FAC] =	sst s7  }
0x10: {  	[smem:$0x3FAD] =	sst s8  }
0x11: {  	[smem:$0x3FAE] =	sst s9;
	s0 =	simm.s32 @!p0 $0x0  }
0x12: {  	s1 =	sld [smem:$0x3F94];
	s0 =	simm.s32 @p0 $0x1  }
0x13: {  	[smem:$0x3FAF] =	sst s0;
	s0 =	simm.s32 @!p1 $0x0  }
0x14: {  	s2 =	sld [smem:$0x3F93];
	s0 =	simm.s32 @p1 $0x1  }
0x15: {  	[smem:$0x3FB0] =	sst s0;
	s0 =	simm.s32 @!p2 $0x0  }
0x16: {  	s3 =	sld [smem:$0x3FDB];
	s0 =	simm.s32 @p2 $0x1  }
0x17: {  	s4 =	simm.s32 $0x1BF5;
	[smem:$0x3FB2] =	sst s0  }
0x18: {  	s0 =	sld [smem:$0x3F95];
	_ =	swait.ge [sflag:s4], $0x0  }
0x19: {  	s7 =	sld [smem:$0x3F96]  }
0x1a: {  	s8 =	sadd.s32 $0xFFFFE003, lr  }
0x1b: {  	s9 =	sadd.s32 $0xFFFFFEF7, lr;
	s5 =	simm.s32 $0xFFFFFFFF;
	p2 =	slt.u32 s8, $0xFFFFF086  }
0x1c: {  	p1 =	slt.u32 s9, $0xF7A;
	s5 =	simm.s32 @!p2 $0x0  }
0x1d: {  	s5 =	simm.s32 @p1 $0x1;
	p0 =	seq.s32 s7, s2  }
0x1e: {  	s7 =	smul.u32 @!p0 $0xF7A, s2;
	p2 =	seq.s32 @!p0 s5, $0x0  }
0x1f: {  	s9 =	smul.u32 $0xF7A, s1;
	s8 =	simm.s32 @!p0 $0x1BF5;
	p2 =	por !p2, p0  }
0x20: {  	[sflag:s8] =	ssyncset.s32 @!p0 $0xFFFFF086;
	s6 =	sadd.s32 @!p0 s3, s7;
	s7 =	simm.s32 @!p0 $0x108  }
0x21: {  	s3 =	sadd.s32 s3, s9;
	s6 =	sadd.s32 @!p0 $0x88, s6;
	s7 =	simm.s32 @p2 $0x1082  }
0x22: {  	[simem:s7], [sflag:s8] =	dma.local @!p0 [hbm:s6], $0xF7A  }
0x23: {  	s9 =	sor.u32 $0xD0000000, s2;
	s6 =	simm.s32 $0x108;
	_ =	swait.ge @!p0 [sflag:s8], $0x0  }
0x24: {  	s3 =	sadd.s32 $0x88, s3;
	s6 =	simm.s32 @!p1 $0x1082;
	[sflag:s4] =	ssyncset.s32 $0xFFFFF086  }
0x25: {  	[simem:s6], [sflag:s4] =	dma.local [hbm:s3], $0xF7A  }
0x26: {  	[smem:$0x3F96] =	sst s1;
	(tag) =	ssettag s2;
	_ =	strace s9  }
0x27: {  	s1 =	sld [smem:$0x3FA6]  }
0x28: {  	s2 =	sld [smem:$0x3FA7]  }
0x29: {  	s4 =	sld [smem:$0x3FA9]  }
0x2a: {  	p0 =	seq.s32 s5, $0x0;
	s5 =	sld [smem:$0x3FAA]  }
0x2b: {  	s6 =	sld [smem:$0x3FAB]  }
0x2c: {  	s7 =	sld [smem:$0x3FAC]  }
0x2d: {  	s3 =	simm.s32 $0x108;
	s8 =	sld [smem:$0x3FAD]  }
0x2e: {  	s3 =	simm.s32 @!p0 $0x1082;
	s9 =	sld [smem:$0x3FAE]  }
0x2f: {  	lr =	sadd.s32 s0, s3;
	s0 =	sld [smem:$0x3FA5]  }
0x30: {  	s3 =	sld [smem:$0x3FA8]  }
0x31: {  	[smem:$0x3FB1] =	sst s10  }
0x32: {  	s10 =	sld [smem:$0x3FAF];
	_ =	sdelay $0x3  }
0x33: {  	p0 =	seq.s32 s10, $0x1;
	s10 =	sld [smem:$0x3FB1];
	_ =	sdelay $0x3  }
0x34: {  	[smem:$0x3FB1] =	sst s10  }
0x35: {  	s10 =	sld [smem:$0x3FB0];
	_ =	sdelay $0x3  }
0x36: {  	p1 =	seq.s32 s10, $0x1;
	s10 =	sld [smem:$0x3FB1];
	_ =	sdelay $0x3  }
0x37: {  	[smem:$0x3FB1] =	sst s10  }
0x38: {  	s10 =	sld [smem:$0x3FB2]  }
0x39: {  	_ = 	snop;
	(pc) =	sbr.ind lr, $3  }
0x3a: {  	_ = 	snop  }
0x3b: {  	_ = 	snop  }
0x3c: {  	p2 =	seq.s32 s10, $0x1;
	s10 =	sld [smem:$0x3FB1]  }
0x3d: {  	_ =	shalt  }
0x3e: {  	_ =	shalt  }
0x3f: {  	_ =	shalt  }
0x40: {  	_ =	shalt  }
0x41: {  	_ =	shalt  }
0x42: {  	_ =	shalt  }
0x43: {  	_ =	shalt  }
0x44: {  	_ =	shalt  }
0x45: {  	_ =	shalt  }
0x46: {  	_ =	shalt  }
0x47: {  	_ =	shalt  }
0x48: {  	_ =	shalt  }
0x49: {  	_ =	shalt  }
0x4a: {  	_ =	shalt  }
0x4b: {  	_ =	shalt  }
0x4c: {  	_ =	shalt  }
0x4d: {  	_ =	shalt  }
0x4e: {  	_ =	shalt  }
0x4f: {  	_ =	shalt  }
0x50: {  	_ =	shalt  }
0x51: {  	_ =	shalt  }
0x52: {  	_ =	shalt  }
0x53: {  	_ =	shalt  }
0x54: {  	_ =	shalt  }
0x55: {  	_ =	shalt  }
0x56: {  	_ =	shalt  }
0x57: {  	_ =	shalt  }
0x58: {  	_ =	shalt  }
0x59: {  	_ =	shalt  }
0x5a: {  	_ =	shalt  }
0x5b: {  	_ =	shalt  }
0x5c: {  	_ =	shalt  }
0x5d: {  	_ =	shalt  }
0x5e: {  	_ =	shalt  }
0x5f: {  	_ =	shalt  }
0x60: {  	_ =	shalt  }
0x61: {  	_ =	shalt  }
0x62: {  	_ =	shalt  }
0x63: {  	_ =	shalt  }
0x64: {  	_ =	shalt  }
0x65: {  	_ =	shalt  }
0x66: {  	_ =	shalt  }
0x67: {  	_ =	shalt  }
0x68: {  	_ =	shalt  }
0x69: {  	_ =	shalt  }
0x6a: {  	_ =	shalt  }
0x6b: {  	_ =	shalt  }
0x6c: {  	_ =	shalt  }
0x6d: {  	_ =	shalt  }
0x6e: {  	_ =	shalt  }
0x6f: {  	_ =	shalt  }
0x70: {  	_ =	shalt  }
0x71: {  	_ =	shalt  }
0x72: {  	_ =	shalt  }
0x73: {  	_ =	shalt  }
0x74: {  	_ =	shalt  }
0x75: {  	_ =	shalt  }
0x76: {  	_ =	shalt  }
0x77: {  	_ =	shalt  }
0x78: {  	_ =	shalt  }
0x79: {  	_ =	shalt  }
0x7a: {  	_ =	shalt  }
0x7b: {  	_ =	shalt  }
0x7c: {  	_ =	shalt  }
0x7d: {  	_ =	shalt  }
0x7e: {  	_ =	shalt  }
0x7f: {  	_ =	shalt  }
0x80: {  	_ =	shalt  }
0x81: {  	_ =	shalt  }
0x82: {  	_ =	shalt  }
0x83: {  	_ =	shalt  }
0x84: {  	_ =	shalt  }
0x85: {  	_ =	shalt  }
0x86: {  	_ =	shalt  }
0x87: {  	_ =	shalt  }
.Lfunc_end0:
.L_simem_size_0:
called_computation.2_lowered:
.L_overlay_start_0:
0x88: {  	s2 =	sld [smem:$0x3FD9]  }
0x89: {  	s3 =	sld [smem:$0x3FFE];
	_ =	sdelay $0x1  }
0x8a: {  	s1 =	srdreg.scid  }
0x8b: {  	s0 =	sand.u32 $0x1, s1  }
0x8c: {  	s14 =	sshll.u32 s0, $0xA;
	s2 =	sadd.s32 s3, s2  }
0x8d: {  	s2 =	sadd.s32 s2, s14  }
0x8e: {  	[smem:$0x3FBD] =	sst s2  }
0x8f: {  	_ = 	snop  }
0x90: {  	s2 =	sld [smem:$0x3FD0];
	_ =	sdelay $0x2  }
0x91: {  	s4 =	simm.s32 $0xA;
	s5 =	simm.s32 $0x10;
	s15 =	sld [smem:$0x3FC9]  }
0x92: {  	[smem:s5], [sflag:s4] =	dma.local [hbm:s2], $0x1  }
0x93: {  	_ =	swait.eq [sflag:s4], $0x1  }
0x94: {  	[sflag:s4] =	ssyncset.done $0x0  }
0x95: {  	[sflag:s4] =	ssyncadd.s32 $0xFFFFFFFF  }
0x96: {  	s16 =	sld [smem:$0x11];
	(tm) =	ssettm $0x1  }
0x97: {  	s17 =	sld [smem:$0x3FFB];
	_ =	sdelay $0x3  }
0x98: {  	_ =	strace s17  }
0x99: {  	s4 =	sld [smem:$0x3FFC];
	_ =	sdelay $0x3  }
0x9a: {  	_ =	strace s4  }
0x9b: {  	s4 =	sld [smem:$0x3FFD];
	_ =	sdelay $0x3  }
0x9c: {  	_ =	strace s4  }
0x9d: {  	_ =	strace $0x8FFFFFFF  }
0x9e: {  	s18 =	sld [smem:$0x3FDB];
	_ =	sdelay $0x1  }
0x9f: {  	s19 =	simm.s32 $_scs_section_size  }
0xa0: {  	s6 =	simm.s32 $_size__tile_overlayer_lowered;
	s7 =	simm.s32 $_tile_overlayer_lowered  }
0xa1: {  	s22 =	simm.s32 $0x1BFF;
	s21 =	sshll.u32 s7, $0x1;
	s4 =	sadd.s32 s19, s18  }
0xa2: {  	s8 =	simm.s32 $0x0;
	s20 =	sshll.u32 s6, $0x1;
	s6 =	sadd.s32 s21, s4  }
0xa3: {  	[timem:s8], [sflag:s22] =	dma.local [hbm:s6], s20  }
0xa4: {  	_ =	swait.ge [sflag:s22], s20  }
0xa5: {  	s5 =	ssub.s32 $0x0, s20;
	[sflag:s22] =	ssyncset.done $0x0  }
0xa6: {  	[sflag:s22] =	ssyncadd.s32 s5;
	_ =	sdelay $0x1  }
0xa7: {  	s23 =	simm.s32 $0x1B8B  }
0xa8: {  	_ =	swait.ge [sflag:s23], $0x1  }
0xa9: {  	[sflag:s23] =	ssyncset.done $0x0  }
0xaa: {  	s25 =	simm.s32 $0x1B8E;
	s24 =	sld [smem:$0x3FFE];
	[sflag:s23] =	ssyncadd.s32 $0xFFFFFFFF  }
0xab: {  	s26 =	simm.s32 $execute0_lowered;
	[smem:$0x3FD2] =	sst s25  }
0xac: {  	s6 =	sshll.u32 s26, $0x1;
	_ =	strace $0x8000004C;
	[dreg:$0x1] =	wrdreg $0xFFFFFFFF  }
0xad: {  	s28 =	simm.s32 $_size_execute0_lowered;
	s4 =	sadd.s32 s4, s6;
	[dreg:$0x0] =	wrdreg $0x0  }
0xae: {  	s6 =	sshll.u32 s28, $0x1;
	[dreg:$0x2] =	wrdreg s4  }
0xaf: {  	[dreg:$0x3] =	wrdreg s6  }
0xb0: {  	[dreg:$0x4] =	wrdreg $0xC0  }
0xb1: {  	_ =	task [dreg:s8], $0x5FFFF  }
0xb2: {  	[dreg:$0x1] =	wrdreg $0xFFFFFFFF  }
0xb3: {  	[dreg:$0x0] =	wrdreg $0x60  }
0xb4: {  	[dreg:$0x2] =	wrdreg s15  }
0xb5: {  	[dreg:$0x3] =	wrdreg s24  }
0xb6: {  	[dreg:$0x4] =	wrdreg s16  }
0xb7: {  	[dreg:$0x5] =	wrdreg $0x9  }
0xb8: {  	_ =	task.clear_ibuf [dreg:s8], $0x6FFFF;
	_ =	strace $0x9000004C  }
0xb9: {  	s29 =	simm.s32 $0x9;
	_ =	strace $0x8000004E  }
0xba: {  	_ =	swait.ge [sflag:s29], $0x1  }
0xbb: {  	[sflag:s29] =	ssyncadd.s32 $0xFFFFFFFF  }
0xbc: {  	_ =	strace $0x9000004E  }
0xbd: {  	_ =	sfence  }
0xbe: {  	s30 =	sld [smem:$0x0];
	_ =	sdelay $0x2  }
0xbf: {  	s31 =	sshll.u32 s1, $0xD;
	s1 =	sshrl.u32 s1, $0x2  }
0xc0: {  	s3 =	sand.u32 $0x4000, s31;
	s1 =	sadd.s32 s1, s30  }
0xc1: {  	s0 =	sor.u32 s3, s0;
	s1 =	sshll.u32 s1, $0x11  }
0xc2: {  	s0 =	sor.u32 s1, s0  }
0xc3: {  	s0 =	sadd.s32 $0x8F2B, s0  }
0xc4: {  	[sflag:s0] =	ssyncadd.remote.s32 $0x1  }
0xc5: {  	_ =	sfence.sel $0xFFFF  }
0xc6: {  	[dreg:$0x0] =	wrdreg $0xFFFFFFFF;
	(pc) =	sbr.abs _section_cstart, $3  }
0xc7: {  	[dreg:$0x1] =	wrdreg $0xFFFFFFFF  }
0xc8: {  	_ =	task.clear_ibuf [dreg:s8], $0x2FFFF;
	_ =	strace $0x9FFFFFFF  }
0xc9: {  	(tm) =	ssettm $0x7FFFFFFF  }
tec
execute0_lowered:
.L_overlay_start_1:
0x0: {  	(tag) =	ssettag $0x1  }
0x1: {  	s2 =	srdreg.scid;
	s0 =	stileid.u32  }
0x2: {  	s6 =	sand.u32 $0x1, s2;
	s7 =	sshll.u32 s0, $0x1  }
0x3: {  	s7 =	sor.u32 s6, s7  }
0x4: {  	p0 =	sgt.u32 s7, $0x18  }
.Ltmp0:
0x5: {  	s1 =	rddreg [dreg:$0x0];
	(pc) =	sbr.rel @p0 .LBB2_7-.Ltmp0, $4  }
0x6: {  	s4 =	rddreg [dreg:$0x1]  }
0x7: {  	s5 =	rddreg [dreg:$0x2];
	s3 =	simm.s32 $0x0  }
0x8: {  	[smem:$0x7FF] =	sst s3  }
0x9: {  	s2 =	rddreg [dreg:$0x3];
	_ =	strace $0x8000004D  }
0xa: {  	s8 =	smul.u32 $0x7D000, s7  }
0xb: {  	s9 =	smul.u32 $0xFA00, s7  }
0xc: {  	s4 =	sadd.s32 $0x2600, s4;
	s18 =	smul.u32 $0xFFFFF060, s7  }
0xd: {  	s11 =	ssub.s32 $0x2, s6;
	s12 =	simm.s32 $0x2710;
	s13 =	simm.s32 $0x320  }
0xe: {  	s14 =	simm.s32 $0x36B0;
	s15 =	simm.s32 $0x1;
	s16 =	simm.s32 $0x2A30  }
0xf: {  	s17 =	simm.s32 $0x2D50;
	s19 =	simm.s32 $0x3390;
	s31 =	sshrl.u32 s11, $0x1  }
0x10: {  	s20 =	simm.s32 $0x0;
	s8 =	sshrl.u32 s8, $0x3;
	s11 =	ssub.s32 s11, s31  }
0x11: {  	v0 =	vmov s18;
	s18 =	simm.s32 $0x3070;
	s10 =	sadd.s32 s5, s8;
	s5 =	sadd.s32 s5, s9  }
0x12: {  	s6 =	sadd.s32 $0x3200, s10;
	s7 =	sadd.s32 $0x6400, s10;
	s8 =	sadd.s32 $0x9600, s10  }
0x13: {  	v1 =	vimm.s32 $0x2720;
	v2 =	vlaneseq.u32;
	s9 =	sadd.s32 $0xC800, s10;
	s10 =	smax.u32 s11, $0x1;
	s11 =	simm.s32 $0x2  }
.LBB2_2:
0x14: {  	s21 =	simm.s32 $0x0  }
0x15: {  	[tilespmem:s21], [sflag:$0x2] =	stream.linear.gather [hbm4b:s1+s21], $0x2710, $0x38;
	[tilespmem:$0x1C6B0] =	vst v63  }
0x16: {  	_ =	swait.ge [sflag:s11], $0x2710  }
0x17: {  	[sflag:s11] =	ssyncset.done $0x0  }
0x18: {  	s22 =	simm.s32 $0x40;
	s23 =	simm.s32 $0x0;
	[sflag:s11] =	ssyncadd.s32 $0xFFFFD8F0  }
.LBB2_3:
0x19: {  	p0 =	sne.s32 s22, $0x3E40;
	[tilespmem:s23+$0x2710] =	vst v1;
	s23 =	smov.u32 s22;
	s22 =	sadd.s32 $0x40, s22  }
.Ltmp1:
0x1a: {  	(pc) =	sbr.rel @p0 .LBB2_3-.Ltmp1, $2  }
0x1b: {  	_ =	sdelay $0x2  }
0x1c: {  	s23 =	sshra.s32 s23, $0x2  }
0x1d: {  	[tilespmem:s23+$0x2710] =	vst v1  }
0x1e: {  	s22 =	simm.s32 $0x10;
	s23 =	simm.s32 $0x0;
	v3 =	vld [tilespmem:s21+$0x0]  }
.LBB2_5:
0x1f: {  	p0 =	sne.s32 s22, $0x2700;
	_ =	sdelay $0x3  }
0x20: {  	v3 =	vadd.s32 v0, v3  }
0x21: {  	vm0 =	vgt.s32 v3, $0x0  }
0x22: {  	vm1 =	vlt.u32 v3, $0xFA0;
	v3 =	vnsel vm0, $0x0, v3  }
0x23: {  	v3 =	vmin.u32 v3, $0xF9F;
	_ =	sdelay $0x1  }
.Ltmp2:
0x24: {  	(pc) =	sbr.rel @p0 .LBB2_5-.Ltmp2, $4  }
0x25: {  	_ = 	snop  }
0x26: {  	v4 =	vor.u32 s21, v2;
	s21 =	smov.u32 s22  }
0x27: {  	s23 =	sadd.s32 $0x10, s23;
	[tilespmem:v3+s12+$0x0] =	vst.idx.msk vm1, v4  }
0x28: {  	s22 =	sadd.s32 $0x10, s22;
	v3 =	vld [tilespmem:s23+$0x0]  }
0x29: {  	_ =	sdelay $0x3  }
0x2a: {  	v3 =	vadd.s32 v0, v3  }
0x2b: {  	vm0 =	vgt.s32 v3, $0x0  }
0x2c: {  	vm1 =	vlt.u32 v3, $0xFA0;
	v3 =	vnsel vm0, $0x0, v3  }
0x2d: {  	v3 =	vmin.u32 v3, $0xF9F;
	_ =	sdelay $0x3  }
0x2e: {  	v4 =	vor.u32 s21, v2  }
0x2f: {  	[tilespmem:v3+s12+$0x0] =	vst.idx.msk vm1, v4  }
0x30: {  	[tilespmem:s14], [sflag:$0x1] =	stream.indirect.gather [hbm4b:s4+s13], $0x80, s12, s13, $0xb8;
	[tilespmem:$0x1C6B0] =	vst v63  }
0x31: {  	_ =	swait.ge [sflag:s15], $0x19000  }
0x32: {  	[sflag:s15] =	ssyncset.done $0x0  }
0x33: {  	[sflag:s15] =	ssyncadd.s32 $0xFFFE7000  }
0x34: {  	[hbm4b:s5+s3] =	stream.linear.scatter [tilespmem:s14], [sflag:$0x2], $0x19000, $0x38;
	[tilespmem:$0x1C6B0] =	vst v63  }
0x35: {  	_ =	swait.ge [sflag:s11], $0x19000  }
0x36: {  	[sflag:s11] =	ssyncset.done $0x0  }
0x37: {  	[sflag:s11] =	ssyncadd.s32 $0xFFFE7000  }
0x38: {  	[tilespmem:s14], [sflag:$0x1] =	stream.indirect.gather [hbm4b:s4+s13], $0x80, s16, s13, $0xb8;
	[tilespmem:$0x1C6B0] =	vst v63  }
0x39: {  	_ =	swait.ge [sflag:s15], $0x19000  }
0x3a: {  	[sflag:s15] =	ssyncset.done $0x0  }
0x3b: {  	[sflag:s15] =	ssyncadd.s32 $0xFFFE7000  }
0x3c: {  	[hbm4b:s6+s3] =	stream.linear.scatter [tilespmem:s14], [sflag:$0x2], $0x19000, $0x38;
	[tilespmem:$0x1C6B0] =	vst v63  }
0x3d: {  	_ =	swait.ge [sflag:s11], $0x19000  }
0x3e: {  	[sflag:s11] =	ssyncset.done $0x0  }
0x3f: {  	[sflag:s11] =	ssyncadd.s32 $0xFFFE7000  }
0x40: {  	[tilespmem:s14], [sflag:$0x1] =	stream.indirect.gather [hbm4b:s4+s13], $0x80, s17, s13, $0xb8;
	[tilespmem:$0x1C6B0] =	vst v63  }
0x41: {  	_ =	swait.ge [sflag:s15], $0x19000  }
0x42: {  	[sflag:s15] =	ssyncset.done $0x0  }
0x43: {  	[sflag:s15] =	ssyncadd.s32 $0xFFFE7000  }
0x44: {  	[hbm4b:s7+s3] =	stream.linear.scatter [tilespmem:s14], [sflag:$0x2], $0x19000, $0x38;
	[tilespmem:$0x1C6B0] =	vst v63  }
0x45: {  	_ =	swait.ge [sflag:s11], $0x19000  }
0x46: {  	[sflag:s11] =	ssyncset.done $0x0  }
0x47: {  	[sflag:s11] =	ssyncadd.s32 $0xFFFE7000  }
0x48: {  	[tilespmem:s14], [sflag:$0x1] =	stream.indirect.gather [hbm4b:s4+s13], $0x80, s18, s13, $0xb8;
	[tilespmem:$0x1C6B0] =	vst v63  }
0x49: {  	_ =	swait.ge [sflag:s15], $0x19000  }
0x4a: {  	[sflag:s15] =	ssyncset.done $0x0  }
0x4b: {  	[sflag:s15] =	ssyncadd.s32 $0xFFFE7000  }
0x4c: {  	[hbm4b:s8+s3] =	stream.linear.scatter [tilespmem:s14], [sflag:$0x2], $0x19000, $0x38;
	[tilespmem:$0x1C6B0] =	vst v63  }
0x4d: {  	_ =	swait.ge [sflag:s11], $0x19000  }
0x4e: {  	[sflag:s11] =	ssyncset.done $0x0  }
0x4f: {  	[sflag:s11] =	ssyncadd.s32 $0xFFFE7000  }
0x50: {  	[tilespmem:s14], [sflag:$0x1] =	stream.indirect.gather [hbm4b:s4+s13], $0x80, s19, s13, $0xb8;
	[tilespmem:$0x1C6B0] =	vst v63  }
0x51: {  	s20 =	sadd.s32 $0x1, s20;
	_ =	swait.ge [sflag:s15], $0x19000  }
0x52: {  	p0 =	sne.s32 s20, s10;
	[sflag:s15] =	ssyncset.done $0x0  }
.Ltmp3:
0x53: {  	[sflag:s15] =	ssyncadd.s32 $0xFFFE7000;
	(pc) =	sbr.rel @p0 .LBB2_2-.Ltmp3, $4  }
0x54: {  	[hbm4b:s9+s3] =	stream.linear.scatter [tilespmem:s14], [sflag:$0x2], $0x19000, $0x38;
	[tilespmem:$0x1C6B0] =	vst v63  }
0x55: {  	_ =	swait.ge [sflag:s11], $0x19000  }
0x56: {  	[sflag:s11] =	ssyncset.done $0x0  }
0x57: {  	[sflag:s11] =	ssyncadd.s32 $0xFFFE7000  }
.LBB2_7:
0x58: {  	_ =	sfence.sel $0x180000  }
0x59: {  	[bflag:$0x0] =	sbarrier.arrive $0xFFFF  }
0x5a: {  	p0 =	sne.s32 s0, $0x0;
	_ =	strace $0x9000004D  }
0x5b: {  	s0 =	sadd.s32 @!p0 $0x100000, s2;
	[bflag:$0x2] =	sbarrier.arrive $0xFFFF  }
0x5c: {  	[sflag:s0] =	ssyncadd.tile.s32 @!p0 $0x1;
	_ =	shalt  }
.Lfunc_end2:
_tile_overlayer_lowered:
.L_overlay_start_2:
0x5d: {  	(tag) =	ssettag $0x2  }
0x5e: {  	s0 =	rddreg [dreg:$0x0];
	s2 =	stileid.u32  }
0x5f: {  	s1 =	rddreg [dreg:$0x1];
	p0 =	sne.s32 s2, $0x0  }
0x60: {  	s3 =	rddreg [dreg:$0x2];
	[bflag:$0x3] =	sbarrier.arrive $0xFFFF;
	s2 =	simm.s32 @!p0 $0x1C02  }
0x61: {  	[timem:s3], [sflag:s2] =	dma.local @!p0 [hbm:s0], s1  }
0x62: {  	s0 =	simm.s32 @!p0 $0x2  }
0x63: {  	_ =	swait.ge @!p0 [sflag:s0], s1  }
0x64: {  	s1 =	ssub.s32 @!p0 $0x0, s1;
	[sflag:s0] =	ssyncset.done @!p0 $0x0  }
0x65: {  	[sflag:s0] =	ssyncadd.s32 @!p0 s1  }
0x66: {  	[bflag:$0x3] =	sbarrier.arrive $0xFFFF  }
0x67: {  	_ =	shalt  }

// kernel: kernel.6.cloned.1.call-start
scs
__scs_entry_jumppad:
0x0: {  	(pc) =	sbr.rel $0x88, $3  }
0x1: {  	(tag) =	ssettag $0x0;
	lr =	simm.s32 $0x1  }
0x2: {  	[smem:$0x3F96] =	sst lr;
	_ =	strace $0xD0000000  }
0x3: {  	_ = 	snop  }
0x4: {  	_ = 	snop  }
0x5: {  	_ = 	snop  }
0x6: {  	_ = 	snop  }
0x7: {  	_ = 	snop  }
__scs_overlays_trampoline_lowered:
0x8: {  	[smem:$0x3FA5] =	sst s0  }
0x9: {  	[smem:$0x3FA6] =	sst s1  }
0xa: {  	[smem:$0x3FA7] =	sst s2  }
0xb: {  	[smem:$0x3FA8] =	sst s3  }
0xc: {  	[smem:$0x3FA9] =	sst s4  }
0xd: {  	[smem:$0x3FAA] =	sst s5  }
0xe: {  	[smem:$0x3FAB] =	sst s6  }
0xf: {  	[smem:$0x3FAC] =	sst s7  }
0x10: {  	[smem:$0x3FAD] =	sst s8  }
0x11: {  	[smem:$0x3FAE] =	sst s9;
	s0 =	simm.s32 @!p0 $0x0  }
0x12: {  	s1 =	sld [smem:$0x3F94];
	s0 =	simm.s32 @p0 $0x1  }
0x13: {  	[smem:$0x3FAF] =	sst s0;
	s0 =	simm.s32 @!p1 $0x0  }
0x14: {  	s2 =	sld [smem:$0x3F93];
	s0 =	simm.s32 @p1 $0x1  }
0x15: {  	[smem:$0x3FB0] =	sst s0;
	s0 =	simm.s32 @!p2 $0x0  }
0x16: {  	s3 =	sld [smem:$0x3FDB];
	s0 =	simm.s32 @p2 $0x1  }
0x17: {  	s4 =	simm.s32 $0x1BF5;
	[smem:$0x3FB2] =	sst s0  }
0x18: {  	s0 =	sld [smem:$0x3F95];
	_ =	swait.ge [sflag:s4], $0x0  }
0x19: {  	s7 =	sld [smem:$0x3F96]  }
0x1a: {  	s8 =	sadd.s32 $0xFFFFE003, lr  }
0x1b: {  	s9 =	sadd.s32 $0xFFFFFEF7, lr;
	s5 =	simm.s32 $0xFFFFFFFF;
	p2 =	slt.u32 s8, $0xFFFFF086  }
0x1c: {  	p1 =	slt.u32 s9, $0xF7A;
	s5 =	simm.s32 @!p2 $0x0  }
0x1d: {  	s5 =	simm.s32 @p1 $0x1;
	p0 =	seq.s32 s7, s2  }
0x1e: {  	s7 =	smul.u32 @!p0 $0xF7A, s2;
	p2 =	seq.s32 @!p0 s5, $0x0  }
0x1f: {  	s9 =	smul.u32 $0xF7A, s1;
	s8 =	simm.s32 @!p0 $0x1BF5;
	p2 =	por !p2, p0  }
0x20: {  	[sflag:s8] =	ssyncset.s32 @!p0 $0xFFFFF086;
	s6 =	sadd.s32 @!p0 s3, s7;
	s7 =	simm.s32 @!p0 $0x108  }
0x21: {  	s3 =	sadd.s32 s3, s9;
	s6 =	sadd.s32 @!p0 $0x88, s6;
	s7 =	simm.s32 @p2 $0x1082  }
0x22: {  	[simem:s7], [sflag:s8] =	dma.local @!p0 [hbm:s6], $0xF7A  }
0x23: {  	s9 =	sor.u32 $0xD0000000, s2;
	s6 =	simm.s32 $0x108;
	_ =	swait.ge @!p0 [sflag:s8], $0x0  }
0x24: {  	s3 =	sadd.s32 $0x88, s3;
	s6 =	simm.s32 @!p1 $0x1082;
	[sflag:s4] =	ssyncset.s32 $0xFFFFF086  }
0x25: {  	[simem:s6], [sflag:s4] =	dma.local [hbm:s3], $0xF7A  }
0x26: {  	[smem:$0x3F96] =	sst s1;
	(tag) =	ssettag s2;
	_ =	strace s9  }
0x27: {  	s1 =	sld [smem:$0x3FA6]  }
0x28: {  	s2 =	sld [smem:$0x3FA7]  }
0x29: {  	s4 =	sld [smem:$0x3FA9]  }
0x2a: {  	p0 =	seq.s32 s5, $0x0;
	s5 =	sld [smem:$0x3FAA]  }
0x2b: {  	s6 =	sld [smem:$0x3FAB]  }
0x2c: {  	s7 =	sld [smem:$0x3FAC]  }
0x2d: {  	s3 =	simm.s32 $0x108;
	s8 =	sld [smem:$0x3FAD]  }
0x2e: {  	s3 =	simm.s32 @!p0 $0x1082;
	s9 =	sld [smem:$0x3FAE]  }
0x2f: {  	lr =	sadd.s32 s0, s3;
	s0 =	sld [smem:$0x3FA5]  }
0x30: {  	s3 =	sld [smem:$0x3FA8]  }
0x31: {  	[smem:$0x3FB1] =	sst s10  }
0x32: {  	s10 =	sld [smem:$0x3FAF];
	_ =	sdelay $0x3  }
0x33: {  	p0 =	seq.s32 s10, $0x1;
	s10 =	sld [smem:$0x3FB1];
	_ =	sdelay $0x3  }
0x34: {  	[smem:$0x3FB1] =	sst s10  }
0x35: {  	s10 =	sld [smem:$0x3FB0];
	_ =	sdelay $0x3  }
0x36: {  	p1 =	seq.s32 s10, $0x1;
	s10 =	sld [smem:$0x3FB1];
	_ =	sdelay $0x3  }
0x37: {  	[smem:$0x3FB1] =	sst s10  }
0x38: {  	s10 =	sld [smem:$0x3FB2]  }
0x39: {  	_ = 	snop;
	(pc) =	sbr.ind lr, $3  }
0x3a: {  	_ = 	snop  }
0x3b: {  	_ = 	snop  }
0x3c: {  	p2 =	seq.s32 s10, $0x1;
	s10 =	sld [smem:$0x3FB1]  }
0x3d: {  	_ =	shalt  }
0x3e: {  	_ =	shalt  }
0x3f: {  	_ =	shalt  }
0x40: {  	_ =	shalt  }
0x41: {  	_ =	shalt  }
0x42: {  	_ =	shalt  }
0x43: {  	_ =	shalt  }
0x44: {  	_ =	shalt  }
0x45: {  	_ =	shalt  }
0x46: {  	_ =	shalt  }
0x47: {  	_ =	shalt  }
0x48: {  	_ =	shalt  }
0x49: {  	_ =	shalt  }
0x4a: {  	_ =	shalt  }
0x4b: {  	_ =	shalt  }
0x4c: {  	_ =	shalt  }
0x4d: {  	_ =	shalt  }
0x4e: {  	_ =	shalt  }
0x4f: {  	_ =	shalt  }
0x50: {  	_ =	shalt  }
0x51: {  	_ =	shalt  }
0x52: {  	_ =	shalt  }
0x53: {  	_ =	shalt  }
0x54: {  	_ =	shalt  }
0x55: {  	_ =	shalt  }
0x56: {  	_ =	shalt  }
0x57: {  	_ =	shalt  }
0x58: {  	_ =	shalt  }
0x59: {  	_ =	shalt  }
0x5a: {  	_ =	shalt  }
0x5b: {  	_ =	shalt  }
0x5c: {  	_ =	shalt  }
0x5d: {  	_ =	shalt  }
0x5e: {  	_ =	shalt  }
0x5f: {  	_ =	shalt  }
0x60: {  	_ =	shalt  }
0x61: {  	_ =	shalt  }
0x62: {  	_ =	shalt  }
0x63: {  	_ =	shalt  }
0x64: {  	_ =	shalt  }
0x65: {  	_ =	shalt  }
0x66: {  	_ =	shalt  }
0x67: {  	_ =	shalt  }
0x68: {  	_ =	shalt  }
0x69: {  	_ =	shalt  }
0x6a: {  	_ =	shalt  }
0x6b: {  	_ =	shalt  }
0x6c: {  	_ =	shalt  }
0x6d: {  	_ =	shalt  }
0x6e: {  	_ =	shalt  }
0x6f: {  	_ =	shalt  }
0x70: {  	_ =	shalt  }
0x71: {  	_ =	shalt  }
0x72: {  	_ =	shalt  }
0x73: {  	_ =	shalt  }
0x74: {  	_ =	shalt  }
0x75: {  	_ =	shalt  }
0x76: {  	_ =	shalt  }
0x77: {  	_ =	shalt  }
0x78: {  	_ =	shalt  }
0x79: {  	_ =	shalt  }
0x7a: {  	_ =	shalt  }
0x7b: {  	_ =	shalt  }
0x7c: {  	_ =	shalt  }
0x7d: {  	_ =	shalt  }
0x7e: {  	_ =	shalt  }
0x7f: {  	_ =	shalt  }
0x80: {  	_ =	shalt  }
0x81: {  	_ =	shalt  }
0x82: {  	_ =	shalt  }
0x83: {  	_ =	shalt  }
0x84: {  	_ =	shalt  }
0x85: {  	_ =	shalt  }
0x86: {  	_ =	shalt  }
0x87: {  	_ =	shalt  }
.Lfunc_end0:
.L_simem_size_0:
called_computation_lowered:
.L_overlay_start_0:
0x88: {  	s2 =	sld [smem:$0x3FD9]  }
0x89: {  	s3 =	sld [smem:$0x3FFE];
	_ =	sdelay $0x1  }
0x8a: {  	s1 =	srdreg.scid  }
0x8b: {  	s0 =	sand.u32 $0x1, s1  }
0x8c: {  	s14 =	sshll.u32 s0, $0xA;
	s2 =	sadd.s32 s3, s2  }
0x8d: {  	s2 =	sadd.s32 s2, s14  }
0x8e: {  	[smem:$0x3FBD] =	sst s2  }
0x8f: {  	_ = 	snop  }
0x90: {  	s2 =	sld [smem:$0x3FD0];
	_ =	sdelay $0x2  }
0x91: {  	s4 =	simm.s32 $0xA;
	s5 =	simm.s32 $0x10;
	s15 =	sld [smem:$0x3FC7]  }
0x92: {  	[smem:s5], [sflag:s4] =	dma.local [hbm:s2], $0x1  }
0x93: {  	_ =	swait.eq [sflag:s4], $0x1  }
0x94: {  	[sflag:s4] =	ssyncset.done $0x0  }
0x95: {  	s16 =	sld [smem:$0x10];
	[sflag:s4] =	ssyncadd.s32 $0xFFFFFFFF  }
0x96: {  	s17 =	sld [smem:$0x11];
	(tm) =	ssettm $0x1  }
0x97: {  	s18 =	sld [smem:$0x3FFB];
	_ =	sdelay $0x3  }
0x98: {  	_ =	strace s18  }
0x99: {  	s5 =	sld [smem:$0x3FFC];
	_ =	sdelay $0x3  }
0x9a: {  	_ =	strace s5  }
0x9b: {  	s5 =	sld [smem:$0x3FFD];
	_ =	sdelay $0x3  }
0x9c: {  	_ =	strace s5  }
0x9d: {  	_ =	strace $0x8FFFFFFF  }
0x9e: {  	s19 =	sld [smem:$0x3FDB];
	_ =	sdelay $0x1  }
0x9f: {  	s6 =	simm.s32 $_scs_section_size  }
0xa0: {  	s7 =	simm.s32 $_size__tile_overlayer_lowered;
	s8 =	simm.s32 $_tile_overlayer_lowered  }
0xa1: {  	s22 =	simm.s32 $0x1BFF;
	s21 =	sshll.u32 s8, $0x1;
	s5 =	sadd.s32 s6, s19  }
0xa2: {  	s9 =	simm.s32 $0x0;
	s20 =	sshll.u32 s7, $0x1;
	s7 =	sadd.s32 s21, s5  }
0xa3: {  	[timem:s9], [sflag:s22] =	dma.local [hbm:s7], s20  }
0xa4: {  	_ =	swait.ge [sflag:s22], s20  }
0xa5: {  	s6 =	ssub.s32 $0x0, s20;
	[sflag:s22] =	ssyncset.done $0x0  }
0xa6: {  	[sflag:s22] =	ssyncadd.s32 s6;
	_ =	sdelay $0x1  }
0xa7: {  	s23 =	simm.s32 $0x1B8B  }
0xa8: {  	_ =	swait.ge [sflag:s23], $0x1  }
0xa9: {  	[sflag:s23] =	ssyncset.done $0x0  }
0xaa: {  	s25 =	simm.s32 $0x1B8E;
	s24 =	sld [smem:$0x3FFE];
	[sflag:s23] =	ssyncadd.s32 $0xFFFFFFFF  }
0xab: {  	s26 =	simm.s32 $execute0_lowered;
	[smem:$0x3FD2] =	sst s25  }
0xac: {  	s7 =	sshll.u32 s26, $0x1;
	_ =	strace $0x80000046;
	[dreg:$0x1] =	wrdreg $0xFFFFFFFF  }
0xad: {  	s28 =	simm.s32 $_size_execute0_lowered;
	s5 =	sadd.s32 s5, s7;
	[dreg:$0x0] =	wrdreg $0x0  }
0xae: {  	s7 =	sshll.u32 s28, $0x1;
	[dreg:$0x2] =	wrdreg s5  }
0xaf: {  	[dreg:$0x3] =	wrdreg s7  }
0xb0: {  	[dreg:$0x4] =	wrdreg $0xC0  }
0xb1: {  	_ =	task [dreg:s9], $0x5FFFF  }
0xb2: {  	[dreg:$0x1] =	wrdreg $0xFFFFFFFF  }
0xb3: {  	[dreg:$0x0] =	wrdreg $0x60  }
0xb4: {  	[dreg:$0x2] =	wrdreg s24  }
0xb5: {  	[dreg:$0x3] =	wrdreg s15  }
0xb6: {  	[dreg:$0x4] =	wrdreg s16  }
0xb7: {  	[dreg:$0x5] =	wrdreg s17  }
0xb8: {  	[dreg:$0x6] =	wrdreg $0x9  }
0xb9: {  	_ =	task.clear_ibuf [dreg:s9], $0x7FFFF;
	_ =	strace $0x90000046  }
0xba: {  	s29 =	simm.s32 $0x9;
	_ =	strace $0x80000048  }
0xbb: {  	_ =	swait.ge [sflag:s29], $0x1  }
0xbc: {  	[sflag:s29] =	ssyncadd.s32 $0xFFFFFFFF  }
0xbd: {  	_ =	strace $0x90000048  }
0xbe: {  	_ =	sfence  }
0xbf: {  	s30 =	sld [smem:$0x0];
	_ =	sdelay $0x2  }
0xc0: {  	s31 =	sshll.u32 s1, $0xD;
	s1 =	sshrl.u32 s1, $0x2  }
0xc1: {  	s3 =	sand.u32 $0x4000, s31;
	s1 =	sadd.s32 s1, s30  }
0xc2: {  	s0 =	sor.u32 s3, s0;
	s1 =	sshll.u32 s1, $0x11  }
0xc3: {  	s0 =	sor.u32 s1, s0  }
0xc4: {  	s0 =	sadd.s32 $0x8F2B, s0  }
0xc5: {  	[sflag:s0] =	ssyncadd.remote.s32 $0x1  }
0xc6: {  	_ =	sfence.sel $0xFFFF  }
0xc7: {  	[dreg:$0x0] =	wrdreg $0xFFFFFFFF;
	(pc) =	sbr.abs _section_cstart, $3  }
0xc8: {  	[dreg:$0x1] =	wrdreg $0xFFFFFFFF  }
0xc9: {  	_ =	task.clear_ibuf [dreg:s9], $0x2FFFF;
	_ =	strace $0x9FFFFFFF  }
0xca: {  	(tm) =	ssettm $0x7FFFFFFF  }
0xcb: {  	_ =	shalt  }
tec
execute0_lowered:
.L_overlay_start_1:
0x0: {  	(tag) =	ssettag $0x1  }
0x1: {  	s6 =	rddreg [dreg:$0x0]  }
0x2: {  	s1 =	srdreg.scid;
	s0 =	stileid.u32  }
0x3: {  	s2 =	rddreg [dreg:$0x1];
	s11 =	sand.u32 $0x1, s1;
	s29 =	sshll.u32 s0, $0x1  }
0x4: {  	s10 =	rddreg [dreg:$0x2];
	s12 =	sor.u32 s11, s29  }
0x5: {  	s13 =	rddreg [dreg:$0x3];
	s4 =	smul.u32 $0x28, s12  }
0x6: {  	s3 =	simm.s32 $0x0;
	s1 =	rddreg [dreg:$0x4]  }
0x7: {  	[smem:$0x7FF] =	sst s3;
	s4 =	sadd.s32 s4, s6  }
0x8: {  	_ =	strace $0x80000047;
	s5 =	sadd.s32 $0x4BA00, s4;
	s4 =	simm.s32 $0x3  }
0x9: {  	[tilespmem:s3], [sflag:$0x3] =	stream.linear.gather [hbm4b:s5+s3], $0x140, $0x38;
	[tilespmem:$0xBF40] =	vst v63  }
0xa: {  	_ =	swait.ge [sflag:s4], $0x140  }
0xb: {  	[sflag:s4] =	ssyncset.done $0x0  }
0xc: {  	s7 =	simm.s32 $0x140;
	s6 =	sadd.s32 $0x2600, s6;
	[sflag:s4] =	ssyncadd.s32 $0xFFFFFEC0  }
0xd: {  	[tilespmem:s7], [sflag:$0x1] =	stream.indirect.gather [hbm4b:s6+s7], $0x18, s3, s7, $0xb8;
	[tilespmem:$0xBF40] =	vst v63  }
0xe: {  	s8 =	simm.s32 $0x1F40;
	s9 =	simm.s32 $0x1  }
0xf: {  	[tilespmem:s8], [sflag:$0x2] =	stream.indirect.gather [hbm4b:s2+s7], $0x80, s3, s7, $0xb8;
	[tilespmem:$0xBF40] =	vst v63  }
0x10: {  	s14 =	smul.u32 $0x3C0, s12;
	_ =	swait.ge [sflag:s9], $0x1E00  }
0x11: {  	[sflag:s9] =	ssyncset.done $0x0  }
0x12: {  	s30 =	ssub.s32 $0x2, s11;
	s10 =	sadd.s32 s10, s14;
	[sflag:s9] =	ssyncadd.s32 $0xFFFFE200  }
0x13: {  	[hbm4b:s10+s3] =	stream.linear.scatter [tilespmem:s7], [sflag:$0x3], $0x1E00, $0x38;
	[tilespmem:$0xBF40] =	vst v63  }
0x14: {  	s15 =	sshrl.u32 s30, $0x1;
	_ =	swait.ge [sflag:s4], $0x1E00  }
0x15: {  	s14 =	ssub.s32 s30, s15;
	[sflag:s4] =	ssyncset.done $0x0  }
0x16: {  	s11 =	simm.s32 $0x2;
	s31 =	smax.u32 s14, $0x1;
	[sflag:s4] =	ssyncadd.s32 $0xFFFFE200  }
0x17: {  	s12 =	smul.u32 $0x1400, s12;
	p0 =	sne.s32 s31, $0x1;
	_ =	swait.ge [sflag:s11], $0xA000  }
.Ltmp0:
0x18: {  	[sflag:s11] =	ssyncset.done $0x0;
	(pc) =	sbr.rel @!p0 .LBB2_2-.Ltmp0, $4  }
0x19: {  	s12 =	sadd.s32 s13, s12;
	[sflag:s11] =	ssyncadd.s32 $0xFFFF6000  }
0x1a: {  	[hbm4b:s12+s3] =	stream.linear.scatter [tilespmem:s8], [sflag:$0x3], $0xA000, $0x38;
	[tilespmem:$0xBF40] =	vst v63  }
0x1b: {  	_ =	swait.ge [sflag:s4], $0xA000  }
0x1c: {  	s13 =	sadd.s32 $0xFFFFFFFF, s31;
	[sflag:s4] =	ssyncset.done $0x0  }
.LBB2_1:
0x1d: {  	p0 =	sne.s32 s13, $0x1;
	s13 =	sadd.s32 $0xFFFFFFFF, s13;
	[sflag:s4] =	ssyncadd.s32 $0xFFFF6000  }
0x1e: {  	[tilespmem:s3], [sflag:$0x3] =	stream.linear.gather [hbm4b:s5+s3], $0x140, $0x38;
	[tilespmem:$0xBF40] =	vst v63  }
0x1f: {  	_ =	swait.ge [sflag:s4], $0x140  }
0x20: {  	[sflag:s4] =	ssyncset.done $0x0  }
0x21: {  	[sflag:s4] =	ssyncadd.s32 $0xFFFFFEC0  }
0x22: {  	[tilespmem:s7], [sflag:$0x1] =	stream.indirect.gather [hbm4b:s6+s7], $0x18, s3, s7, $0xb8;
	[tilespmem:$0xBF40] =	vst v63  }
0x23: {  	_ = 	snop  }
0x24: {  	[tilespmem:s8], [sflag:$0x2] =	stream.indirect.gather [hbm4b:s2+s7], $0x80, s3, s7, $0xb8;
	[tilespmem:$0xBF40] =	vst v63  }
0x25: {  	_ =	swait.ge [sflag:s9], $0x1E00  }
0x26: {  	[sflag:s9] =	ssyncset.done $0x0  }
0x27: {  	[sflag:s9] =	ssyncadd.s32 $0xFFFFE200  }
0x28: {  	[hbm4b:s10+s3] =	stream.linear.scatter [tilespmem:s7], [sflag:$0x3], $0x1E00, $0x38;
	[tilespmem:$0xBF40] =	vst v63  }
0x29: {  	_ =	swait.ge [sflag:s4], $0x1E00  }
0x2a: {  	[sflag:s4] =	ssyncset.done $0x0  }
0x2b: {  	[sflag:s4] =	ssyncadd.s32 $0xFFFFE200  }
0x2c: {  	_ =	swait.ge [sflag:s11], $0xA000  }
.Ltmp1:
0x2d: {  	[sflag:s11] =	ssyncset.done $0x0;
	(pc) =	sbr.rel @p0 .LBB2_1-.Ltmp1, $4  }
0x2e: {  	[sflag:s11] =	ssyncadd.s32 $0xFFFF6000  }
0x2f: {  	[hbm4b:s12+s3] =	stream.linear.scatter [tilespmem:s8], [sflag:$0x3], $0xA000, $0x38;
	[tilespmem:$0xBF40] =	vst v63  }
0x30: {  	_ =	swait.ge [sflag:s4], $0xA000  }
0x31: {  	[sflag:s4] =	ssyncset.done $0x0  }
.LBB2_2:
0x32: {  	[sflag:s4] =	ssyncadd.s32 $0xFFFF6000  }
0x33: {  	_ =	sfence.sel $0x180000  }
0x34: {  	[bflag:$0x0] =	sbarrier.arrive $0xFFFF  }
0x35: {  	p0 =	sne.s32 s0, $0x0;
	_ =	strace $0x90000047  }
0x36: {  	s0 =	sadd.s32 @!p0 $0x100000, s1;
	[bflag:$0x2] =	sbarrier.arrive $0xFFFF  }
0x37: {  	[sflag:s0] =	ssyncadd.tile.s32 @!p0 $0x1;
	_ =	shalt  }
.Lfunc_end2:
_tile_overlayer_lowered:
.L_overlay_start_2:
0x38: {  	(tag) =	ssettag $0x2  }
0x39: {  	s0 =	rddreg [dreg:$0x0];
	s2 =	stileid.u32  }
0x3a: {  	s1 =	rddreg [dreg:$0x1];
	p0 =	sne.s32 s2, $0x0  }
0x3b: {  	s3 =	rddreg [dreg:$0x2];
	[bflag:$0x3] =	sbarrier.arrive $0xFFFF;
	s2 =	simm.s32 @!p0 $0x1C03  }
0x3c: {  	[timem:s3], [sflag:s2] =	dma.local @!p0 [hbm:s0], s1  }
0x3d: {  	s0 =	simm.s32 @!p0 $0x3  }
0x3e: {  	_ =	swait.ge @!p0 [sflag:s0], s1  }
0x3f: {  	s1 =	ssub.s32 @!p0 $0x0, s1;
	[sflag:s0] =	ssyncset.done @!p0 $0x0  }
0x40: {  	[sflag:s0] =	ssyncadd.s32 @!p0 s1  }
0x41: {  	[bflag:$0x3] =	sbarrier.arrive $0xFFFF  }
0x42: {  	_ =	shalt  }

// kernel: kernel.9.cloned.1.call-start
scs
__scs_entry_jumppad:
0x0: {  	(pc) =	sbr.rel $0x88, $3  }
0x1: {  	(tag) =	ssettag $0x0;
	lr =	simm.s32 $0x1  }
0x2: {  	[smem:$0x3F96] =	sst lr;
	_ =	strace $0xD0000000  }
0x3: {  	_ = 	snop  }
0x4: {  	_ = 	snop  }
0x5: {  	_ = 	snop  }
0x6: {  	_ = 	snop  }
0x7: {  	_ = 	snop  }
__scs_overlays_trampoline_lowered:
0x8: {  	[smem:$0x3FA5] =	sst s0  }
0x9: {  	[smem:$0x3FA6] =	sst s1  }
0xa: {  	[smem:$0x3FA7] =	sst s2  }
0xb: {  	[smem:$0x3FA8] =	sst s3  }
0xc: {  	[smem:$0x3FA9] =	sst s4  }
0xd: {  	[smem:$0x3FAA] =	sst s5  }
0xe: {  	[smem:$0x3FAB] =	sst s6  }
0xf: {  	[smem:$0x3FAC] =	sst s7  }
0x10: {  	[smem:$0x3FAD] =	sst s8  }
0x11: {  	[smem:$0x3FAE] =	sst s9;
	s0 =	simm.s32 @!p0 $0x0  }
0x12: {  	s1 =	sld [smem:$0x3F94];
	s0 =	simm.s32 @p0 $0x1  }
0x13: {  	[smem:$0x3FAF] =	sst s0;
	s0 =	simm.s32 @!p1 $0x0  }
0x14: {  	s2 =	sld [smem:$0x3F93];
	s0 =	simm.s32 @p1 $0x1  }
0x15: {  	[smem:$0x3FB0] =	sst s0;
	s0 =	simm.s32 @!p2 $0x0  }
0x16: {  	s3 =	sld [smem:$0x3FDB];
	s0 =	simm.s32 @p2 $0x1  }
0x17: {  	s4 =	simm.s32 $0x1BF5;
	[smem:$0x3FB2] =	sst s0  }
0x18: {  	s0 =	sld [smem:$0x3F95];
	_ =	swait.ge [sflag:s4], $0x0  }
0x19: {  	s7 =	sld [smem:$0x3F96]  }
0x1a: {  	s8 =	sadd.s32 $0xFFFFE003, lr  }
0x1b: {  	s9 =	sadd.s32 $0xFFFFFEF7, lr;
	s5 =	simm.s32 $0xFFFFFFFF;
	p2 =	slt.u32 s8, $0xFFFFF086  }
0x1c: {  	p1 =	slt.u32 s9, $0xF7A;
	s5 =	simm.s32 @!p2 $0x0  }
0x1d: {  	s5 =	simm.s32 @p1 $0x1;
	p0 =	seq.s32 s7, s2  }
0x1e: {  	s7 =	smul.u32 @!p0 $0xF7A, s2;
	p2 =	seq.s32 @!p0 s5, $0x0  }
0x1f: {  	s9 =	smul.u32 $0xF7A, s1;
	s8 =	simm.s32 @!p0 $0x1BF5;
	p2 =	por !p2, p0  }
0x20: {  	[sflag:s8] =	ssyncset.s32 @!p0 $0xFFFFF086;
	s6 =	sadd.s32 @!p0 s3, s7;
	s7 =	simm.s32 @!p0 $0x108  }
0x21: {  	s3 =	sadd.s32 s3, s9;
	s6 =	sadd.s32 @!p0 $0x88, s6;
	s7 =	simm.s32 @p2 $0x1082  }
0x22: {  	[simem:s7], [sflag:s8] =	dma.local @!p0 [hbm:s6], $0xF7A  }
0x23: {  	s9 =	sor.u32 $0xD0000000, s2;
	s6 =	simm.s32 $0x108;
	_ =	swait.ge @!p0 [sflag:s8], $0x0  }
0x24: {  	s3 =	sadd.s32 $0x88, s3;
	s6 =	simm.s32 @!p1 $0x1082;
	[sflag:s4] =	ssyncset.s32 $0xFFFFF086  }
0x25: {  	[simem:s6], [sflag:s4] =	dma.local [hbm:s3], $0xF7A  }
0x26: {  	[smem:$0x3F96] =	sst s1;
	(tag) =	ssettag s2;
	_ =	strace s9  }
0x27: {  	s1 =	sld [smem:$0x3FA6]  }
0x28: {  	s2 =	sld [smem:$0x3FA7]  }
0x29: {  	s4 =	sld [smem:$0x3FA9]  }
0x2a: {  	p0 =	seq.s32 s5, $0x0;
	s5 =	sld [smem:$0x3FAA]  }
0x2b: {  	s6 =	sld [smem:$0x3FAB]  }
0x2c: {  	s7 =	sld [smem:$0x3FAC]  }
0x2d: {  	s3 =	simm.s32 $0x108;
	s8 =	sld [smem:$0x3FAD]  }
0x2e: {  	s3 =	simm.s32 @!p0 $0x1082;
	s9 =	sld [smem:$0x3FAE]  }
0x2f: {  	lr =	sadd.s32 s0, s3;
	s0 =	sld [smem:$0x3FA5]  }
0x30: {  	s3 =	sld [smem:$0x3FA8]  }
0x31: {  	[smem:$0x3FB1] =	sst s10  }
0x32: {  	s10 =	sld [smem:$0x3FAF];
	_ =	sdelay $0x3  }
0x33: {  	p0 =	seq.s32 s10, $0x1;
	s10 =	sld [smem:$0x3FB1];
	_ =	sdelay $0x3  }
0x34: {  	[smem:$0x3FB1] =	sst s10  }
0x35: {  	s10 =	sld [smem:$0x3FB0];
	_ =	sdelay $0x3  }
0x36: {  	p1 =	seq.s32 s10, $0x1;
	s10 =	sld [smem:$0x3FB1];
	_ =	sdelay $0x3  }
0x37: {  	[smem:$0x3FB1] =	sst s10  }
0x38: {  	s10 =	sld [smem:$0x3FB2]  }
0x39: {  	_ = 	snop;
	(pc) =	sbr.ind lr, $3  }
0x3a: {  	_ = 	snop  }
0x3b: {  	_ = 	snop  }
0x3c: {  	p2 =	seq.s32 s10, $0x1;
	s10 =	sld [smem:$0x3FB1]  }
0x3d: {  	_ =	shalt  }
0x3e: {  	_ =	shalt  }
0x3f: {  	_ =	shalt  }
0x40: {  	_ =	shalt  }
0x41: {  	_ =	shalt  }
0x42: {  	_ =	shalt  }
0x43: {  	_ =	shalt  }
0x44: {  	_ =	shalt  }
0x45: {  	_ =	shalt  }
0x46: {  	_ =	shalt  }
0x47: {  	_ =	shalt  }
0x48: {  	_ =	shalt  }
0x49: {  	_ =	shalt  }
0x4a: {  	_ =	shalt  }
0x4b: {  	_ =	shalt  }
0x4c: {  	_ =	shalt  }
0x4d: {  	_ =	shalt  }
0x4e: {  	_ =	shalt  }
0x4f: {  	_ =	shalt  }
0x50: {  	_ =	shalt  }
0x51: {  	_ =	shalt  }
0x52: {  	_ =	shalt  }
0x53: {  	_ =	shalt  }
0x54: {  	_ =	shalt  }
0x55: {  	_ =	shalt  }
0x56: {  	_ =	shalt  }
0x57: {  	_ =	shalt  }
0x58: {  	_ =	shalt  }
0x59: {  	_ =	shalt  }
0x5a: {  	_ =	shalt  }
0x5b: {  	_ =	shalt  }
0x5c: {  	_ =	shalt  }
0x5d: {  	_ =	shalt  }
0x5e: {  	_ =	shalt  }
0x5f: {  	_ =	shalt  }
0x60: {  	_ =	shalt  }
0x61: {  	_ =	shalt  }
0x62: {  	_ =	shalt  }
0x63: {  	_ =	shalt  }
0x64: {  	_ =	shalt  }
0x65: {  	_ =	shalt  }
0x66: {  	_ =	shalt  }
0x67: {  	_ =	shalt  }
0x68: {  	_ =	shalt  }
0x69: {  	_ =	shalt  }
0x6a: {  	_ =	shalt  }
0x6b: {  	_ =	shalt  }
0x6c: {  	_ =	shalt  }
0x6d: {  	_ =	shalt  }
0x6e: {  	_ =	shalt  }
0x6f: {  	_ =	shalt  }
0x70: {  	_ =	shalt  }
0x71: {  	_ =	shalt  }
0x72: {  	_ =	shalt  }
0x73: {  	_ =	shalt  }
0x74: {  	_ =	shalt  }
0x75: {  	_ =	shalt  }
0x76: {  	_ =	shalt  }
0x77: {  	_ =	shalt  }
0x78: {  	_ =	shalt  }
0x79: {  	_ =	shalt  }
0x7a: {  	_ =	shalt  }
0x7b: {  	_ =	shalt  }
0x7c: {  	_ =	shalt  }
0x7d: {  	_ =	shalt  }
0x7e: {  	_ =	shalt  }
0x7f: {  	_ =	shalt  }
0x80: {  	_ =	shalt  }
0x81: {  	_ =	shalt  }
0x82: {  	_ =	shalt  }
0x83: {  	_ =	shalt  }
0x84: {  	_ =	shalt  }
0x85: {  	_ =	shalt  }
0x86: {  	_ =	shalt  }
0x87: {  	_ =	shalt  }
.Lfunc_end0:
.L_simem_size_0:
called_computation.1_lowered:
.L_overlay_start_0:
0x88: {  	s2 =	sld [smem:$0x3FD9]  }
0x89: {  	s3 =	sld [smem:$0x3FFE];
	_ =	sdelay $0x1  }
0x8a: {  	s1 =	srdreg.scid  }
0x8b: {  	s0 =	sand.u32 $0x1, s1  }
0x8c: {  	s14 =	sshll.u32 s0, $0xA;
	s2 =	sadd.s32 s3, s2  }
0x8d: {  	s2 =	sadd.s32 s2, s14  }
0x8e: {  	[smem:$0x3FBD] =	sst s2  }
0x8f: {  	_ = 	snop  }
0x90: {  	s2 =	sld [smem:$0x3FD0];
	_ =	sdelay $0x2  }
0x91: {  	s4 =	simm.s32 $0xA;
	s5 =	simm.s32 $0x10;
	s15 =	sld [smem:$0x3FC6]  }
0x92: {  	[smem:s5], [sflag:s4] =	dma.local [hbm:s2], $0x1  }
0x93: {  	_ =	swait.eq [sflag:s4], $0x1  }
0x94: {  	[sflag:s4] =	ssyncset.done $0x0  }
0x95: {  	[sflag:s4] =	ssyncadd.s32 $0xFFFFFFFF  }
0x96: {  	s16 =	sld [smem:$0x10];
	(tm) =	ssettm $0x1  }
0x97: {  	s17 =	sld [smem:$0x3FFB];
	_ =	sdelay $0x3  }
0x98: {  	_ =	strace s17  }
0x99: {  	s4 =	sld [smem:$0x3FFC];
	_ =	sdelay $0x3  }
0x9a: {  	_ =	strace s4  }
0x9b: {  	s4 =	sld [smem:$0x3FFD];
	_ =	sdelay $0x3  }
0x9c: {  	_ =	strace s4  }
0x9d: {  	_ =	strace $0x8FFFFFFF  }
0x9e: {  	s18 =	sld [smem:$0x3FDB];
	_ =	sdelay $0x1  }
0x9f: {  	s19 =	simm.s32 $_scs_section_size  }
0xa0: {  	s6 =	simm.s32 $_size__tile_overlayer_lowered;
	s7 =	simm.s32 $_tile_overlayer_lowered  }
0xa1: {  	s22 =	simm.s32 $0x1BFF;
	s21 =	sshll.u32 s7, $0x1;
	s4 =	sadd.s32 s19, s18  }
0xa2: {  	s8 =	simm.s32 $0x0;
	s20 =	sshll.u32 s6, $0x1;
	s6 =	sadd.s32 s21, s4  }
0xa3: {  	[timem:s8], [sflag:s22] =	dma.local [hbm:s6], s20  }
0xa4: {  	_ =	swait.ge [sflag:s22], s20  }
0xa5: {  	s5 =	ssub.s32 $0x0, s20;
	[sflag:s22] =	ssyncset.done $0x0  }
0xa6: {  	[sflag:s22] =	ssyncadd.s32 s5;
	_ =	sdelay $0x1  }
0xa7: {  	s23 =	simm.s32 $0x1B8B  }
0xa8: {  	_ =	swait.ge [sflag:s23], $0x1  }
0xa9: {  	[sflag:s23] =	ssyncset.done $0x0  }
0xaa: {  	s25 =	simm.s32 $0x1B8E;
	s24 =	sld [smem:$0x3FFE];
	[sflag:s23] =	ssyncadd.s32 $0xFFFFFFFF  }
0xab: {  	s26 =	simm.s32 $execute0_lowered;
	[smem:$0x3FD2] =	sst s25  }
0xac: {  	s6 =	sshll.u32 s26, $0x1;
	_ =	strace $0x80000049;
	[dreg:$0x1] =	wrdreg $0xFFFFFFFF  }
0xad: {  	s28 =	simm.s32 $_size_execute0_lowered;
	s4 =	sadd.s32 s4, s6;
	[dreg:$0x0] =	wrdreg $0x0  }
0xae: {  	s6 =	sshll.u32 s28, $0x1;
	[dreg:$0x2] =	wrdreg s4  }
0xaf: {  	[dreg:$0x3] =	wrdreg s6  }
0xb0: {  	[dreg:$0x4] =	wrdreg $0xC0  }
0xb1: {  	_ =	task [dreg:s8], $0x5FFFF  }
0xb2: {  	[dreg:$0x1] =	wrdreg $0xFFFFFFFF  }
0xb3: {  	[dreg:$0x0] =	wrdreg $0x60  }
0xb4: {  	[dreg:$0x2] =	wrdreg s16  }
0xb5: {  	[dreg:$0x3] =	wrdreg s15  }
0xb6: {  	[dreg:$0x4] =	wrdreg s24  }
0xb7: {  	[dreg:$0x5] =	wrdreg $0x9  }
0xb8: {  	_ =	task.clear_ibuf [dreg:s8], $0x6FFFF;
	_ =	strace $0x90000049  }
0xb9: {  	s29 =	simm.s32 $0x9;
	_ =	strace $0x8000004B  }
0xba: {  	_ =	swait.ge [sflag:s29], $0x1  }
0xbb: {  	[sflag:s29] =	ssyncadd.s32 $0xFFFFFFFF  }
0xbc: {  	_ =	strace $0x9000004B  }
0xbd: {  	_ =	sfence  }
0xbe: {  	s30 =	sld [smem:$0x0];
	_ =	sdelay $0x2  }
0xbf: {  	s31 =	sshll.u32 s1, $0xD;
	s1 =	sshrl.u32 s1, $0x2  }
0xc0: {  	s3 =	sand.u32 $0x4000, s31;
	s1 =	sadd.s32 s1, s30  }
0xc1: {  	s0 =	sor.u32 s3, s0;
	s1 =	sshll.u32 s1, $0x11  }
0xc2: {  	s0 =	sor.u32 s1, s0  }
0xc3: {  	s0 =	sadd.s32 $0x8F2B, s0  }
0xc4: {  	[sflag:s0] =	ssyncadd.remote.s32 $0x1  }
0xc5: {  	_ =	sfence.sel $0xFFFF  }
0xc6: {  	[dreg:$0x0] =	wrdreg $0xFFFFFFFF;
	(pc) =	sbr.abs _section_cstart, $3  }
0xc7: {  	[dreg:$0x1] =	wrdreg $0xFFFFFFFF  }
0xc8: {  	_ =	task.clear_ibuf [dreg:s8], $0x2FFFF;
	_ =	strace $0x9FFFFFFF  }
0xc9: {  	(tm) =	ssettm $0x7FFFFFFF  }
tec
execute0_lowered:
.L_overlay_start_1:
0x0: {  	(tag) =	ssettag $0x1  }
0x1: {  	s29 =	rddreg [dreg:$0x0]  }
0x2: {  	s2 =	rddreg [dreg:$0x1];
	s1 =	srdreg.scid  }
0x3: {  	s0 =	stileid.u32;
	s4 =	rddreg [dreg:$0x2]  }
0x4: {  	s3 =	simm.s32 $0x0;
	s1 =	sand.u32 $0x1, s1;
	s5 =	sshll.u32 s0, $0x1  }
0x5: {  	[smem:$0x7FF] =	sst s3;
	s5 =	sor.u32 s1, s5  }
0x6: {  	[dreg:$0x17] =	wrdreg s1;
	s30 =	smul.u32 $0x1E00, s5  }
0x7: {  	s31 =	sadd.s32 $0x2600, s4;
	_ =	strace $0x8000004A;
	s5 =	smul.u32 $0x1E000, s5  }
0x8: {  	s20 =	sshrl.u32 s30, $0x3;
	s6 =	sor.u32 $0x180, s30;
	s22 =	sadd.s32 $0x300, s30  }
0x9: {  	s23 =	sadd.s32 s31, s5;
	s1 =	sadd.s32 $0x480, s30;
	s9 =	sadd.s32 $0x600, s30  }
0xa: {  	s14 =	sadd.s32 $0x780, s30;
	s17 =	sadd.s32 $0x900, s30;
	s4 =	sadd.s32 s29, s20  }
0xb: {  	s7 =	sshrl.u32 s6, $0x3;
	s24 =	sshrl.u32 s22, $0x3;
	[dreg:$0x6] =	wrdreg s23  }
0xc: {  	s26 =	sshll.u32 s6, $0x4;
	[dreg:$0x4] =	wrdreg s4;
	s21 =	sadd.s32 s29, s7  }
0xd: {  	s6 =	sshrl.u32 s1, $0x3;
	s25 =	sadd.s32 s29, s24;
	[dreg:$0x5] =	wrdreg s21  }
0xe: {  	s8 =	sshll.u32 s22, $0x4;
	s0 =	sadd.s32 s31, s26;
	[dreg:$0x7] =	wrdreg s25  }
0xf: {  	s11 =	sshrl.u32 s9, $0x3;
	s4 =	sadd.s32 s29, s6;
	[dreg:$0x8] =	wrdreg s0  }
0x10: {  	s5 =	sshll.u32 s1, $0x4;
	s10 =	sadd.s32 s31, s8;
	[dreg:$0x9] =	wrdreg s4  }
0x11: {  	s15 =	sshrl.u32 s14, $0x3;
	s12 =	sadd.s32 s29, s11;
	[dreg:$0xa] =	wrdreg s10  }
0x12: {  	s16 =	sshll.u32 s9, $0x4;
	s13 =	sadd.s32 s31, s5;
	[dreg:$0xb] =	wrdreg s12  }
0x13: {  	s19 =	sshrl.u32 s17, $0x3;
	s18 =	sadd.s32 s31, s16;
	[dreg:$0xc] =	wrdreg s13  }
0x14: {  	s22 =	sadd.s32 $0xA80, s30;
	s20 =	sadd.s32 s29, s19;
	[dreg:$0xe] =	wrdreg s18  }
0x15: {  	s5 =	sshll.u32 s14, $0x4;
	s23 =	sshrl.u32 s22, $0x3;
	[dreg:$0xf] =	wrdreg s20  }
0x16: {  	s24 =	sshll.u32 s17, $0x4;
	s4 =	sadd.s32 s29, s15;
	s8 =	rddreg [dreg:$0x4]  }
0x17: {  	s11 =	sadd.s32 $0xD80, s30;
	s21 =	sadd.s32 s31, s5;
	[dreg:$0xd] =	wrdreg s4  }
0x18: {  	s25 =	sadd.s32 $0xC00, s30;
	s26 =	sadd.s32 s31, s24;
	[dreg:$0x10] =	wrdreg s21  }
0x19: {  	s5 =	sshll.u32 s22, $0x4;
	s4 =	sadd.s32 s29, s23;
	[dreg:$0x12] =	wrdreg s26  }
0x1a: {  	[tilespmem:s3], [sflag:$0x3] =	stream.linear.gather [hbm4b:s8+s3], $0x180, $0x38;
	[tilespmem:$0x18300] =	vst v63  }
0x1b: {  	s0 =	sshrl.u32 s25, $0x3;
	s5 =	sadd.s32 s31, s5;
	[dreg:$0x11] =	wrdreg s4  }
0x1c: {  	s6 =	sshrl.u32 s11, $0x3;
	s1 =	sadd.s32 s29, s0;
	[dreg:$0x14] =	wrdreg s5  }
0x1d: {  	s7 =	sshll.u32 s25, $0x4;
	s4 =	sadd.s32 s29, s6;
	[dreg:$0x13] =	wrdreg s1  }
0x1e: {  	s9 =	sadd.s32 s31, s7;
	[dreg:$0x15] =	wrdreg s4  }
0x1f: {  	[dreg:$0x16] =	wrdreg s9;
	s4 =	simm.s32 $0x3  }
0x20: {  	_ =	swait.ge [sflag:s4], $0x180  }
0x21: {  	[sflag:s4] =	ssyncset.done $0x0  }
0x22: {  	s5 =	simm.s32 $0x180;
	s6 =	simm.s32 $0x300;
	[sflag:s4] =	ssyncadd.s32 $0xFFFFFE80  }
0x23: {  	[tilespmem:s6], [sflag:$0x1] =	stream.indirect.gather [hbm4b:s2+s5], $0x80, s3, s5, $0xb8;
	[tilespmem:$0x18300] =	vst v63  }
0x24: {  	s10 =	rddreg [dreg:$0x5]  }
0x25: {  	[tilespmem:s5], [sflag:$0x3] =	stream.linear.gather [hbm4b:s10+s3], $0x180, $0x38;
	[tilespmem:$0x18300] =	vst v63  }
0x26: {  	_ =	swait.ge [sflag:s4], $0x180  }
0x27: {  	[sflag:s4] =	ssyncset.done $0x0  }
0x28: {  	s8 =	simm.s32 $0x1;
	s7 =	simm.s32 $0xC300;
	[sflag:s4] =	ssyncadd.s32 $0xFFFFFE80  }
0x29: {  	[tilespmem:s7], [sflag:$0x2] =	stream.indirect.gather [hbm4b:s2+s5], $0x80, s5, s5, $0xb8;
	[tilespmem:$0x18300] =	vst v63  }
0x2a: {  	_ =	swait.ge [sflag:s8], $0xC000  }
0x2b: {  	[sflag:s8] =	ssyncset.done $0x0  }
0x2c: {  	s9 =	rddreg [dreg:$0x6];
	[sflag:s8] =	ssyncadd.s32 $0xFFFF4000  }
0x2d: {  	[hbm4b:s9+s3] =	stream.linear.scatter [tilespmem:s6], [sflag:$0x3], $0xC000, $0x38;
	[tilespmem:$0x18300] =	vst v63  }
0x2e: {  	_ =	swait.ge [sflag:s4], $0xC000  }
0x2f: {  	[sflag:s4] =	ssyncset.done $0x0  }
0x30: {  	s12 =	rddreg [dreg:$0x7];
	[sflag:s4] =	ssyncadd.s32 $0xFFFF4000  }
0x31: {  	[tilespmem:s3], [sflag:$0x3] =	stream.linear.gather [hbm4b:s12+s3], $0x180, $0x38;
	[tilespmem:$0x18300] =	vst v63  }
0x32: {  	_ =	swait.ge [sflag:s4], $0x180  }
0x33: {  	[sflag:s4] =	ssyncset.done $0x0  }
0x34: {  	s9 =	simm.s32 $0x2;
	[sflag:s4] =	ssyncadd.s32 $0xFFFFFE80  }
0x35: {  	[tilespmem:s6], [sflag:$0x1] =	stream.indirect.gather [hbm4b:s2+s5], $0x80, s3, s5, $0xb8;
	[tilespmem:$0x18300] =	vst v63  }
0x36: {  	_ =	swait.ge [sflag:s9], $0xC000  }
0x37: {  	[sflag:s9] =	ssyncset.done $0x0  }
0x38: {  	s10 =	rddreg [dreg:$0x8];
	[sflag:s9] =	ssyncadd.s32 $0xFFFF4000  }
0x39: {  	[hbm4b:s10+s3] =	stream.linear.scatter [tilespmem:s7], [sflag:$0x3], $0xC000, $0x38;
	[tilespmem:$0x18300] =	vst v63  }
0x3a: {  	_ =	swait.ge [sflag:s4], $0xC000  }
0x3b: {  	[sflag:s4] =	ssyncset.done $0x0  }
0x3c: {  	s13 =	rddreg [dreg:$0x9];
	[sflag:s4] =	ssyncadd.s32 $0xFFFF4000  }
0x3d: {  	[tilespmem:s5], [sflag:$0x3] =	stream.linear.gather [hbm4b:s13+s3], $0x180, $0x38;
	[tilespmem:$0x18300] =	vst v63  }
0x3e: {  	_ =	swait.ge [sflag:s4], $0x180  }
0x3f: {  	[sflag:s4] =	ssyncset.done $0x0  }
0x40: {  	[sflag:s4] =	ssyncadd.s32 $0xFFFFFE80  }
0x41: {  	[tilespmem:s7], [sflag:$0x2] =	stream.indirect.gather [hbm4b:s2+s5], $0x80, s5, s5, $0xb8;
	[tilespmem:$0x18300] =	vst v63  }
0x42: {  	_ =	swait.ge [sflag:s8], $0xC000  }
0x43: {  	[sflag:s8] =	ssyncset.done $0x0  }
0x44: {  	s14 =	rddreg [dreg:$0xa];
	[sflag:s8] =	ssyncadd.s32 $0xFFFF4000  }
0x45: {  	[hbm4b:s14+s3] =	stream.linear.scatter [tilespmem:s6], [sflag:$0x3], $0xC000, $0x38;
	[tilespmem:$0x18300] =	vst v63  }
0x46: {  	_ =	swait.ge [sflag:s4], $0xC000  }
0x47: {  	[sflag:s4] =	ssyncset.done $0x0  }
0x48: {  	s15 =	rddreg [dreg:$0xb];
	[sflag:s4] =	ssyncadd.s32 $0xFFFF4000  }
0x49: {  	[tilespmem:s3], [sflag:$0x3] =	stream.linear.gather [hbm4b:s15+s3], $0x180, $0x38;
	[tilespmem:$0x18300] =	vst v63  }
0x4a: {  	_ =	swait.ge [sflag:s4], $0x180  }
0x4b: {  	[sflag:s4] =	ssyncset.done $0x0  }
0x4c: {  	[sflag:s4] =	ssyncadd.s32 $0xFFFFFE80  }
0x4d: {  	[tilespmem:s6], [sflag:$0x1] =	stream.indirect.gather [hbm4b:s2+s5], $0x80, s3, s5, $0xb8;
	[tilespmem:$0x18300] =	vst v63  }
0x4e: {  	_ =	swait.ge [sflag:s9], $0xC000  }
0x4f: {  	[sflag:s9] =	ssyncset.done $0x0  }
0x50: {  	s16 =	rddreg [dreg:$0xc];
	[sflag:s9] =	ssyncadd.s32 $0xFFFF4000  }
0x51: {  	[hbm4b:s16+s3] =	stream.linear.scatter [tilespmem:s7], [sflag:$0x3], $0xC000, $0x38;
	[tilespmem:$0x18300] =	vst v63  }
0x52: {  	_ =	swait.ge [sflag:s4], $0xC000  }
0x53: {  	[sflag:s4] =	ssyncset.done $0x0  }
0x54: {  	s17 =	rddreg [dreg:$0xd];
	[sflag:s4] =	ssyncadd.s32 $0xFFFF4000  }
0x55: {  	[tilespmem:s5], [sflag:$0x3] =	stream.linear.gather [hbm4b:s17+s3], $0x180, $0x38;
	[tilespmem:$0x18300] =	vst v63  }
0x56: {  	_ =	swait.ge [sflag:s4], $0x180  }
0x57: {  	[sflag:s4] =	ssyncset.done $0x0  }
0x58: {  	[sflag:s4] =	ssyncadd.s32 $0xFFFFFE80  }
0x59: {  	[tilespmem:s7], [sflag:$0x2] =	stream.indirect.gather [hbm4b:s2+s5], $0x80, s5, s5, $0xb8;
	[tilespmem:$0x18300] =	vst v63  }
0x5a: {  	_ =	swait.ge [sflag:s8], $0xC000  }
0x5b: {  	[sflag:s8] =	ssyncset.done $0x0  }
0x5c: {  	s18 =	rddreg [dreg:$0xe];
	[sflag:s8] =	ssyncadd.s32 $0xFFFF4000  }
0x5d: {  	[hbm4b:s18+s3] =	stream.linear.scatter [tilespmem:s6], [sflag:$0x3], $0xC000, $0x38;
	[tilespmem:$0x18300] =	vst v63  }
0x5e: {  	_ =	swait.ge [sflag:s4], $0xC000  }
0x5f: {  	[sflag:s4] =	ssyncset.done $0x0  }
0x60: {  	s19 =	rddreg [dreg:$0xf];
	[sflag:s4] =	ssyncadd.s32 $0xFFFF4000  }
0x61: {  	[tilespmem:s3], [sflag:$0x3] =	stream.linear.gather [hbm4b:s19+s3], $0x180, $0x38;
	[tilespmem:$0x18300] =	vst v63  }
0x62: {  	_ =	swait.ge [sflag:s4], $0x180  }
0x63: {  	[sflag:s4] =	ssyncset.done $0x0  }
0x64: {  	[sflag:s4] =	ssyncadd.s32 $0xFFFFFE80  }
0x65: {  	[tilespmem:s6], [sflag:$0x1] =	stream.indirect.gather [hbm4b:s2+s5], $0x80, s3, s5, $0xb8;
	[tilespmem:$0x18300] =	vst v63  }
0x66: {  	_ =	swait.ge [sflag:s9], $0xC000  }
0x67: {  	[sflag:s9] =	ssyncset.done $0x0  }
0x68: {  	s20 =	rddreg [dreg:$0x10];
	[sflag:s9] =	ssyncadd.s32 $0xFFFF4000  }
0x69: {  	[hbm4b:s20+s3] =	stream.linear.scatter [tilespmem:s7], [sflag:$0x3], $0xC000, $0x38;
	[tilespmem:$0x18300] =	vst v63  }
0x6a: {  	_ =	swait.ge [sflag:s4], $0xC000  }
0x6b: {  	[sflag:s4] =	ssyncset.done $0x0  }
0x6c: {  	s21 =	rddreg [dreg:$0x11];
	[sflag:s4] =	ssyncadd.s32 $0xFFFF4000  }
0x6d: {  	[tilespmem:s5], [sflag:$0x3] =	stream.linear.gather [hbm4b:s21+s3], $0x180, $0x38;
	[tilespmem:$0x18300] =	vst v63  }
0x6e: {  	_ =	swait.ge [sflag:s4], $0x180  }
0x6f: {  	[sflag:s4] =	ssyncset.done $0x0  }
0x70: {  	[sflag:s4] =	ssyncadd.s32 $0xFFFFFE80  }
0x71: {  	[tilespmem:s7], [sflag:$0x2] =	stream.indirect.gather [hbm4b:s2+s5], $0x80, s5, s5, $0xb8;
	[tilespmem:$0x18300] =	vst v63  }
0x72: {  	_ =	swait.ge [sflag:s8], $0xC000  }
0x73: {  	[sflag:s8] =	ssyncset.done $0x0  }
0x74: {  	s22 =	rddreg [dreg:$0x12];
	[sflag:s8] =	ssyncadd.s32 $0xFFFF4000  }
0x75: {  	[hbm4b:s22+s3] =	stream.linear.scatter [tilespmem:s6], [sflag:$0x3], $0xC000, $0x38;
	[tilespmem:$0x18300] =	vst v63  }
0x76: {  	_ =	swait.ge [sflag:s4], $0xC000  }
0x77: {  	[sflag:s4] =	ssyncset.done $0x0  }
0x78: {  	s23 =	rddreg [dreg:$0x13];
	[sflag:s4] =	ssyncadd.s32 $0xFFFF4000  }
0x79: {  	[tilespmem:s3], [sflag:$0x3] =	stream.linear.gather [hbm4b:s23+s3], $0x180, $0x38;
	[tilespmem:$0x18300] =	vst v63  }
0x7a: {  	_ =	swait.ge [sflag:s4], $0x180  }
0x7b: {  	[sflag:s4] =	ssyncset.done $0x0  }
0x7c: {  	[sflag:s4] =	ssyncadd.s32 $0xFFFFFE80  }
0x7d: {  	[tilespmem:s6], [sflag:$0x1] =	stream.indirect.gather [hbm4b:s2+s5], $0x80, s3, s5, $0xb8;
	[tilespmem:$0x18300] =	vst v63  }
0x7e: {  	_ =	swait.ge [sflag:s9], $0xC000  }
0x7f: {  	[sflag:s9] =	ssyncset.done $0x0  }
0x80: {  	s24 =	rddreg [dreg:$0x14];
	[sflag:s9] =	ssyncadd.s32 $0xFFFF4000  }
0x81: {  	[hbm4b:s24+s3] =	stream.linear.scatter [tilespmem:s7], [sflag:$0x3], $0xC000, $0x38;
	[tilespmem:$0x18300] =	vst v63  }
0x82: {  	_ =	swait.ge [sflag:s4], $0xC000  }
0x83: {  	[sflag:s4] =	ssyncset.done $0x0  }
0x84: {  	s25 =	rddreg [dreg:$0x15];
	[sflag:s4] =	ssyncadd.s32 $0xFFFF4000  }
0x85: {  	[tilespmem:s5], [sflag:$0x3] =	stream.linear.gather [hbm4b:s25+s3], $0x180, $0x38;
	[tilespmem:$0x18300] =	vst v63  }
0x86: {  	_ =	swait.ge [sflag:s4], $0x180  }
0x87: {  	[sflag:s4] =	ssyncset.done $0x0  }
0x88: {  	[sflag:s4] =	ssyncadd.s32 $0xFFFFFE80  }
0x89: {  	[tilespmem:s7], [sflag:$0x2] =	stream.indirect.gather [hbm4b:s2+s5], $0x80, s5, s5, $0xb8;
	[tilespmem:$0x18300] =	vst v63  }
0x8a: {  	_ =	swait.ge [sflag:s8], $0xC000  }
0x8b: {  	[sflag:s8] =	ssyncset.done $0x0  }
0x8c: {  	s26 =	rddreg [dreg:$0x16];
	[sflag:s8] =	ssyncadd.s32 $0xFFFF4000  }
0x8d: {  	[hbm4b:s26+s3] =	stream.linear.scatter [tilespmem:s6], [sflag:$0x3], $0xC000, $0x38;
	[tilespmem:$0x18300] =	vst v63  }
0x8e: {  	s13 =	sadd.s32 $0xF00, s30;
	_ =	swait.ge [sflag:s4], $0xC000  }
0x8f: {  	s0 =	sshrl.u32 s13, $0x3;
	[sflag:s4] =	ssyncset.done $0x0  }
0x90: {  	s10 =	sadd.s32 s29, s0;
	[sflag:s4] =	ssyncadd.s32 $0xFFFF4000  }
0x91: {  	[tilespmem:s3], [sflag:$0x3] =	stream.linear.gather [hbm4b:s10+s3], $0x180, $0x38;
	[tilespmem:$0x18300] =	vst v63  }
0x92: {  	_ =	swait.ge [sflag:s4], $0x180  }
0x93: {  	[sflag:s4] =	ssyncset.done $0x0  }
0x94: {  	[sflag:s4] =	ssyncadd.s32 $0xFFFFFE80  }
0x95: {  	[tilespmem:s6], [sflag:$0x1] =	stream.indirect.gather [hbm4b:s2+s5], $0x80, s3, s5, $0xb8;
	[tilespmem:$0x18300] =	vst v63  }
0x96: {  	_ =	swait.ge [sflag:s9], $0xC000  }
0x97: {  	s11 =	sshll.u32 s11, $0x4;
	[sflag:s9] =	ssyncset.done $0x0  }
0x98: {  	s11 =	sadd.s32 s31, s11;
	[sflag:s9] =	ssyncadd.s32 $0xFFFF4000  }
0x99: {  	[hbm4b:s11+s3] =	stream.linear.scatter [tilespmem:s7], [sflag:$0x3], $0xC000, $0x38;
	[tilespmem:$0x18300] =	vst v63  }
0x9a: {  	s15 =	sadd.s32 $0x1080, s30;
	_ =	swait.ge [sflag:s4], $0xC000  }
0x9b: {  	s12 =	sshrl.u32 s15, $0x3;
	[sflag:s4] =	ssyncset.done $0x0  }
0x9c: {  	s12 =	sadd.s32 s29, s12;
	[sflag:s4] =	ssyncadd.s32 $0xFFFF4000  }
0x9d: {  	[tilespmem:s5], [sflag:$0x3] =	stream.linear.gather [hbm4b:s12+s3], $0x180, $0x38;
	[tilespmem:$0x18300] =	vst v63  }
0x9e: {  	_ =	swait.ge [sflag:s4], $0x180  }
0x9f: {  	[sflag:s4] =	ssyncset.done $0x0  }
0xa0: {  	[sflag:s4] =	ssyncadd.s32 $0xFFFFFE80  }
0xa1: {  	[tilespmem:s7], [sflag:$0x2] =	stream.indirect.gather [hbm4b:s2+s5], $0x80, s5, s5, $0xb8;
	[tilespmem:$0x18300] =	vst v63  }
0xa2: {  	_ =	swait.ge [sflag:s8], $0xC000  }
0xa3: {  	s13 =	sshll.u32 s13, $0x4;
	[sflag:s8] =	ssyncset.done $0x0  }
0xa4: {  	s13 =	sadd.s32 s31, s13;
	[sflag:s8] =	ssyncadd.s32 $0xFFFF4000  }
0xa5: {  	[hbm4b:s13+s3] =	stream.linear.scatter [tilespmem:s6], [sflag:$0x3], $0xC000, $0x38;
	[tilespmem:$0x18300] =	vst v63  }
0xa6: {  	s17 =	sadd.s32 $0x1200, s30;
	_ =	swait.ge [sflag:s4], $0xC000  }
0xa7: {  	s14 =	sshrl.u32 s17, $0x3;
	[sflag:s4] =	ssyncset.done $0x0  }
0xa8: {  	s14 =	sadd.s32 s29, s14;
	[sflag:s4] =	ssyncadd.s32 $0xFFFF4000  }
0xa9: {  	[tilespmem:s3], [sflag:$0x3] =	stream.linear.gather [hbm4b:s14+s3], $0x180, $0x38;
	[tilespmem:$0x18300] =	vst v63  }
0xaa: {  	_ =	swait.ge [sflag:s4], $0x180  }
0xab: {  	[sflag:s4] =	ssyncset.done $0x0  }
0xac: {  	[sflag:s4] =	ssyncadd.s32 $0xFFFFFE80  }
0xad: {  	[tilespmem:s6], [sflag:$0x1] =	stream.indirect.gather [hbm4b:s2+s5], $0x80, s3, s5, $0xb8;
	[tilespmem:$0x18300] =	vst v63  }
0xae: {  	_ =	swait.ge [sflag:s9], $0xC000  }
0xaf: {  	s15 =	sshll.u32 s15, $0x4;
	[sflag:s9] =	ssyncset.done $0x0  }
0xb0: {  	s15 =	sadd.s32 s31, s15;
	[sflag:s9] =	ssyncadd.s32 $0xFFFF4000  }
0xb1: {  	[hbm4b:s15+s3] =	stream.linear.scatter [tilespmem:s7], [sflag:$0x3], $0xC000, $0x38;
	[tilespmem:$0x18300] =	vst v63  }
0xb2: {  	s19 =	sadd.s32 $0x1380, s30;
	_ =	swait.ge [sflag:s4], $0xC000  }
0xb3: {  	s16 =	sshrl.u32 s19, $0x3;
	[sflag:s4] =	ssyncset.done $0x0  }
0xb4: {  	s16 =	sadd.s32 s29, s16;
	[sflag:s4] =	ssyncadd.s32 $0xFFFF4000  }
0xb5: {  	[tilespmem:s5], [sflag:$0x3] =	stream.linear.gather [hbm4b:s16+s3], $0x180, $0x38;
	[tilespmem:$0x18300] =	vst v63  }
0xb6: {  	_ =	swait.ge [sflag:s4], $0x180  }
0xb7: {  	[sflag:s4] =	ssyncset.done $0x0  }
0xb8: {  	[sflag:s4] =	ssyncadd.s32 $0xFFFFFE80  }
0xb9: {  	[tilespmem:s7], [sflag:$0x2] =	stream.indirect.gather [hbm4b:s2+s5], $0x80, s5, s5, $0xb8;
	[tilespmem:$0x18300] =	vst v63  }
0xba: {  	_ =	swait.ge [sflag:s8], $0xC000  }
0xbb: {  	s17 =	sshll.u32 s17, $0x4;
	[sflag:s8] =	ssyncset.done $0x0  }
0xbc: {  	s17 =	sadd.s32 s31, s17;
	[sflag:s8] =	ssyncadd.s32 $0xFFFF4000  }
0xbd: {  	[hbm4b:s17+s3] =	stream.linear.scatter [tilespmem:s6], [sflag:$0x3], $0xC000, $0x38;
	[tilespmem:$0x18300] =	vst v63  }
0xbe: {  	s21 =	sadd.s32 $0x1500, s30;
	_ =	swait.ge [sflag:s4], $0xC000  }
0xbf: {  	s18 =	sshrl.u32 s21, $0x3;
	[sflag:s4] =	ssyncset.done $0x0  }
0xc0: {  	s18 =	sadd.s32 s29, s18;
	[sflag:s4] =	ssyncadd.s32 $0xFFFF4000  }
0xc1: {  	[tilespmem:s3], [sflag:$0x3] =	stream.linear.gather [hbm4b:s18+s3], $0x180, $0x38;
	[tilespmem:$0x18300] =	vst v63  }
0xc2: {  	_ =	swait.ge [sflag:s4], $0x180  }
0xc3: {  	[sflag:s4] =	ssyncset.done $0x0  }
0xc4: {  	[sflag:s4] =	ssyncadd.s32 $0xFFFFFE80  }
0xc5: {  	[tilespmem:s6], [sflag:$0x1] =	stream.indirect.gather [hbm4b:s2+s5], $0x80, s3, s5, $0xb8;
	[tilespmem:$0x18300] =	vst v63  }
0xc6: {  	_ =	swait.ge [sflag:s9], $0xC000  }
0xc7: {  	s19 =	sshll.u32 s19, $0x4;
	[sflag:s9] =	ssyncset.done $0x0  }
0xc8: {  	s19 =	sadd.s32 s31, s19;
	[sflag:s9] =	ssyncadd.s32 $0xFFFF4000  }
0xc9: {  	[hbm4b:s19+s3] =	stream.linear.scatter [tilespmem:s7], [sflag:$0x3], $0xC000, $0x38;
	[tilespmem:$0x18300] =	vst v63  }
0xca: {  	s23 =	sadd.s32 $0x1680, s30;
	_ =	swait.ge [sflag:s4], $0xC000  }
0xcb: {  	s20 =	sshrl.u32 s23, $0x3;
	[sflag:s4] =	ssyncset.done $0x0  }
0xcc: {  	s20 =	sadd.s32 s29, s20;
	[sflag:s4] =	ssyncadd.s32 $0xFFFF4000  }
0xcd: {  	[tilespmem:s5], [sflag:$0x3] =	stream.linear.gather [hbm4b:s20+s3], $0x180, $0x38;
	[tilespmem:$0x18300] =	vst v63  }
0xce: {  	_ =	swait.ge [sflag:s4], $0x180  }
0xcf: {  	[sflag:s4] =	ssyncset.done $0x0  }
0xd0: {  	[sflag:s4] =	ssyncadd.s32 $0xFFFFFE80  }
0xd1: {  	[tilespmem:s7], [sflag:$0x2] =	stream.indirect.gather [hbm4b:s2+s5], $0x80, s5, s5, $0xb8;
	[tilespmem:$0x18300] =	vst v63  }
0xd2: {  	_ =	swait.ge [sflag:s8], $0xC000  }
0xd3: {  	s21 =	sshll.u32 s21, $0x4;
	[sflag:s8] =	ssyncset.done $0x0  }
0xd4: {  	s21 =	sadd.s32 s31, s21;
	[sflag:s8] =	ssyncadd.s32 $0xFFFF4000  }
0xd5: {  	[hbm4b:s21+s3] =	stream.linear.scatter [tilespmem:s6], [sflag:$0x3], $0xC000, $0x38;
	[tilespmem:$0x18300] =	vst v63  }
0xd6: {  	s25 =	sadd.s32 $0x1800, s30;
	_ =	swait.ge [sflag:s4], $0xC000  }
0xd7: {  	s22 =	sshrl.u32 s25, $0x3;
	[sflag:s4] =	ssyncset.done $0x0  }
0xd8: {  	s22 =	sadd.s32 s29, s22;
	[sflag:s4] =	ssyncadd.s32 $0xFFFF4000  }
0xd9: {  	[tilespmem:s3], [sflag:$0x3] =	stream.linear.gather [hbm4b:s22+s3], $0x180, $0x38;
	[tilespmem:$0x18300] =	vst v63  }
0xda: {  	_ =	swait.ge [sflag:s4], $0x180  }
0xdb: {  	[sflag:s4] =	ssyncset.done $0x0  }
0xdc: {  	[sflag:s4] =	ssyncadd.s32 $0xFFFFFE80  }
0xdd: {  	[tilespmem:s6], [sflag:$0x1] =	stream.indirect.gather [hbm4b:s2+s5], $0x80, s3, s5, $0xb8;
	[tilespmem:$0x18300] =	vst v63  }
0xde: {  	_ =	swait.ge [sflag:s9], $0xC000  }
0xdf: {  	s23 =	sshll.u32 s23, $0x4;
	[sflag:s9] =	ssyncset.done $0x0  }
0xe0: {  	s23 =	sadd.s32 s31, s23;
	[sflag:s9] =	ssyncadd.s32 $0xFFFF4000  }
0xe1: {  	[hbm4b:s23+s3] =	stream.linear.scatter [tilespmem:s7], [sflag:$0x3], $0xC000, $0x38;
	[tilespmem:$0x18300] =	vst v63  }
0xe2: {  	s28 =	sadd.s32 $0x1980, s30;
	_ =	swait.ge [sflag:s4], $0xC000  }
0xe3: {  	s24 =	sshrl.u32 s28, $0x3;
	[sflag:s4] =	ssyncset.done $0x0  }
0xe4: {  	s24 =	sadd.s32 s29, s24;
	[sflag:s4] =	ssyncadd.s32 $0xFFFF4000  }
0xe5: {  	[tilespmem:s5], [sflag:$0x3] =	stream.linear.gather [hbm4b:s24+s3], $0x180, $0x38;
	[tilespmem:$0x18300] =	vst v63  }
0xe6: {  	_ =	swait.ge [sflag:s4], $0x180  }
0xe7: {  	[sflag:s4] =	ssyncset.done $0x0  }
0xe8: {  	[sflag:s4] =	ssyncadd.s32 $0xFFFFFE80  }
0xe9: {  	[tilespmem:s7], [sflag:$0x2] =	stream.indirect.gather [hbm4b:s2+s5], $0x80, s5, s5, $0xb8;
	[tilespmem:$0x18300] =	vst v63  }
0xea: {  	_ =	swait.ge [sflag:s8], $0xC000  }
0xeb: {  	s25 =	sshll.u32 s25, $0x4;
	[sflag:s8] =	ssyncset.done $0x0  }
0xec: {  	s25 =	sadd.s32 s31, s25;
	[sflag:s8] =	ssyncadd.s32 $0xFFFF4000  }
0xed: {  	[hbm4b:s25+s3] =	stream.linear.scatter [tilespmem:s6], [sflag:$0x3], $0xC000, $0x38;
	[tilespmem:$0x18300] =	vst v63  }
0xee: {  	s1 =	sadd.s32 $0x1B00, s30;
	_ =	swait.ge [sflag:s4], $0xC000  }
0xef: {  	s26 =	sshrl.u32 s1, $0x3;
	[sflag:s4] =	ssyncset.done $0x0  }
0xf0: {  	s26 =	sadd.s32 s29, s26;
	[sflag:s4] =	ssyncadd.s32 $0xFFFF4000  }
0xf1: {  	[tilespmem:s3], [sflag:$0x3] =	stream.linear.gather [hbm4b:s26+s3], $0x180, $0x38;
	[tilespmem:$0x18300] =	vst v63  }
0xf2: {  	_ =	swait.ge [sflag:s4], $0x180  }
0xf3: {  	[sflag:s4] =	ssyncset.done $0x0  }
0xf4: {  	[sflag:s4] =	ssyncadd.s32 $0xFFFFFE80  }
0xf5: {  	[tilespmem:s6], [sflag:$0x1] =	stream.indirect.gather [hbm4b:s2+s5], $0x80, s3, s5, $0xb8;
	[tilespmem:$0x18300] =	vst v63  }
0xf6: {  	_ =	swait.ge [sflag:s9], $0xC000  }
0xf7: {  	s28 =	sshll.u32 s28, $0x4;
	[sflag:s9] =	ssyncset.done $0x0  }
0xf8: {  	s28 =	sadd.s32 s31, s28;
	[dreg:$0x18] =	wrdreg s31;
	[sflag:s9] =	ssyncadd.s32 $0xFFFF4000  }
0xf9: {  	[hbm4b:s28+s3] =	stream.linear.scatter [tilespmem:s7], [sflag:$0x3], $0xC000, $0x38;
	[tilespmem:$0x18300] =	vst v63  }
0xfa: {  	s0 =	sadd.s32 $0x1C80, s30;
	_ =	swait.ge [sflag:s4], $0xC000  }
0xfb: {  	s30 =	sshrl.u32 s0, $0x3;
	[sflag:s4] =	ssyncset.done $0x0  }
0xfc: {  	s29 =	sadd.s32 s29, s30;
	[sflag:s4] =	ssyncadd.s32 $0xFFFF4000  }
0xfd: {  	[tilespmem:s5], [sflag:$0x3] =	stream.linear.gather [hbm4b:s29+s3], $0x180, $0x38;
	[tilespmem:$0x18300] =	vst v63  }
0xfe: {  	_ =	swait.ge [sflag:s4], $0x180  }
0xff: {  	[sflag:s4] =	ssyncset.done $0x0  }
0x100: {  	[sflag:s4] =	ssyncadd.s32 $0xFFFFFE80  }
0x101: {  	[tilespmem:s7], [sflag:$0x2] =	stream.indirect.gather [hbm4b:s2+s5], $0x80, s5, s5, $0xb8;
	[tilespmem:$0x18300] =	vst v63  }
0x102: {  	_ =	swait.ge [sflag:s8], $0xC000  }
0x103: {  	s1 =	sshll.u32 s1, $0x4;
	[sflag:s8] =	ssyncset.done $0x0  }
0x104: {  	s30 =	sadd.s32 s31, s1;
	[sflag:s8] =	ssyncadd.s32 $0xFFFF4000  }
0x105: {  	[hbm4b:s30+s3] =	stream.linear.scatter [tilespmem:s6], [sflag:$0x3], $0xC000, $0x38;
	[tilespmem:$0x18300] =	vst v63  }
0x106: {  	_ =	swait.ge [sflag:s4], $0xC000  }
0x107: {  	s1 =	rddreg [dreg:$0x17]  }
0x108: {  	s1 =	ssub.s32 $0x2, s1  }
0x109: {  	s31 =	sshrl.u32 s1, $0x1  }
0x10a: {  	s1 =	ssub.s32 s1, s31  }
0x10b: {  	[sflag:s4] =	ssyncset.done $0x0;
	s1 =	smax.u32 s1, $0x1  }
0x10c: {  	[sflag:s4] =	ssyncadd.s32 $0xFFFF4000;
	p0 =	sne.s32 s1, $0x1  }
.Ltmp0:
0x10d: {  	_ =	swait.ge [sflag:s9], $0xC000;
	(pc) =	sbr.rel @!p0 .LBB2_2-.Ltmp0, $4  }
0x10e: {  	s0 =	sshll.u32 s0, $0x4;
	[sflag:s9] =	ssyncset.done $0x0;
	s31 =	rddreg [dreg:$0x18]  }
0x10f: {  	s31 =	sadd.s32 s31, s0;
	[sflag:s9] =	ssyncadd.s32 $0xFFFF4000  }
0x110: {  	[hbm4b:s31+s3] =	stream.linear.scatter [tilespmem:s7], [sflag:$0x3], $0xC000, $0x38;
	[tilespmem:$0x18300] =	vst v63  }
0x111: {  	s1 =	sadd.s32 $0xFFFFFFFF, s1;
	_ =	swait.ge [sflag:s4], $0xC000  }
.LBB2_1:
0x112: {  	[sflag:s4] =	ssyncset.done $0x0  }
0x113: {  	s0 =	rddreg [dreg:$0x4];
	[sflag:s4] =	ssyncadd.s32 $0xFFFF4000  }
0x114: {  	[tilespmem:s3], [sflag:$0x3] =	stream.linear.gather [hbm4b:s0+s3], $0x180, $0x38;
	[tilespmem:$0x18300] =	vst v63  }
0x115: {  	_ =	swait.ge [sflag:s4], $0x180  }
0x116: {  	[sflag:s4] =	ssyncset.done $0x0  }
0x117: {  	[sflag:s4] =	ssyncadd.s32 $0xFFFFFE80  }
0x118: {  	[tilespmem:s6], [sflag:$0x1] =	stream.indirect.gather [hbm4b:s2+s5], $0x80, s3, s5, $0xb8;
	[tilespmem:$0x18300] =	vst v63  }
0x119: {  	s0 =	rddreg [dreg:$0x5]  }
0x11a: {  	[tilespmem:s5], [sflag:$0x3] =	stream.linear.gather [hbm4b:s0+s3], $0x180, $0x38;
	[tilespmem:$0x18300] =	vst v63  }
0x11b: {  	_ =	swait.ge [sflag:s4], $0x180  }
0x11c: {  	[sflag:s4] =	ssyncset.done $0x0  }
0x11d: {  	[sflag:s4] =	ssyncadd.s32 $0xFFFFFE80  }
0x11e: {  	[tilespmem:s7], [sflag:$0x2] =	stream.indirect.gather [hbm4b:s2+s5], $0x80, s5, s5, $0xb8;
	[tilespmem:$0x18300] =	vst v63  }
0x11f: {  	_ =	swait.ge [sflag:s8], $0xC000  }
0x120: {  	[sflag:s8] =	ssyncset.done $0x0  }
0x121: {  	s0 =	rddreg [dreg:$0x6];
	[sflag:s8] =	ssyncadd.s32 $0xFFFF4000  }
0x122: {  	[hbm4b:s0+s3] =	stream.linear.scatter [tilespmem:s6], [sflag:$0x3], $0xC000, $0x38;
	[tilespmem:$0x18300] =	vst v63  }
0x123: {  	_ =	swait.ge [sflag:s4], $0xC000  }
0x124: {  	[sflag:s4] =	ssyncset.done $0x0  }
0x125: {  	s0 =	rddreg [dreg:$0x7];
	[sflag:s4] =	ssyncadd.s32 $0xFFFF4000  }
0x126: {  	[tilespmem:s3], [sflag:$0x3] =	stream.linear.gather [hbm4b:s0+s3], $0x180, $0x38;
	[tilespmem:$0x18300] =	vst v63  }
0x127: {  	_ =	swait.ge [sflag:s4], $0x180  }
0x128: {  	[sflag:s4] =	ssyncset.done $0x0  }
0x129: {  	[sflag:s4] =	ssyncadd.s32 $0xFFFFFE80  }
0x12a: {  	[tilespmem:s6], [sflag:$0x1] =	stream.indirect.gather [hbm4b:s2+s5], $0x80, s3, s5, $0xb8;
	[tilespmem:$0x18300] =	vst v63  }
0x12b: {  	_ =	swait.ge [sflag:s9], $0xC000  }
0x12c: {  	[sflag:s9] =	ssyncset.done $0x0  }
0x12d: {  	s0 =	rddreg [dreg:$0x8];
	[sflag:s9] =	ssyncadd.s32 $0xFFFF4000  }
0x12e: {  	[hbm4b:s0+s3] =	stream.linear.scatter [tilespmem:s7], [sflag:$0x3], $0xC000, $0x38;
	[tilespmem:$0x18300] =	vst v63  }
0x12f: {  	_ =	swait.ge [sflag:s4], $0xC000  }
0x130: {  	[sflag:s4] =	ssyncset.done $0x0  }
0x131: {  	s0 =	rddreg [dreg:$0x9];
	[sflag:s4] =	ssyncadd.s32 $0xFFFF4000  }
0x132: {  	[tilespmem:s5], [sflag:$0x3] =	stream.linear.gather [hbm4b:s0+s3], $0x180, $0x38;
	[tilespmem:$0x18300] =	vst v63  }
0x133: {  	_ =	swait.ge [sflag:s4], $0x180  }
0x134: {  	[sflag:s4] =	ssyncset.done $0x0  }
0x135: {  	[sflag:s4] =	ssyncadd.s32 $0xFFFFFE80  }
0x136: {  	[tilespmem:s7], [sflag:$0x2] =	stream.indirect.gather [hbm4b:s2+s5], $0x80, s5, s5, $0xb8;
	[tilespmem:$0x18300] =	vst v63  }
0x137: {  	_ =	swait.ge [sflag:s8], $0xC000  }
0x138: {  	[sflag:s8] =	ssyncset.done $0x0  }
0x139: {  	s0 =	rddreg [dreg:$0xa];
	[sflag:s8] =	ssyncadd.s32 $0xFFFF4000  }
0x13a: {  	[hbm4b:s0+s3] =	stream.linear.scatter [tilespmem:s6], [sflag:$0x3], $0xC000, $0x38;
	[tilespmem:$0x18300] =	vst v63  }
0x13b: {  	_ =	swait.ge [sflag:s4], $0xC000  }
0x13c: {  	[sflag:s4] =	ssyncset.done $0x0  }
0x13d: {  	s0 =	rddreg [dreg:$0xb];
	[sflag:s4] =	ssyncadd.s32 $0xFFFF4000  }
0x13e: {  	[tilespmem:s3], [sflag:$0x3] =	stream.linear.gather [hbm4b:s0+s3], $0x180, $0x38;
	[tilespmem:$0x18300] =	vst v63  }
0x13f: {  	_ =	swait.ge [sflag:s4], $0x180  }
0x140: {  	[sflag:s4] =	ssyncset.done $0x0  }
0x141: {  	[sflag:s4] =	ssyncadd.s32 $0xFFFFFE80  }
0x142: {  	[tilespmem:s6], [sflag:$0x1] =	stream.indirect.gather [hbm4b:s2+s5], $0x80, s3, s5, $0xb8;
	[tilespmem:$0x18300] =	vst v63  }
0x143: {  	_ =	swait.ge [sflag:s9], $0xC000  }
0x144: {  	[sflag:s9] =	ssyncset.done $0x0  }
0x145: {  	s0 =	rddreg [dreg:$0xc];
	[sflag:s9] =	ssyncadd.s32 $0xFFFF4000  }
0x146: {  	[hbm4b:s0+s3] =	stream.linear.scatter [tilespmem:s7], [sflag:$0x3], $0xC000, $0x38;
	[tilespmem:$0x18300] =	vst v63  }
0x147: {  	_ =	swait.ge [sflag:s4], $0xC000  }
0x148: {  	[sflag:s4] =	ssyncset.done $0x0  }
0x149: {  	s0 =	rddreg [dreg:$0xd];
	[sflag:s4] =	ssyncadd.s32 $0xFFFF4000  }
0x14a: {  	[tilespmem:s5], [sflag:$0x3] =	stream.linear.gather [hbm4b:s0+s3], $0x180, $0x38;
	[tilespmem:$0x18300] =	vst v63  }
0x14b: {  	_ =	swait.ge [sflag:s4], $0x180  }
0x14c: {  	[sflag:s4] =	ssyncset.done $0x0  }
0x14d: {  	[sflag:s4] =	ssyncadd.s32 $0xFFFFFE80  }
0x14e: {  	[tilespmem:s7], [sflag:$0x2] =	stream.indirect.gather [hbm4b:s2+s5], $0x80, s5, s5, $0xb8;
	[tilespmem:$0x18300] =	vst v63  }
0x14f: {  	_ =	swait.ge [sflag:s8], $0xC000  }
0x150: {  	[sflag:s8] =	ssyncset.done $0x0  }
0x151: {  	s0 =	rddreg [dreg:$0xe];
	[sflag:s8] =	ssyncadd.s32 $0xFFFF4000  }
0x152: {  	[hbm4b:s0+s3] =	stream.linear.scatter [tilespmem:s6], [sflag:$0x3], $0xC000, $0x38;
	[tilespmem:$0x18300] =	vst v63  }
0x153: {  	_ =	swait.ge [sflag:s4], $0xC000  }
0x154: {  	[sflag:s4] =	ssyncset.done $0x0  }
0x155: {  	s0 =	rddreg [dreg:$0xf];
	[sflag:s4] =	ssyncadd.s32 $0xFFFF4000  }
0x156: {  	[tilespmem:s3], [sflag:$0x3] =	stream.linear.gather [hbm4b:s0+s3], $0x180, $0x38;
	[tilespmem:$0x18300] =	vst v63  }
0x157: {  	_ =	swait.ge [sflag:s4], $0x180  }
0x158: {  	[sflag:s4] =	ssyncset.done $0x0  }
0x159: {  	[sflag:s4] =	ssyncadd.s32 $0xFFFFFE80  }
0x15a: {  	[tilespmem:s6], [sflag:$0x1] =	stream.indirect.gather [hbm4b:s2+s5], $0x80, s3, s5, $0xb8;
	[tilespmem:$0x18300] =	vst v63  }
0x15b: {  	_ =	swait.ge [sflag:s9], $0xC000  }
0x15c: {  	[sflag:s9] =	ssyncset.done $0x0  }
0x15d: {  	s0 =	rddreg [dreg:$0x10];
	[sflag:s9] =	ssyncadd.s32 $0xFFFF4000  }
0x15e: {  	[hbm4b:s0+s3] =	stream.linear.scatter [tilespmem:s7], [sflag:$0x3], $0xC000, $0x38;
	[tilespmem:$0x18300] =	vst v63  }
0x15f: {  	_ =	swait.ge [sflag:s4], $0xC000  }
0x160: {  	[sflag:s4] =	ssyncset.done $0x0  }
0x161: {  	s0 =	rddreg [dreg:$0x11];
	[sflag:s4] =	ssyncadd.s32 $0xFFFF4000  }
0x162: {  	[tilespmem:s5], [sflag:$0x3] =	stream.linear.gather [hbm4b:s0+s3], $0x180, $0x38;
	[tilespmem:$0x18300] =	vst v63  }
0x163: {  	_ =	swait.ge [sflag:s4], $0x180  }
0x164: {  	[sflag:s4] =	ssyncset.done $0x0  }
0x165: {  	[sflag:s4] =	ssyncadd.s32 $0xFFFFFE80  }
0x166: {  	[tilespmem:s7], [sflag:$0x2] =	stream.indirect.gather [hbm4b:s2+s5], $0x80, s5, s5, $0xb8;
	[tilespmem:$0x18300] =	vst v63  }
0x167: {  	_ =	swait.ge [sflag:s8], $0xC000  }
0x168: {  	[sflag:s8] =	ssyncset.done $0x0  }
0x169: {  	s0 =	rddreg [dreg:$0x12];
	[sflag:s8] =	ssyncadd.s32 $0xFFFF4000  }
0x16a: {  	[hbm4b:s0+s3] =	stream.linear.scatter [tilespmem:s6], [sflag:$0x3], $0xC000, $0x38;
	[tilespmem:$0x18300] =	vst v63  }
0x16b: {  	_ =	swait.ge [sflag:s4], $0xC000  }
0x16c: {  	[sflag:s4] =	ssyncset.done $0x0  }
0x16d: {  	s0 =	rddreg [dreg:$0x13];
	[sflag:s4] =	ssyncadd.s32 $0xFFFF4000  }
0x16e: {  	[tilespmem:s3], [sflag:$0x3] =	stream.linear.gather [hbm4b:s0+s3], $0x180, $0x38;
	[tilespmem:$0x18300] =	vst v63  }
0x16f: {  	_ =	swait.ge [sflag:s4], $0x180  }
0x170: {  	[sflag:s4] =	ssyncset.done $0x0  }
0x171: {  	[sflag:s4] =	ssyncadd.s32 $0xFFFFFE80  }
0x172: {  	[tilespmem:s6], [sflag:$0x1] =	stream.indirect.gather [hbm4b:s2+s5], $0x80, s3, s5, $0xb8;
	[tilespmem:$0x18300] =	vst v63  }
0x173: {  	_ =	swait.ge [sflag:s9], $0xC000  }
0x174: {  	[sflag:s9] =	ssyncset.done $0x0  }
0x175: {  	s0 =	rddreg [dreg:$0x14];
	[sflag:s9] =	ssyncadd.s32 $0xFFFF4000  }
0x176: {  	[hbm4b:s0+s3] =	stream.linear.scatter [tilespmem:s7], [sflag:$0x3], $0xC000, $0x38;
	[tilespmem:$0x18300] =	vst v63  }
0x177: {  	_ =	swait.ge [sflag:s4], $0xC000  }
0x178: {  	[sflag:s4] =	ssyncset.done $0x0  }
0x179: {  	s0 =	rddreg [dreg:$0x15];
	[sflag:s4] =	ssyncadd.s32 $0xFFFF4000  }
0x17a: {  	[tilespmem:s5], [sflag:$0x3] =	stream.linear.gather [hbm4b:s0+s3], $0x180, $0x38;
	[tilespmem:$0x18300] =	vst v63  }
0x17b: {  	_ =	swait.ge [sflag:s4], $0x180  }
0x17c: {  	[sflag:s4] =	ssyncset.done $0x0  }
0x17d: {  	[sflag:s4] =	ssyncadd.s32 $0xFFFFFE80  }
0x17e: {  	[tilespmem:s7], [sflag:$0x2] =	stream.indirect.gather [hbm4b:s2+s5], $0x80, s5, s5, $0xb8;
	[tilespmem:$0x18300] =	vst v63  }
0x17f: {  	_ =	swait.ge [sflag:s8], $0xC000  }
0x180: {  	[sflag:s8] =	ssyncset.done $0x0  }
0x181: {  	s0 =	rddreg [dreg:$0x16];
	[sflag:s8] =	ssyncadd.s32 $0xFFFF4000  }
0x182: {  	[hbm4b:s0+s3] =	stream.linear.scatter [tilespmem:s6], [sflag:$0x3], $0xC000, $0x38;
	[tilespmem:$0x18300] =	vst v63  }
0x183: {  	_ =	swait.ge [sflag:s4], $0xC000  }
0x184: {  	[sflag:s4] =	ssyncset.done $0x0  }
0x185: {  	[sflag:s4] =	ssyncadd.s32 $0xFFFF4000  }
0x186: {  	[tilespmem:s3], [sflag:$0x3] =	stream.linear.gather [hbm4b:s10+s3], $0x180, $0x38;
	[tilespmem:$0x18300] =	vst v63  }
0x187: {  	_ =	swait.ge [sflag:s4], $0x180  }
0x188: {  	[sflag:s4] =	ssyncset.done $0x0  }
0x189: {  	[sflag:s4] =	ssyncadd.s32 $0xFFFFFE80  }
0x18a: {  	[tilespmem:s6], [sflag:$0x1] =	stream.indirect.gather [hbm4b:s2+s5], $0x80, s3, s5, $0xb8;
	[tilespmem:$0x18300] =	vst v63  }
0x18b: {  	_ =	swait.ge [sflag:s9], $0xC000  }
0x18c: {  	[sflag:s9] =	ssyncset.done $0x0  }
0x18d: {  	[sflag:s9] =	ssyncadd.s32 $0xFFFF4000  }
0x18e: {  	[hbm4b:s11+s3] =	stream.linear.scatter [tilespmem:s7], [sflag:$0x3], $0xC000, $0x38;
	[tilespmem:$0x18300] =	vst v63  }
0x18f: {  	_ =	swait.ge [sflag:s4], $0xC000  }
0x190: {  	[sflag:s4] =	ssyncset.done $0x0  }
0x191: {  	[sflag:s4] =	ssyncadd.s32 $0xFFFF4000  }
0x192: {  	[tilespmem:s5], [sflag:$0x3] =	stream.linear.gather [hbm4b:s12+s3], $0x180, $0x38;
	[tilespmem:$0x18300] =	vst v63  }
0x193: {  	_ =	swait.ge [sflag:s4], $0x180  }
0x194: {  	[sflag:s4] =	ssyncset.done $0x0  }
0x195: {  	[sflag:s4] =	ssyncadd.s32 $0xFFFFFE80  }
0x196: {  	[tilespmem:s7], [sflag:$0x2] =	stream.indirect.gather [hbm4b:s2+s5], $0x80, s5, s5, $0xb8;
	[tilespmem:$0x18300] =	vst v63  }
0x197: {  	_ =	swait.ge [sflag:s8], $0xC000  }
0x198: {  	[sflag:s8] =	ssyncset.done $0x0  }
0x199: {  	[sflag:s8] =	ssyncadd.s32 $0xFFFF4000  }
0x19a: {  	[hbm4b:s13+s3] =	stream.linear.scatter [tilespmem:s6], [sflag:$0x3], $0xC000, $0x38;
	[tilespmem:$0x18300] =	vst v63  }
0x19b: {  	_ =	swait.ge [sflag:s4], $0xC000  }
0x19c: {  	[sflag:s4] =	ssyncset.done $0x0  }
0x19d: {  	[sflag:s4] =	ssyncadd.s32 $0xFFFF4000  }
0x19e: {  	[tilespmem:s3], [sflag:$0x3] =	stream.linear.gather [hbm4b:s14+s3], $0x180, $0x38;
	[tilespmem:$0x18300] =	vst v63  }
0x19f: {  	_ =	swait.ge [sflag:s4], $0x180  }
0x1a0: {  	[sflag:s4] =	ssyncset.done $0x0  }
0x1a1: {  	[sflag:s4] =	ssyncadd.s32 $0xFFFFFE80  }
0x1a2: {  	[tilespmem:s6], [sflag:$0x1] =	stream.indirect.gather [hbm4b:s2+s5], $0x80, s3, s5, $0xb8;
	[tilespmem:$0x18300] =	vst v63  }
0x1a3: {  	_ =	swait.ge [sflag:s9], $0xC000  }
0x1a4: {  	[sflag:s9] =	ssyncset.done $0x0  }
0x1a5: {  	[sflag:s9] =	ssyncadd.s32 $0xFFFF4000  }
0x1a6: {  	[hbm4b:s15+s3] =	stream.linear.scatter [tilespmem:s7], [sflag:$0x3], $0xC000, $0x38;
	[tilespmem:$0x18300] =	vst v63  }
0x1a7: {  	_ =	swait.ge [sflag:s4], $0xC000  }
0x1a8: {  	[sflag:s4] =	ssyncset.done $0x0  }
0x1a9: {  	[sflag:s4] =	ssyncadd.s32 $0xFFFF4000  }
0x1aa: {  	[tilespmem:s5], [sflag:$0x3] =	stream.linear.gather [hbm4b:s16+s3], $0x180, $0x38;
	[tilespmem:$0x18300] =	vst v63  }
0x1ab: {  	_ =	swait.ge [sflag:s4], $0x180  }
0x1ac: {  	[sflag:s4] =	ssyncset.done $0x0  }
0x1ad: {  	[sflag:s4] =	ssyncadd.s32 $0xFFFFFE80  }
0x1ae: {  	[tilespmem:s7], [sflag:$0x2] =	stream.indirect.gather [hbm4b:s2+s5], $0x80, s5, s5, $0xb8;
	[tilespmem:$0x18300] =	vst v63  }
0x1af: {  	_ =	swait.ge [sflag:s8], $0xC000  }
0x1b0: {  	[sflag:s8] =	ssyncset.done $0x0  }
0x1b1: {  	[sflag:s8] =	ssyncadd.s32 $0xFFFF4000  }
0x1b2: {  	[hbm4b:s17+s3] =	stream.linear.scatter [tilespmem:s6], [sflag:$0x3], $0xC000, $0x38;
	[tilespmem:$0x18300] =	vst v63  }
0x1b3: {  	_ =	swait.ge [sflag:s4], $0xC000  }
0x1b4: {  	[sflag:s4] =	ssyncset.done $0x0  }
0x1b5: {  	[sflag:s4] =	ssyncadd.s32 $0xFFFF4000  }
0x1b6: {  	[tilespmem:s3], [sflag:$0x3] =	stream.linear.gather [hbm4b:s18+s3], $0x180, $0x38;
	[tilespmem:$0x18300] =	vst v63  }
0x1b7: {  	_ =	swait.ge [sflag:s4], $0x180  }
0x1b8: {  	[sflag:s4] =	ssyncset.done $0x0  }
0x1b9: {  	[sflag:s4] =	ssyncadd.s32 $0xFFFFFE80  }
0x1ba: {  	[tilespmem:s6], [sflag:$0x1] =	stream.indirect.gather [hbm4b:s2+s5], $0x80, s3, s5, $0xb8;
	[tilespmem:$0x18300] =	vst v63  }
0x1bb: {  	_ =	swait.ge [sflag:s9], $0xC000  }
0x1bc: {  	[sflag:s9] =	ssyncset.done $0x0  }
0x1bd: {  	[sflag:s9] =	ssyncadd.s32 $0xFFFF4000  }
0x1be: {  	[hbm4b:s19+s3] =	stream.linear.scatter [tilespmem:s7], [sflag:$0x3], $0xC000, $0x38;
	[tilespmem:$0x18300] =	vst v63  }
0x1bf: {  	_ =	swait.ge [sflag:s4], $0xC000  }
0x1c0: {  	[sflag:s4] =	ssyncset.done $0x0  }
0x1c1: {  	[sflag:s4] =	ssyncadd.s32 $0xFFFF4000  }
0x1c2: {  	[tilespmem:s5], [sflag:$0x3] =	stream.linear.gather [hbm4b:s20+s3], $0x180, $0x38;
	[tilespmem:$0x18300] =	vst v63  }
0x1c3: {  	_ =	swait.ge [sflag:s4], $0x180  }
0x1c4: {  	[sflag:s4] =	ssyncset.done $0x0  }
0x1c5: {  	[sflag:s4] =	ssyncadd.s32 $0xFFFFFE80  }
0x1c6: {  	[tilespmem:s7], [sflag:$0x2] =	stream.indirect.gather [hbm4b:s2+s5], $0x80, s5, s5, $0xb8;
	[tilespmem:$0x18300] =	vst v63  }
0x1c7: {  	_ =	swait.ge [sflag:s8], $0xC000  }
0x1c8: {  	[sflag:s8] =	ssyncset.done $0x0  }
0x1c9: {  	[sflag:s8] =	ssyncadd.s32 $0xFFFF4000  }
0x1ca: {  	[hbm4b:s21+s3] =	stream.linear.scatter [tilespmem:s6], [sflag:$0x3], $0xC000, $0x38;
	[tilespmem:$0x18300] =	vst v63  }
0x1cb: {  	_ =	swait.ge [sflag:s4], $0xC000  }
0x1cc: {  	[sflag:s4] =	ssyncset.done $0x0  }
0x1cd: {  	[sflag:s4] =	ssyncadd.s32 $0xFFFF4000  }
0x1ce: {  	[tilespmem:s3], [sflag:$0x3] =	stream.linear.gather [hbm4b:s22+s3], $0x180, $0x38;
	[tilespmem:$0x18300] =	vst v63  }
0x1cf: {  	_ =	swait.ge [sflag:s4], $0x180  }
0x1d0: {  	[sflag:s4] =	ssyncset.done $0x0  }
0x1d1: {  	[sflag:s4] =	ssyncadd.s32 $0xFFFFFE80  }
0x1d2: {  	[tilespmem:s6], [sflag:$0x1] =	stream.indirect.gather [hbm4b:s2+s5], $0x80, s3, s5, $0xb8;
	[tilespmem:$0x18300] =	vst v63  }
0x1d3: {  	_ =	swait.ge [sflag:s9], $0xC000  }
0x1d4: {  	[sflag:s9] =	ssyncset.done $0x0  }
0x1d5: {  	[sflag:s9] =	ssyncadd.s32 $0xFFFF4000  }
0x1d6: {  	[hbm4b:s23+s3] =	stream.linear.scatter [tilespmem:s7], [sflag:$0x3], $0xC000, $0x38;
	[tilespmem:$0x18300] =	vst v63  }
0x1d7: {  	_ =	swait.ge [sflag:s4], $0xC000  }
0x1d8: {  	[sflag:s4] =	ssyncset.done $0x0  }
0x1d9: {  	[sflag:s4] =	ssyncadd.s32 $0xFFFF4000  }
0x1da: {  	[tilespmem:s5], [sflag:$0x3] =	stream.linear.gather [hbm4b:s24+s3], $0x180, $0x38;
	[tilespmem:$0x18300] =	vst v63  }
0x1db: {  	_ =	swait.ge [sflag:s4], $0x180  }
0x1dc: {  	[sflag:s4] =	ssyncset.done $0x0  }
0x1dd: {  	[sflag:s4] =	ssyncadd.s32 $0xFFFFFE80  }
0x1de: {  	[tilespmem:s7], [sflag:$0x2] =	stream.indirect.gather [hbm4b:s2+s5], $0x80, s5, s5, $0xb8;
	[tilespmem:$0x18300] =	vst v63  }
0x1df: {  	_ =	swait.ge [sflag:s8], $0xC000  }
0x1e0: {  	[sflag:s8] =	ssyncset.done $0x0  }
0x1e1: {  	[sflag:s8] =	ssyncadd.s32 $0xFFFF4000  }
0x1e2: {  	[hbm4b:s25+s3] =	stream.linear.scatter [tilespmem:s6], [sflag:$0x3], $0xC000, $0x38;
	[tilespmem:$0x18300] =	vst v63  }
0x1e3: {  	_ =	swait.ge [sflag:s4], $0xC000  }
0x1e4: {  	[sflag:s4] =	ssyncset.done $0x0  }
0x1e5: {  	[sflag:s4] =	ssyncadd.s32 $0xFFFF4000  }
0x1e6: {  	[tilespmem:s3], [sflag:$0x3] =	stream.linear.gather [hbm4b:s26+s3], $0x180, $0x38;
	[tilespmem:$0x18300] =	vst v63  }
0x1e7: {  	_ =	swait.ge [sflag:s4], $0x180  }
0x1e8: {  	[sflag:s4] =	ssyncset.done $0x0  }
0x1e9: {  	[sflag:s4] =	ssyncadd.s32 $0xFFFFFE80  }
0x1ea: {  	[tilespmem:s6], [sflag:$0x1] =	stream.indirect.gather [hbm4b:s2+s5], $0x80, s3, s5, $0xb8;
	[tilespmem:$0x18300] =	vst v63  }
0x1eb: {  	_ =	swait.ge [sflag:s9], $0xC000  }
0x1ec: {  	[sflag:s9] =	ssyncset.done $0x0  }
0x1ed: {  	[sflag:s9] =	ssyncadd.s32 $0xFFFF4000  }
0x1ee: {  	[hbm4b:s28+s3] =	stream.linear.scatter [tilespmem:s7], [sflag:$0x3], $0xC000, $0x38;
	[tilespmem:$0x18300] =	vst v63  }
0x1ef: {  	_ =	swait.ge [sflag:s4], $0xC000  }
0x1f0: {  	[sflag:s4] =	ssyncset.done $0x0  }
0x1f1: {  	[sflag:s4] =	ssyncadd.s32 $0xFFFF4000  }
0x1f2: {  	[tilespmem:s5], [sflag:$0x3] =	stream.linear.gather [hbm4b:s29+s3], $0x180, $0x38;
	[tilespmem:$0x18300] =	vst v63  }
0x1f3: {  	_ =	swait.ge [sflag:s4], $0x180  }
0x1f4: {  	[sflag:s4] =	ssyncset.done $0x0  }
0x1f5: {  	[sflag:s4] =	ssyncadd.s32 $0xFFFFFE80  }
0x1f6: {  	[tilespmem:s7], [sflag:$0x2] =	stream.indirect.gather [hbm4b:s2+s5], $0x80, s5, s5, $0xb8;
	[tilespmem:$0x18300] =	vst v63  }
0x1f7: {  	_ =	swait.ge [sflag:s8], $0xC000  }
0x1f8: {  	[sflag:s8] =	ssyncset.done $0x0  }
0x1f9: {  	[sflag:s8] =	ssyncadd.s32 $0xFFFF4000  }
0x1fa: {  	[hbm4b:s30+s3] =	stream.linear.scatter [tilespmem:s6], [sflag:$0x3], $0xC000, $0x38;
	[tilespmem:$0x18300] =	vst v63  }
0x1fb: {  	_ =	swait.ge [sflag:s4], $0xC000  }
0x1fc: {  	[sflag:s4] =	ssyncset.done $0x0  }
0x1fd: {  	p0 =	sne.s32 s1, $0x1;
	[sflag:s4] =	ssyncadd.s32 $0xFFFF4000  }
.Ltmp1:
0x1fe: {  	_ =	swait.ge [sflag:s9], $0xC000;
	(pc) =	sbr.rel @p0 .LBB2_1-.Ltmp1, $4  }
0x1ff: {  	[sflag:s9] =	ssyncset.done $0x0  }
0x200: {  	[sflag:s9] =	ssyncadd.s32 $0xFFFF4000  }
0x201: {  	[hbm4b:s31+s3] =	stream.linear.scatter [tilespmem:s7], [sflag:$0x3], $0xC000, $0x38;
	[tilespmem:$0x18300] =	vst v63  }
0x202: {  	s1 =	sadd.s32 $0xFFFFFFFF, s1;
	_ =	swait.ge [sflag:s4], $0xC000  }
.LBB2_2:
0x203: {  	[sflag:s4] =	ssyncset.done $0x0  }
0x204: {  	[sflag:s4] =	ssyncadd.s32 $0xFFFF4000  }
0x205: {  	_ =	sfence.sel $0x180000  }
0x206: {  	[bflag:$0x0] =	sbarrier.arrive $0xFFFF  }
0x207: {  	_ =	strace $0x9000004A  }
0x208: {  	s0 =	stileid.u32;
	[bflag:$0x2] =	sbarrier.arrive $0xFFFF  }
0x209: {  	p0 =	sne.s32 s0, $0x0;
	s0 =	rddreg [dreg:$0x3]  }
0x20a: {  	s0 =	sadd.s32 @!p0 $0x100000, s0  }
0x20b: {  	[sflag:s0] =	ssyncadd.tile.s32 @!p0 $0x1;
	_ =	shalt  }
.Lfunc_end2:
_tile_overlayer_lowered:
.L_overlay_start_2:
0x20c: {  	(tag) =	ssettag $0x2  }
0x20d: {  	s0 =	rddreg [dreg:$0x0];
	s2 =	stileid.u32  }
0x20e: {  	s1 =	rddreg [dreg:$0x1];
	p0 =	sne.s32 s2, $0x0  }
0x20f: {  	s3 =	rddreg [dreg:$0x2];
	[bflag:$0x3] =	sbarrier.arrive $0xFFFF;
	s2 =	simm.s32 @!p0 $0x1C03  }
0x210: {  	[timem:s3], [sflag:s2] =	dma.local @!p0 [hbm:s0], s1  }
0x211: {  	s0 =	simm.s32 @!p0 $0x3  }
0x212: {  	_ =	swait.ge @!p0 [sflag:s0], s1  }
0x213: {  	s1 =	ssub.s32 @!p0 $0x0, s1;
	[sflag:s0] =	ssyncset.done @!p0 $0x0  }
0x214: {  	[sflag:s0] =	ssyncadd.s32 @!p0 s1  }
0x215: {  	[bflag:$0x3] =	sbarrier.arrive $0xFFFF  }
0x216: {  	_ =	shalt  }

</sc_bundles>
